<compile_context>
chip_gen: v7x
topology: tpu7x:2x2x1
jax: 0.10.2.dev20260603
libtpu: 0.0.44.dev20260713+nightly
codegen_flags: <defaults>
</compile_context>

<pallas_src>
import functools

import jax
import jax.numpy as jnp
from jax import lax
from jax.experimental import pallas as pl
from jax.experimental.pallas import tpu as pltpu
from jax.experimental.pallas import tpu_sc as plsc

N_IN = 100000
C = 128
K = 16
H = 32
N_OUT = 50000

NC = 2
NS = 16
NW = NC * NS

N_PER_W = 1600
N_PAD = NW * N_PER_W
CHUNK_OUT = 64
ROWS_PER_CHUNK = CHUNK_OUT * K
N_CHUNKS = N_PER_W // CHUNK_OUT
GATHER_SPLIT = 128


def _xw_body(x_ref, w_ref, o_ref):
    acc = jnp.dot(x_ref[0].astype(jnp.bfloat16), w_ref[...],
                  preferred_element_type=jnp.float32)
    half = acc.shape[1] // 2
    lo = jax.lax.bitcast_convert_type(
        acc[:, :half].astype(jnp.bfloat16).astype(jnp.float32), jnp.int32)
    hi = jax.lax.bitcast_convert_type(
        acc[:, half:].astype(jnp.bfloat16).astype(jnp.float32), jnp.int32)
    packed = jax.lax.shift_right_logical(lo, 16) | (hi & jnp.int32(-65536))
    o_ref[...] = packed.reshape(o_ref.shape)


def _gelu_exact(v):
    return 0.5 * v * (1.0 + lax.erf(v * (2.0 ** -0.5)))


def _mlp_body(s_ref, b0_ref, w1_ref, b1_ref, w2_ref, b2_ref, o_ref):
    h0 = _gelu_exact(s_ref[...] + b0_ref[...])
    h1 = jnp.dot(h0, w1_ref[...], preferred_element_type=jnp.float32) + b1_ref[...]
    h1 = _gelu_exact(h1)
    o_ref[...] = jnp.dot(h1, w2_ref[...],
                         preferred_element_type=jnp.float32) + b2_ref[...]


N_STREAMS = ROWS_PER_CHUNK // GATHER_SPLIT
N_PAIRS = (N_CHUNKS - 1) // 2


def _gather_sum_body(xw_hbm, conn_hbm, out_hbm, conn_v, idx_v, rows_v, acc_v,
                     sem_c0, sem_c1, sem_g0, sem_g1, sem_o0, sem_o1):
    wid = lax.axis_index("s") * NC + lax.axis_index("c")
    base_out = wid * N_PER_W
    kvec = lax.iota(jnp.int32, 16)
    sem_c, sem_g, sem_o = (sem_c0, sem_c1), (sem_g0, sem_g1), (sem_o0, sem_o1)

    def out0_of(c):
        return jnp.minimum(base_out + c * CHUNK_OUT, N_OUT - CHUNK_OUT)

    def fire_conn(c, b):
        pltpu.async_copy(conn_hbm.at[pl.ds(out0_of(c) * K, ROWS_PER_CHUNK)],
                         conn_v.at[b], sem_c[b])

    def wait_conn(b):
        pltpu.make_async_copy(conn_hbm.at[pl.ds(0, ROWS_PER_CHUNK)],
                              conn_v.at[b], sem_c[b]).wait()

    def idx_and_gather(b):
        def idx_body(j, carry):
            idx_v[b, pl.ds(j * K, K)] = conn_v[b, pl.ds(j * K, K)] * K + kvec
            return carry

        lax.fori_loop(0, CHUNK_OUT, idx_body, 0, unroll=4)
        for g in range(N_STREAMS):
            pltpu.async_copy(
                xw_hbm.at[idx_v.at[b, pl.ds(g * GATHER_SPLIT, GATHER_SPLIT)]],
                rows_v.at[b, pl.ds(g * GATHER_SPLIT, GATHER_SPLIT)],
                sem_g[b])

    def wait_gather(b):
        pltpu.make_async_copy(xw_hbm.at[pl.ds(0, ROWS_PER_CHUNK), :],
                              rows_v.at[b], sem_g[b]).wait()

    def wait_out(b):
        pltpu.make_async_copy(acc_v.at[b],
                              out_hbm.at[pl.ds(0, CHUNK_OUT // 4), :],
                              sem_o[b]).wait()

    def reduce_and_store(c, b):
        def out_body(j, carry):
            r0 = j * K
            a0 = None
            for r in range(K):
                words = plsc.bitcast(rows_v[b, r0 + r, :], jnp.bfloat16)
                a, bb = plsc.unpack(words, format=plsc.PackFormat.INTERLEAVED,
                                    preferred_element_type=jnp.float32)
                a0 = a if a0 is None else a0 + a
                b0_ = bb if r == 0 else b0_ + bb
            lane0 = (j % 4) * H
            acc_v[b, j // 4, pl.ds(lane0, 16)] = a0
            acc_v[b, j // 4, pl.ds(lane0 + 16, 16)] = b0_
            return carry

        lax.fori_loop(0, CHUNK_OUT, out_body, 0, unroll=2)
        pltpu.async_copy(
            acc_v.at[b],
            out_hbm.at[pl.ds(out0_of(c) // 4, CHUNK_OUT // 4), :],
            sem_o[b])

    fire_conn(0, 0)
    wait_conn(0)
    idx_and_gather(0)
    fire_conn(1, 1)

    def pair_body(t, carry):
        c0 = 2 * t
        wait_conn(1)
        idx_and_gather(1)
        fire_conn(c0 + 2, 0)
        wait_gather(0)

        @pl.when(t > 0)
        def _():
            wait_out(0)

        reduce_and_store(c0, 0)
        wait_conn(0)
        idx_and_gather(0)

        @pl.when(t < N_PAIRS - 1)
        def _():
            fire_conn(c0 + 3, 1)

        wait_gather(1)

        @pl.when(t > 0)
        def _():
            wait_out(1)

        reduce_and_store(c0 + 1, 1)
        return carry

    lax.fori_loop(0, N_PAIRS, pair_body, 0)

    wait_gather(0)
    wait_out(0)
    reduce_and_store(N_CHUNKS - 1, 0)
    wait_out(0)
    wait_out(1)


@functools.cache
def _gather_sum():
    return functools.partial(
        pl.kernel,
        out_type=jax.ShapeDtypeStruct((N_OUT * H // 128, 128), jnp.float32),
        mesh=plsc.VectorSubcoreMesh(core_axis_name="c", subcore_axis_name="s",
                                    num_cores=NC, num_subcores=NS),
        scratch_types=[
            pltpu.VMEM((2, ROWS_PER_CHUNK), jnp.int32),
            pltpu.VMEM((2, ROWS_PER_CHUNK), jnp.int32),
            pltpu.VMEM((2, ROWS_PER_CHUNK, H // 2), jnp.int32),
            pltpu.VMEM((2, CHUNK_OUT // 4, 128), jnp.float32),
            pltpu.SemaphoreType.DMA,
            pltpu.SemaphoreType.DMA,
            pltpu.SemaphoreType.DMA,
            pltpu.SemaphoreType.DMA,
            pltpu.SemaphoreType.DMA,
            pltpu.SemaphoreType.DMA,
        ],
        compiler_params=pltpu.CompilerParams(use_tc_tiling_on_sc=False,
                                             needs_layout_passes=False),
    )(_gather_sum_body)


def kernel(x, connection_indices, W0, b0, W1, b1, W2, b2):
    B = x.shape[0]

    w0r = W0.reshape(K, C, H).transpose(1, 0, 2)
    w0m = jnp.concatenate([w0r[:, :, :16], w0r[:, :, 16:]], axis=1)
    w0m = w0m.reshape(C, K * H).astype(jnp.bfloat16)

    blk = 10000
    xw = pl.pallas_call(
        _xw_body,
        grid=(N_IN // blk,),
        in_specs=[
            pl.BlockSpec((1, blk, C), lambda i: (0, i, 0)),
            pl.BlockSpec((C, K * H), lambda i: (0, 0)),
        ],
        out_specs=pl.BlockSpec((blk * K * H // 2,), lambda i: (i,)),
        out_shape=jax.ShapeDtypeStruct((N_IN * K * H // 2,), jnp.int32),
    )(x, w0m)
    xw_flat = xw.reshape(N_IN * K, H // 2)

    s = _gather_sum()(xw_flat, connection_indices.reshape(N_OUT * K))

    blk2 = 512
    eye4 = jnp.eye(4, dtype=jnp.float32)
    w1bd = jnp.kron(eye4, W1)
    w2bd = jnp.kron(eye4, W2)
    b0r = jnp.tile(b0, 4).reshape(1, 128)
    b1r = jnp.tile(b1, 4).reshape(1, 128)
    b2r = jnp.tile(b2, 4).reshape(1, 128)
    rows = N_OUT * H // 128
    out = pl.pallas_call(
        _mlp_body,
        grid=((rows + blk2 - 1) // blk2,),
        in_specs=[
            pl.BlockSpec((blk2, 128), lambda i: (i, 0)),
            pl.BlockSpec((1, 128), lambda i: (0, 0)),
            pl.BlockSpec((128, 128), lambda i: (0, 0)),
            pl.BlockSpec((1, 128), lambda i: (0, 0)),
            pl.BlockSpec((128, 128), lambda i: (0, 0)),
            pl.BlockSpec((1, 128), lambda i: (0, 0)),
        ],
        out_specs=pl.BlockSpec((blk2, 128), lambda i: (i, 0)),
        out_shape=jax.ShapeDtypeStruct((rows, 128), jnp.float32),
    )(s, b0r, w1bd, b1r, w2bd, b2r)

    return out.reshape(B, N_OUT, H)

# --- scband reference (transcript-rebuilt; emitter-appended) ---
"""Pipeline reference for scband-spatial-mlp-15479062135087 (READ-ONLY COPY).

The authoritative reference and input builder live on the scoring server;
editing this copy changes nothing except your own understanding.
"""

import jax, jax.numpy as jnp
import numpy as np


def _xavier_uniform(key, fan_in, fan_out):
    limit = (6.0 / (fan_in + fan_out)) ** 0.5
    return jax.random.uniform(key, (fan_in, fan_out), minval=-limit, maxval=limit, dtype=jnp.float32)


def setup_inputs(seed: int = 0) -> dict:
    key = jax.random.key(seed)
    ks = jax.random.split(key, 8)
    B, N_in, C = 1, 100000, 128
    N_out, K = 50000, 16
    hidden = [32, 32, 32]
    x = jax.random.normal(ks[0], (B, N_in, C), dtype=jnp.float32)
    connection_indices = jax.random.randint(ks[1], (N_out, K), 0, N_in, dtype=jnp.int32)
    dims = [K * C] + hidden
    inp = {"x": x, "connection_indices": connection_indices}
    for i in range(3):
        inp[f"W{i}"] = _xavier_uniform(ks[2 + i], dims[i], dims[i + 1])
        inp[f"b{i}"] = jnp.zeros((dims[i + 1],), dtype=jnp.float32)
    return inp


def reference(x, connection_indices, W0, b0, W1, b1, W2, b2):
    # SpatialMLP forward: gather k neighbors per output point, flatten, MLP.
    B, N_in, C = x.shape
    N_out, K = connection_indices.shape
    # gather neighbor features -> [B, N_out, K, C]
    gathered = jnp.take(x, connection_indices, axis=1)
    h = gathered.reshape(B, N_out, K * C)
    # layer 0: linear + gelu (exact, matching torch nn.GELU default)
    h = jax.nn.gelu(h @ W0 + b0, approximate=False)
    # layer 1: linear + gelu
    h = jax.nn.gelu(h @ W1 + b1, approximate=False)
    # layer 2: linear + identity ('linear' activation)
    h = h @ W2 + b2
    return h

if __name__ == "__main__":
    import jax
    _d = setup_inputs()
    print(jax.jit(kernel)(*tuple(_d.values())))

</pallas_src>

<mosaic_0001>
#map = affine_map<(d0, d1) -> (0, 0)>
#map1 = affine_map<(d0, d1) -> (0)>
module attributes {stable_mosaic.version = 14 : i64} {
  func.func @_gather_sum_body(%arg0: i32, %arg1: i32, %arg2: memref<1600000x16xi32, #tpu.memory_space<hbm>>, %arg3: memref<800000xi32, #tpu.memory_space<hbm>>, %arg4: memref<12500x128xf32, #tpu.memory_space<hbm>>, %arg5: memref<2x1024xi32, #tpu.memory_space<vmem>>, %arg6: memref<2x1024xi32, #tpu.memory_space<vmem>>, %arg7: memref<2x1024x16xi32, #tpu.memory_space<vmem>>, %arg8: memref<2x16x128xf32, #tpu.memory_space<vmem>>, %arg9: memref<!tpu.dma_semaphore, #tpu.memory_space<semaphore_mem>>, %arg10: memref<!tpu.dma_semaphore, #tpu.memory_space<semaphore_mem>>, %arg11: memref<!tpu.dma_semaphore, #tpu.memory_space<semaphore_mem>>, %arg12: memref<!tpu.dma_semaphore, #tpu.memory_space<semaphore_mem>>, %arg13: memref<!tpu.dma_semaphore, #tpu.memory_space<semaphore_mem>>, %arg14: memref<!tpu.dma_semaphore, #tpu.memory_space<semaphore_mem>>) attributes {dimension_semantics = [#tpu.dimension_semantics<core_parallel>, #tpu.dimension_semantics<subcore_parallel>], iteration_bounds = array<i64: 2, 16>, scalar_prefetch = 0 : i64, scratch_operands = 10 : i64, tpu.core_type = #tpu.core_type<sc_vector_subcore>, window_params = [{transform_indices = #map}, {transform_indices = #map1}, {transform_indices = #map}]} {
    %mul3A = arith.constant 2 : i32
    %mul3A_0 = arith.muli %arg1, %mul3A : i32
    %add3A = arith.addi %mul3A_0, %arg0 : i32
    %mul3A_1 = arith.constant 1600 : i32
    %mul3A_2 = arith.muli %add3A, %mul3A_1 : i32
    %iota3A = tpu.iota {dimensions = array<i32: 0>} : vector<16xi32>
    %add3A_3 = arith.constant 0 : i32
    %add3A_4 = arith.addi %mul3A_2, %add3A_3 : i32
    %min3A = arith.constant 49936 : i32
    %min3A_5 = arith.minsi %add3A_4, %min3A : i32
    %mul3A_6 = arith.constant 16 : i32
    %mul3A_7 = arith.muli %min3A_5, %mul3A_6 : i32
    %dma_start3A = arith.constant 0 : i32
    %dma_start3A_8 = arith.constant 0 : i32
    %dma_start3A_9 = tpu.memref_slice %arg5[%dma_start3A, %dma_start3A_8] : memref<2x1024xi32, #tpu.memory_space<vmem>> -> memref<1x1024xi32, #tpu.memory_space<vmem>>
    %dma_start3A_10 = tpu.memref_squeeze %dma_start3A_9 : memref<1x1024xi32, #tpu.memory_space<vmem>> -> memref<1024xi32, #tpu.memory_space<vmem>>
    %dma_start3A_11 = tpu.memref_slice %arg3[%mul3A_7] : memref<800000xi32, #tpu.memory_space<hbm>> -> memref<1024xi32, #tpu.memory_space<hbm>>
    %dma_start3A_12 = arith.constant 0 : i32
    %dma_start3A_13 = tpu.memref_slice %arg5[%dma_start3A, %dma_start3A_12] : memref<2x1024xi32, #tpu.memory_space<vmem>> -> memref<1x1024xi32, #tpu.memory_space<vmem>>
    %dma_start3A_14 = tpu.memref_squeeze %dma_start3A_13 : memref<1x1024xi32, #tpu.memory_space<vmem>> -> memref<1024xi32, #tpu.memory_space<vmem>>
    %dma_start3A_15 = tpu.memref_slice %arg3[%mul3A_7] : memref<800000xi32, #tpu.memory_space<hbm>> -> memref<1024xi32, #tpu.memory_space<hbm>>
    tpu.enqueue_dma source(%dma_start3A_15 : memref<1024xi32, #tpu.memory_space<hbm>>) target(%dma_start3A_14 : memref<1024xi32, #tpu.memory_space<vmem>>) target_semaphore(%arg9 : memref<!tpu.dma_semaphore, #tpu.memory_space<semaphore_mem>>)
    %dma_wait3A = arith.constant 0 : i32
    %dma_wait3A_16 = arith.constant 0 : i32
    %dma_wait3A_17 = tpu.memref_slice %arg5[%dma_wait3A, %dma_wait3A_16] : memref<2x1024xi32, #tpu.memory_space<vmem>> -> memref<1x1024xi32, #tpu.memory_space<vmem>>
    %dma_wait3A_18 = tpu.memref_squeeze %dma_wait3A_17 : memref<1x1024xi32, #tpu.memory_space<vmem>> -> memref<1024xi32, #tpu.memory_space<vmem>>
    %dma_wait3A_19 = arith.constant 0 : i32
    %dma_wait3A_20 = tpu.memref_slice %arg3[%dma_wait3A_19] : memref<800000xi32, #tpu.memory_space<hbm>> -> memref<1024xi32, #tpu.memory_space<hbm>>
    %dma_wait3A_21 = arith.constant 0 : i32
    %dma_wait3A_22 = tpu.memref_slice %arg5[%dma_wait3A, %dma_wait3A_21] : memref<2x1024xi32, #tpu.memory_space<vmem>> -> memref<1x1024xi32, #tpu.memory_space<vmem>>
    %dma_wait3A_23 = tpu.memref_squeeze %dma_wait3A_22 : memref<1x1024xi32, #tpu.memory_space<vmem>> -> memref<1024xi32, #tpu.memory_space<vmem>>
    %dma_wait3A_24 = arith.constant 0 : i32
    %dma_wait3A_25 = tpu.memref_slice %arg3[%dma_wait3A_24] : memref<800000xi32, #tpu.memory_space<hbm>> -> memref<1024xi32, #tpu.memory_space<hbm>>
    tpu.wait_dma2 semaphore(%arg9 : memref<!tpu.dma_semaphore, #tpu.memory_space<semaphore_mem>>) src(%dma_wait3A_25 : memref<1024xi32, #tpu.memory_space<hbm>>) dst(%dma_wait3A_23 : memref<1024xi32, #tpu.memory_space<vmem>>)
    %scan3A = arith.constant 0 : i32
    %scan3A_26 = arith.constant 0 : i32
    %scan3A_27 = arith.constant 64 : i32
    %scan3A_28 = arith.addi %scan3A_26, %scan3A_27 : i32
    %scan3A_29 = arith.constant 4 : i32
    scf.for %scan3A_247 = %scan3A_26 to %scan3A_28 step %scan3A_29  : i32 {
      %mul3A_248 = arith.constant 16 : i32
      %mul3A_249 = arith.muli %scan3A_247, %mul3A_248 : i32
      %get3A = arith.constant 0 : i32
      %get3A_250 = arith.index_cast %get3A : i32 to index
      %get3A_251 = arith.index_cast %mul3A_249 : i32 to index
      %get3A_252 = tpu.vector_load %arg5[%get3A_250, %get3A_251] {strides = array<i32>} : memref<2x1024xi32, #tpu.memory_space<vmem>>, vector<16xi32>,
      %mul3A_253 = arith.constant 16 : i32
      %mul3A_254 = vector.broadcast %mul3A_253 : i32 to vector<16xi32>
      %mul3A_255 = arith.muli %get3A_252, %mul3A_254 : vector<16xi32>
      %add3A_256 = arith.addi %mul3A_255, %iota3A : vector<16xi32>
      %mul3A_257 = arith.constant 16 : i32
      %mul3A_258 = arith.muli %scan3A_247, %mul3A_257 : i32
      %swap3A = arith.constant 0 : i32
      %swap3A_259 = arith.index_cast %swap3A : i32 to index
      %swap3A_260 = arith.index_cast %mul3A_258 : i32 to index
      %swap3A_261 = tpu.vector_load %arg6[%swap3A_259, %swap3A_260] {strides = array<i32>} : memref<2x1024xi32, #tpu.memory_space<vmem>>, vector<16xi32>,
      tpu.vector_store %arg6[%swap3A_259, %swap3A_260], %add3A_256 {strides = array<i32>} : memref<2x1024xi32, #tpu.memory_space<vmem>>, vector<16xi32>,
      %scan3A_262 = arith.constant 1 : i32
      %scan3A_263 = arith.addi %scan3A_247, %scan3A_262 : i32
      %mul3A_264 = arith.constant 16 : i32
      %mul3A_265 = arith.muli %scan3A_263, %mul3A_264 : i32
      %get3A_266 = arith.constant 0 : i32
      %get3A_267 = arith.index_cast %get3A_266 : i32 to index
      %get3A_268 = arith.index_cast %mul3A_265 : i32 to index
      %get3A_269 = tpu.vector_load %arg5[%get3A_267, %get3A_268] {strides = array<i32>} : memref<2x1024xi32, #tpu.memory_space<vmem>>, vector<16xi32>,
      %mul3A_270 = arith.constant 16 : i32
      %mul3A_271 = vector.broadcast %mul3A_270 : i32 to vector<16xi32>
      %mul3A_272 = arith.muli %get3A_269, %mul3A_271 : vector<16xi32>
      %add3A_273 = arith.addi %mul3A_272, %iota3A : vector<16xi32>
      %mul3A_274 = arith.constant 16 : i32
      %mul3A_275 = arith.muli %scan3A_263, %mul3A_274 : i32
      %swap3A_276 = arith.constant 0 : i32
      %swap3A_277 = arith.index_cast %swap3A_276 : i32 to index
      %swap3A_278 = arith.index_cast %mul3A_275 : i32 to index
      %swap3A_279 = tpu.vector_load %arg6[%swap3A_277, %swap3A_278] {strides = array<i32>} : memref<2x1024xi32, #tpu.memory_space<vmem>>, vector<16xi32>,
      tpu.vector_store %arg6[%swap3A_277, %swap3A_278], %add3A_273 {strides = array<i32>} : memref<2x1024xi32, #tpu.memory_space<vmem>>, vector<16xi32>,
      %scan3A_280 = arith.constant 2 : i32
      %scan3A_281 = arith.addi %scan3A_247, %scan3A_280 : i32
      %mul3A_282 = arith.constant 16 : i32
      %mul3A_283 = arith.muli %scan3A_281, %mul3A_282 : i32
      %get3A_284 = arith.constant 0 : i32
      %get3A_285 = arith.index_cast %get3A_284 : i32 to index
      %get3A_286 = arith.index_cast %mul3A_283 : i32 to index
      %get3A_287 = tpu.vector_load %arg5[%get3A_285, %get3A_286] {strides = array<i32>} : memref<2x1024xi32, #tpu.memory_space<vmem>>, vector<16xi32>,
      %mul3A_288 = arith.constant 16 : i32
      %mul3A_289 = vector.broadcast %mul3A_288 : i32 to vector<16xi32>
      %mul3A_290 = arith.muli %get3A_287, %mul3A_289 : vector<16xi32>
      %add3A_291 = arith.addi %mul3A_290, %iota3A : vector<16xi32>
      %mul3A_292 = arith.constant 16 : i32
      %mul3A_293 = arith.muli %scan3A_281, %mul3A_292 : i32
      %swap3A_294 = arith.constant 0 : i32
      %swap3A_295 = arith.index_cast %swap3A_294 : i32 to index
      %swap3A_296 = arith.index_cast %mul3A_293 : i32 to index
      %swap3A_297 = tpu.vector_load %arg6[%swap3A_295, %swap3A_296] {strides = array<i32>} : memref<2x1024xi32, #tpu.memory_space<vmem>>, vector<16xi32>,
      tpu.vector_store %arg6[%swap3A_295, %swap3A_296], %add3A_291 {strides = array<i32>} : memref<2x1024xi32, #tpu.memory_space<vmem>>, vector<16xi32>,
      %scan3A_298 = arith.constant 3 : i32
      %scan3A_299 = arith.addi %scan3A_247, %scan3A_298 : i32
      %mul3A_300 = arith.constant 16 : i32
      %mul3A_301 = arith.muli %scan3A_299, %mul3A_300 : i32
      %get3A_302 = arith.constant 0 : i32
      %get3A_303 = arith.index_cast %get3A_302 : i32 to index
      %get3A_304 = arith.index_cast %mul3A_301 : i32 to index
      %get3A_305 = tpu.vector_load %arg5[%get3A_303, %get3A_304] {strides = array<i32>} : memref<2x1024xi32, #tpu.memory_space<vmem>>, vector<16xi32>,
      %mul3A_306 = arith.constant 16 : i32
      %mul3A_307 = vector.broadcast %mul3A_306 : i32 to vector<16xi32>
      %mul3A_308 = arith.muli %get3A_305, %mul3A_307 : vector<16xi32>
      %add3A_309 = arith.addi %mul3A_308, %iota3A : vector<16xi32>
      %mul3A_310 = arith.constant 16 : i32
      %mul3A_311 = arith.muli %scan3A_299, %mul3A_310 : i32
      %swap3A_312 = arith.constant 0 : i32
      %swap3A_313 = arith.index_cast %swap3A_312 : i32 to index
      %swap3A_314 = arith.index_cast %mul3A_311 : i32 to index
      %swap3A_315 = tpu.vector_load %arg6[%swap3A_313, %swap3A_314] {strides = array<i32>} : memref<2x1024xi32, #tpu.memory_space<vmem>>, vector<16xi32>,
      tpu.vector_store %arg6[%swap3A_313, %swap3A_314], %add3A_309 {strides = array<i32>} : memref<2x1024xi32, #tpu.memory_space<vmem>>, vector<16xi32>,
    }
    %scan3A_30 = arith.constant 64 : i32
    %dma_start3A_31 = arith.constant 0 : i32
    %dma_start3A_32 = arith.constant 0 : i32
    %dma_start3A_33 = arith.constant 0 : i32
    %dma_start3A_34 = arith.constant 0 : i32
    %dma_start3A_35 = tpu.memref_slice %arg7[%dma_start3A_32, %dma_start3A_33, %dma_start3A_34] : memref<2x1024x16xi32, #tpu.memory_space<vmem>> -> memref<1x128x16xi32, #tpu.memory_space<vmem>>
    %dma_start3A_36 = tpu.memref_squeeze %dma_start3A_35 : memref<1x128x16xi32, #tpu.memory_space<vmem>> -> memref<128x16xi32, #tpu.memory_space<vmem>>
    %dma_start3A_37 = arith.constant 0 : i32
    %dma_start3A_38 = tpu.memref_slice %arg6[%dma_start3A_31, %dma_start3A_37] : memref<2x1024xi32, #tpu.memory_space<vmem>> -> memref<1x128xi32, #tpu.memory_space<vmem>>
    %dma_start3A_39 = tpu.memref_squeeze %dma_start3A_38 : memref<1x128xi32, #tpu.memory_space<vmem>> -> memref<128xi32, #tpu.memory_space<vmem>>
    %dma_start3A_40 = arith.constant 0 : i32
    %dma_start3A_41 = arith.constant 0 : i32
    %dma_start3A_42 = tpu.memref_slice %arg2[%dma_start3A_40, %dma_start3A_41] : memref<1600000x16xi32, #tpu.memory_space<hbm>> -> memref<1600000x16xi32, #tpu.memory_space<hbm>>
    tpu.enqueue_indirect_dma source(%dma_start3A_42 : memref<1600000x16xi32, #tpu.memory_space<hbm>>) target(%dma_start3A_36 : memref<128x16xi32, #tpu.memory_space<vmem>>) offsets(%dma_start3A_39 : memref<128xi32, #tpu.memory_space<vmem>>) semaphore(%arg11 : memref<!tpu.dma_semaphore, #tpu.memory_space<semaphore_mem>>)
    %dma_start3A_43 = arith.constant 0 : i32
    %dma_start3A_44 = arith.constant 0 : i32
    %dma_start3A_45 = arith.constant 128 : i32
    %dma_start3A_46 = arith.constant 0 : i32
    %dma_start3A_47 = tpu.memref_slice %arg7[%dma_start3A_44, %dma_start3A_45, %dma_start3A_46] : memref<2x1024x16xi32, #tpu.memory_space<vmem>> -> memref<1x128x16xi32, #tpu.memory_space<vmem>>
    %dma_start3A_48 = tpu.memref_squeeze %dma_start3A_47 : memref<1x128x16xi32, #tpu.memory_space<vmem>> -> memref<128x16xi32, #tpu.memory_space<vmem>>
    %dma_start3A_49 = arith.constant 128 : i32
    %dma_start3A_50 = tpu.memref_slice %arg6[%dma_start3A_43, %dma_start3A_49] : memref<2x1024xi32, #tpu.memory_space<vmem>> -> memref<1x128xi32, #tpu.memory_space<vmem>>
    %dma_start3A_51 = tpu.memref_squeeze %dma_start3A_50 : memref<1x128xi32, #tpu.memory_space<vmem>> -> memref<128xi32, #tpu.memory_space<vmem>>
    %dma_start3A_52 = arith.constant 0 : i32
    %dma_start3A_53 = arith.constant 0 : i32
    %dma_start3A_54 = tpu.memref_slice %arg2[%dma_start3A_52, %dma_start3A_53] : memref<1600000x16xi32, #tpu.memory_space<hbm>> -> memref<1600000x16xi32, #tpu.memory_space<hbm>>
    tpu.enqueue_indirect_dma source(%dma_start3A_54 : memref<1600000x16xi32, #tpu.memory_space<hbm>>) target(%dma_start3A_48 : memref<128x16xi32, #tpu.memory_space<vmem>>) offsets(%dma_start3A_51 : memref<128xi32, #tpu.memory_space<vmem>>) semaphore(%arg11 : memref<!tpu.dma_semaphore, #tpu.memory_space<semaphore_mem>>)
    %dma_start3A_55 = arith.constant 0 : i32
    %dma_start3A_56 = arith.constant 0 : i32
    %dma_start3A_57 = arith.constant 256 : i32
    %dma_start3A_58 = arith.constant 0 : i32
    %dma_start3A_59 = tpu.memref_slice %arg7[%dma_start3A_56, %dma_start3A_57, %dma_start3A_58] : memref<2x1024x16xi32, #tpu.memory_space<vmem>> -> memref<1x128x16xi32, #tpu.memory_space<vmem>>
    %dma_start3A_60 = tpu.memref_squeeze %dma_start3A_59 : memref<1x128x16xi32, #tpu.memory_space<vmem>> -> memref<128x16xi32, #tpu.memory_space<vmem>>
    %dma_start3A_61 = arith.constant 256 : i32
    %dma_start3A_62 = tpu.memref_slice %arg6[%dma_start3A_55, %dma_start3A_61] : memref<2x1024xi32, #tpu.memory_space<vmem>> -> memref<1x128xi32, #tpu.memory_space<vmem>>
    %dma_start3A_63 = tpu.memref_squeeze %dma_start3A_62 : memref<1x128xi32, #tpu.memory_space<vmem>> -> memref<128xi32, #tpu.memory_space<vmem>>
    %dma_start3A_64 = arith.constant 0 : i32
    %dma_start3A_65 = arith.constant 0 : i32
    %dma_start3A_66 = tpu.memref_slice %arg2[%dma_start3A_64, %dma_start3A_65] : memref<1600000x16xi32, #tpu.memory_space<hbm>> -> memref<1600000x16xi32, #tpu.memory_space<hbm>>
    tpu.enqueue_indirect_dma source(%dma_start3A_66 : memref<1600000x16xi32, #tpu.memory_space<hbm>>) target(%dma_start3A_60 : memref<128x16xi32, #tpu.memory_space<vmem>>) offsets(%dma_start3A_63 : memref<128xi32, #tpu.memory_space<vmem>>) semaphore(%arg11 : memref<!tpu.dma_semaphore, #tpu.memory_space<semaphore_mem>>)
    %dma_start3A_67 = arith.constant 0 : i32
    %dma_start3A_68 = arith.constant 0 : i32
    %dma_start3A_69 = arith.constant 384 : i32
    %dma_start3A_70 = arith.constant 0 : i32
    %dma_start3A_71 = tpu.memref_slice %arg7[%dma_start3A_68, %dma_start3A_69, %dma_start3A_70] : memref<2x1024x16xi32, #tpu.memory_space<vmem>> -> memref<1x128x16xi32, #tpu.memory_space<vmem>>
    %dma_start3A_72 = tpu.memref_squeeze %dma_start3A_71 : memref<1x128x16xi32, #tpu.memory_space<vmem>> -> memref<128x16xi32, #tpu.memory_space<vmem>>
    %dma_start3A_73 = arith.constant 384 : i32
    %dma_start3A_74 = tpu.memref_slice %arg6[%dma_start3A_67, %dma_start3A_73] : memref<2x1024xi32, #tpu.memory_space<vmem>> -> memref<1x128xi32, #tpu.memory_space<vmem>>
    %dma_start3A_75 = tpu.memref_squeeze %dma_start3A_74 : memref<1x128xi32, #tpu.memory_space<vmem>> -> memref<128xi32, #tpu.memory_space<vmem>>
    %dma_start3A_76 = arith.constant 0 : i32
    %dma_start3A_77 = arith.constant 0 : i32
    %dma_start3A_78 = tpu.memref_slice %arg2[%dma_start3A_76, %dma_start3A_77] : memref<1600000x16xi32, #tpu.memory_space<hbm>> -> memref<1600000x16xi32, #tpu.memory_space<hbm>>
    tpu.enqueue_indirect_dma source(%dma_start3A_78 : memref<1600000x16xi32, #tpu.memory_space<hbm>>) target(%dma_start3A_72 : memref<128x16xi32, #tpu.memory_space<vmem>>) offsets(%dma_start3A_75 : memref<128xi32, #tpu.memory_space<vmem>>) semaphore(%arg11 : memref<!tpu.dma_semaphore, #tpu.memory_space<semaphore_mem>>)
    %dma_start3A_79 = arith.constant 0 : i32
    %dma_start3A_80 = arith.constant 0 : i32
    %dma_start3A_81 = arith.constant 512 : i32
    %dma_start3A_82 = arith.constant 0 : i32
    %dma_start3A_83 = tpu.memref_slice %arg7[%dma_start3A_80, %dma_start3A_81, %dma_start3A_82] : memref<2x1024x16xi32, #tpu.memory_space<vmem>> -> memref<1x128x16xi32, #tpu.memory_space<vmem>>
    %dma_start3A_84 = tpu.memref_squeeze %dma_start3A_83 : memref<1x128x16xi32, #tpu.memory_space<vmem>> -> memref<128x16xi32, #tpu.memory_space<vmem>>
    %dma_start3A_85 = arith.constant 512 : i32
    %dma_start3A_86 = tpu.memref_slice %arg6[%dma_start3A_79, %dma_start3A_85] : memref<2x1024xi32, #tpu.memory_space<vmem>> -> memref<1x128xi32, #tpu.memory_space<vmem>>
    %dma_start3A_87 = tpu.memref_squeeze %dma_start3A_86 : memref<1x128xi32, #tpu.memory_space<vmem>> -> memref<128xi32, #tpu.memory_space<vmem>>
    %dma_start3A_88 = arith.constant 0 : i32
    %dma_start3A_89 = arith.constant 0 : i32
    %dma_start3A_90 = tpu.memref_slice %arg2[%dma_start3A_88, %dma_start3A_89] : memref<1600000x16xi32, #tpu.memory_space<hbm>> -> memref<1600000x16xi32, #tpu.memory_space<hbm>>
    tpu.enqueue_indirect_dma source(%dma_start3A_90 : memref<1600000x16xi32, #tpu.memory_space<hbm>>) target(%dma_start3A_84 : memref<128x16xi32, #tpu.memory_space<vmem>>) offsets(%dma_start3A_87 : memref<128xi32, #tpu.memory_space<vmem>>) semaphore(%arg11 : memref<!tpu.dma_semaphore, #tpu.memory_space<semaphore_mem>>)
    %dma_start3A_91 = arith.constant 0 : i32
    %dma_start3A_92 = arith.constant 0 : i32
    %dma_start3A_93 = arith.constant 640 : i32
    %dma_start3A_94 = arith.constant 0 : i32
    %dma_start3A_95 = tpu.memref_slice %arg7[%dma_start3A_92, %dma_start3A_93, %dma_start3A_94] : memref<2x1024x16xi32, #tpu.memory_space<vmem>> -> memref<1x128x16xi32, #tpu.memory_space<vmem>>
    %dma_start3A_96 = tpu.memref_squeeze %dma_start3A_95 : memref<1x128x16xi32, #tpu.memory_space<vmem>> -> memref<128x16xi32, #tpu.memory_space<vmem>>
    %dma_start3A_97 = arith.constant 640 : i32
    %dma_start3A_98 = tpu.memref_slice %arg6[%dma_start3A_91, %dma_start3A_97] : memref<2x1024xi32, #tpu.memory_space<vmem>> -> memref<1x128xi32, #tpu.memory_space<vmem>>
    %dma_start3A_99 = tpu.memref_squeeze %dma_start3A_98 : memref<1x128xi32, #tpu.memory_space<vmem>> -> memref<128xi32, #tpu.memory_space<vmem>>
    %dma_start3A_100 = arith.constant 0 : i32
    %dma_start3A_101 = arith.constant 0 : i32
    %dma_start3A_102 = tpu.memref_slice %arg2[%dma_start3A_100, %dma_start3A_101] : memref<1600000x16xi32, #tpu.memory_space<hbm>> -> memref<1600000x16xi32, #tpu.memory_space<hbm>>
    tpu.enqueue_indirect_dma source(%dma_start3A_102 : memref<1600000x16xi32, #tpu.memory_space<hbm>>) target(%dma_start3A_96 : memref<128x16xi32, #tpu.memory_space<vmem>>) offsets(%dma_start3A_99 : memref<128xi32, #tpu.memory_space<vmem>>) semaphore(%arg11 : memref<!tpu.dma_semaphore, #tpu.memory_space<semaphore_mem>>)
    %dma_start3A_103 = arith.constant 0 : i32
    %dma_start3A_104 = arith.constant 0 : i32
    %dma_start3A_105 = arith.constant 768 : i32
    %dma_start3A_106 = arith.constant 0 : i32
    %dma_start3A_107 = tpu.memref_slice %arg7[%dma_start3A_104, %dma_start3A_105, %dma_start3A_106] : memref<2x1024x16xi32, #tpu.memory_space<vmem>> -> memref<1x128x16xi32, #tpu.memory_space<vmem>>
    %dma_start3A_108 = tpu.memref_squeeze %dma_start3A_107 : memref<1x128x16xi32, #tpu.memory_space<vmem>> -> memref<128x16xi32, #tpu.memory_space<vmem>>
    %dma_start3A_109 = arith.constant 768 : i32
    %dma_start3A_110 = tpu.memref_slice %arg6[%dma_start3A_103, %dma_start3A_109] : memref<2x1024xi32, #tpu.memory_space<vmem>> -> memref<1x128xi32, #tpu.memory_space<vmem>>
    %dma_start3A_111 = tpu.memref_squeeze %dma_start3A_110 : memref<1x128xi32, #tpu.memory_space<vmem>> -> memref<128xi32, #tpu.memory_space<vmem>>
    %dma_start3A_112 = arith.constant 0 : i32
    %dma_start3A_113 = arith.constant 0 : i32
    %dma_start3A_114 = tpu.memref_slice %arg2[%dma_start3A_112, %dma_start3A_113] : memref<1600000x16xi32, #tpu.memory_space<hbm>> -> memref<1600000x16xi32, #tpu.memory_space<hbm>>
    tpu.enqueue_indirect_dma source(%dma_start3A_114 : memref<1600000x16xi32, #tpu.memory_space<hbm>>) target(%dma_start3A_108 : memref<128x16xi32, #tpu.memory_space<vmem>>) offsets(%dma_start3A_111 : memref<128xi32, #tpu.memory_space<vmem>>) semaphore(%arg11 : memref<!tpu.dma_semaphore, #tpu.memory_space<semaphore_mem>>)
    %dma_start3A_115 = arith.constant 0 : i32
    %dma_start3A_116 = arith.constant 0 : i32
    %dma_start3A_117 = arith.constant 896 : i32
    %dma_start3A_118 = arith.constant 0 : i32
    %dma_start3A_119 = tpu.memref_slice %arg7[%dma_start3A_116, %dma_start3A_117, %dma_start3A_118] : memref<2x1024x16xi32, #tpu.memory_space<vmem>> -> memref<1x128x16xi32, #tpu.memory_space<vmem>>
    %dma_start3A_120 = tpu.memref_squeeze %dma_start3A_119 : memref<1x128x16xi32, #tpu.memory_space<vmem>> -> memref<128x16xi32, #tpu.memory_space<vmem>>
    %dma_start3A_121 = arith.constant 896 : i32
    %dma_start3A_122 = tpu.memref_slice %arg6[%dma_start3A_115, %dma_start3A_121] : memref<2x1024xi32, #tpu.memory_space<vmem>> -> memref<1x128xi32, #tpu.memory_space<vmem>>
    %dma_start3A_123 = tpu.memref_squeeze %dma_start3A_122 : memref<1x128xi32, #tpu.memory_space<vmem>> -> memref<128xi32, #tpu.memory_space<vmem>>
    %dma_start3A_124 = arith.constant 0 : i32
    %dma_start3A_125 = arith.constant 0 : i32
    %dma_start3A_126 = tpu.memref_slice %arg2[%dma_start3A_124, %dma_start3A_125] : memref<1600000x16xi32, #tpu.memory_space<hbm>> -> memref<1600000x16xi32, #tpu.memory_space<hbm>>
    tpu.enqueue_indirect_dma source(%dma_start3A_126 : memref<1600000x16xi32, #tpu.memory_space<hbm>>) target(%dma_start3A_120 : memref<128x16xi32, #tpu.memory_space<vmem>>) offsets(%dma_start3A_123 : memref<128xi32, #tpu.memory_space<vmem>>) semaphore(%arg11 : memref<!tpu.dma_semaphore, #tpu.memory_space<semaphore_mem>>)
    %add3A_127 = arith.constant 64 : i32
    %add3A_128 = arith.addi %mul3A_2, %add3A_127 : i32
    %min3A_129 = arith.constant 49936 : i32
    %min3A_130 = arith.minsi %add3A_128, %min3A_129 : i32
    %mul3A_131 = arith.constant 16 : i32
    %mul3A_132 = arith.muli %min3A_130, %mul3A_131 : i32
    %dma_start3A_133 = arith.constant 1 : i32
    %dma_start3A_134 = arith.constant 0 : i32
    %dma_start3A_135 = tpu.memref_slice %arg5[%dma_start3A_133, %dma_start3A_134] : memref<2x1024xi32, #tpu.memory_space<vmem>> -> memref<1x1024xi32, #tpu.memory_space<vmem>>
    %dma_start3A_136 = tpu.memref_squeeze %dma_start3A_135 : memref<1x1024xi32, #tpu.memory_space<vmem>> -> memref<1024xi32, #tpu.memory_space<vmem>>
    %dma_start3A_137 = tpu.memref_slice %arg3[%mul3A_132] : memref<800000xi32, #tpu.memory_space<hbm>> -> memref<1024xi32, #tpu.memory_space<hbm>>
    %dma_start3A_138 = arith.constant 0 : i32
    %dma_start3A_139 = tpu.memref_slice %arg5[%dma_start3A_133, %dma_start3A_138] : memref<2x1024xi32, #tpu.memory_space<vmem>> -> memref<1x1024xi32, #tpu.memory_space<vmem>>
    %dma_start3A_140 = tpu.memref_squeeze %dma_start3A_139 : memref<1x1024xi32, #tpu.memory_space<vmem>> -> memref<1024xi32, #tpu.memory_space<vmem>>
    %dma_start3A_141 = tpu.memref_slice %arg3[%mul3A_132] : memref<800000xi32, #tpu.memory_space<hbm>> -> memref<1024xi32, #tpu.memory_space<hbm>>
    tpu.enqueue_dma source(%dma_start3A_141 : memref<1024xi32, #tpu.memory_space<hbm>>) target(%dma_start3A_140 : memref<1024xi32, #tpu.memory_space<vmem>>) target_semaphore(%arg10 : memref<!tpu.dma_semaphore, #tpu.memory_space<semaphore_mem>>)
    %scan3A_142 = arith.constant 0 : i32
    %scan3A_143 = arith.constant 0 : i32
    %scan3A_144 = arith.constant 12 : i32
    %scan3A_145 = arith.addi %scan3A_143, %scan3A_144 : i32
    %scan3A_146 = arith.constant 1 : i32
    scf.for %scan3A_247 = %scan3A_143 to %scan3A_145 step %scan3A_146  : i32 {
      %mul3A_248 = arith.constant 2 : i32
      %mul3A_249 = arith.muli %mul3A_248, %scan3A_247 : i32
      %dma_wait3A_250 = arith.constant 1 : i32
      %dma_wait3A_251 = arith.constant 0 : i32
      %dma_wait3A_252 = tpu.memref_slice %arg5[%dma_wait3A_250, %dma_wait3A_251] : memref<2x1024xi32, #tpu.memory_space<vmem>> -> memref<1x1024xi32, #tpu.memory_space<vmem>>
      %dma_wait3A_253 = tpu.memref_squeeze %dma_wait3A_252 : memref<1x1024xi32, #tpu.memory_space<vmem>> -> memref<1024xi32, #tpu.memory_space<vmem>>
      %dma_wait3A_254 = arith.constant 0 : i32
      %dma_wait3A_255 = tpu.memref_slice %arg3[%dma_wait3A_254] : memref<800000xi32, #tpu.memory_space<hbm>> -> memref<1024xi32, #tpu.memory_space<hbm>>
      %dma_wait3A_256 = arith.constant 0 : i32
      %dma_wait3A_257 = tpu.memref_slice %arg5[%dma_wait3A_250, %dma_wait3A_256] : memref<2x1024xi32, #tpu.memory_space<vmem>> -> memref<1x1024xi32, #tpu.memory_space<vmem>>
      %dma_wait3A_258 = tpu.memref_squeeze %dma_wait3A_257 : memref<1x1024xi32, #tpu.memory_space<vmem>> -> memref<1024xi32, #tpu.memory_space<vmem>>
      %dma_wait3A_259 = arith.constant 0 : i32
      %dma_wait3A_260 = tpu.memref_slice %arg3[%dma_wait3A_259] : memref<800000xi32, #tpu.memory_space<hbm>> -> memref<1024xi32, #tpu.memory_space<hbm>>
      tpu.wait_dma2 semaphore(%arg10 : memref<!tpu.dma_semaphore, #tpu.memory_space<semaphore_mem>>) src(%dma_wait3A_260 : memref<1024xi32, #tpu.memory_space<hbm>>) dst(%dma_wait3A_258 : memref<1024xi32, #tpu.memory_space<vmem>>)
      %scan3A_261 = arith.constant 0 : i32
      %scan3A_262 = arith.constant 0 : i32
      %scan3A_263 = arith.constant 64 : i32
      %scan3A_264 = arith.addi %scan3A_262, %scan3A_263 : i32
      %scan3A_265 = arith.constant 4 : i32
      scf.for %scan3A_633 = %scan3A_262 to %scan3A_264 step %scan3A_265  : i32 {
        %mul3A_634 = arith.constant 16 : i32
        %mul3A_635 = arith.muli %scan3A_633, %mul3A_634 : i32
        %get3A = arith.constant 1 : i32
        %get3A_636 = arith.index_cast %get3A : i32 to index
        %get3A_637 = arith.index_cast %mul3A_635 : i32 to index
        %get3A_638 = tpu.vector_load %arg5[%get3A_636, %get3A_637] {strides = array<i32>} : memref<2x1024xi32, #tpu.memory_space<vmem>>, vector<16xi32>,
        %mul3A_639 = arith.constant 16 : i32
        %mul3A_640 = vector.broadcast %mul3A_639 : i32 to vector<16xi32>
        %mul3A_641 = arith.muli %get3A_638, %mul3A_640 : vector<16xi32>
        %add3A_642 = arith.addi %mul3A_641, %iota3A : vector<16xi32>
        %mul3A_643 = arith.constant 16 : i32
        %mul3A_644 = arith.muli %scan3A_633, %mul3A_643 : i32
        %swap3A = arith.constant 1 : i32
        %swap3A_645 = arith.index_cast %swap3A : i32 to index
        %swap3A_646 = arith.index_cast %mul3A_644 : i32 to index
        %swap3A_647 = tpu.vector_load %arg6[%swap3A_645, %swap3A_646] {strides = array<i32>} : memref<2x1024xi32, #tpu.memory_space<vmem>>, vector<16xi32>,
        tpu.vector_store %arg6[%swap3A_645, %swap3A_646], %add3A_642 {strides = array<i32>} : memref<2x1024xi32, #tpu.memory_space<vmem>>, vector<16xi32>,
        %scan3A_648 = arith.constant 1 : i32
        %scan3A_649 = arith.addi %scan3A_633, %scan3A_648 : i32
        %mul3A_650 = arith.constant 16 : i32
        %mul3A_651 = arith.muli %scan3A_649, %mul3A_650 : i32
        %get3A_652 = arith.constant 1 : i32
        %get3A_653 = arith.index_cast %get3A_652 : i32 to index
        %get3A_654 = arith.index_cast %mul3A_651 : i32 to index
        %get3A_655 = tpu.vector_load %arg5[%get3A_653, %get3A_654] {strides = array<i32>} : memref<2x1024xi32, #tpu.memory_space<vmem>>, vector<16xi32>,
        %mul3A_656 = arith.constant 16 : i32
        %mul3A_657 = vector.broadcast %mul3A_656 : i32 to vector<16xi32>
        %mul3A_658 = arith.muli %get3A_655, %mul3A_657 : vector<16xi32>
        %add3A_659 = arith.addi %mul3A_658, %iota3A : vector<16xi32>
        %mul3A_660 = arith.constant 16 : i32
        %mul3A_661 = arith.muli %scan3A_649, %mul3A_660 : i32
        %swap3A_662 = arith.constant 1 : i32
        %swap3A_663 = arith.index_cast %swap3A_662 : i32 to index
        %swap3A_664 = arith.index_cast %mul3A_661 : i32 to index
        %swap3A_665 = tpu.vector_load %arg6[%swap3A_663, %swap3A_664] {strides = array<i32>} : memref<2x1024xi32, #tpu.memory_space<vmem>>, vector<16xi32>,
        tpu.vector_store %arg6[%swap3A_663, %swap3A_664], %add3A_659 {strides = array<i32>} : memref<2x1024xi32, #tpu.memory_space<vmem>>, vector<16xi32>,
        %scan3A_666 = arith.constant 2 : i32
        %scan3A_667 = arith.addi %scan3A_633, %scan3A_666 : i32
        %mul3A_668 = arith.constant 16 : i32
        %mul3A_669 = arith.muli %scan3A_667, %mul3A_668 : i32
        %get3A_670 = arith.constant 1 : i32
        %get3A_671 = arith.index_cast %get3A_670 : i32 to index
        %get3A_672 = arith.index_cast %mul3A_669 : i32 to index
        %get3A_673 = tpu.vector_load %arg5[%get3A_671, %get3A_672] {strides = array<i32>} : memref<2x1024xi32, #tpu.memory_space<vmem>>, vector<16xi32>,
        %mul3A_674 = arith.constant 16 : i32
        %mul3A_675 = vector.broadcast %mul3A_674 : i32 to vector<16xi32>
        %mul3A_676 = arith.muli %get3A_673, %mul3A_675 : vector<16xi32>
        %add3A_677 = arith.addi %mul3A_676, %iota3A : vector<16xi32>
        %mul3A_678 = arith.constant 16 : i32
        %mul3A_679 = arith.muli %scan3A_667, %mul3A_678 : i32
        %swap3A_680 = arith.constant 1 : i32
        %swap3A_681 = arith.index_cast %swap3A_680 : i32 to index
        %swap3A_682 = arith.index_cast %mul3A_679 : i32 to index
        %swap3A_683 = tpu.vector_load %arg6[%swap3A_681, %swap3A_682] {strides = array<i32>} : memref<2x1024xi32, #tpu.memory_space<vmem>>, vector<16xi32>,
        tpu.vector_store %arg6[%swap3A_681, %swap3A_682], %add3A_677 {strides = array<i32>} : memref<2x1024xi32, #tpu.memory_space<vmem>>, vector<16xi32>,
        %scan3A_684 = arith.constant 3 : i32
        %scan3A_685 = arith.addi %scan3A_633, %scan3A_684 : i32
        %mul3A_686 = arith.constant 16 : i32
        %mul3A_687 = arith.muli %scan3A_685, %mul3A_686 : i32
        %get3A_688 = arith.constant 1 : i32
        %get3A_689 = arith.index_cast %get3A_688 : i32 to index
        %get3A_690 = arith.index_cast %mul3A_687 : i32 to index
        %get3A_691 = tpu.vector_load %arg5[%get3A_689, %get3A_690] {strides = array<i32>} : memref<2x1024xi32, #tpu.memory_space<vmem>>, vector<16xi32>,
        %mul3A_692 = arith.constant 16 : i32
        %mul3A_693 = vector.broadcast %mul3A_692 : i32 to vector<16xi32>
        %mul3A_694 = arith.muli %get3A_691, %mul3A_693 : vector<16xi32>
        %add3A_695 = arith.addi %mul3A_694, %iota3A : vector<16xi32>
        %mul3A_696 = arith.constant 16 : i32
        %mul3A_697 = arith.muli %scan3A_685, %mul3A_696 : i32
        %swap3A_698 = arith.constant 1 : i32
        %swap3A_699 = arith.index_cast %swap3A_698 : i32 to index
        %swap3A_700 = arith.index_cast %mul3A_697 : i32 to index
        %swap3A_701 = tpu.vector_load %arg6[%swap3A_699, %swap3A_700] {strides = array<i32>} : memref<2x1024xi32, #tpu.memory_space<vmem>>, vector<16xi32>,
        tpu.vector_store %arg6[%swap3A_699, %swap3A_700], %add3A_695 {strides = array<i32>} : memref<2x1024xi32, #tpu.memory_space<vmem>>, vector<16xi32>,
      }
      %scan3A_266 = arith.constant 64 : i32
      %dma_start3A_267 = arith.constant 1 : i32
      %dma_start3A_268 = arith.constant 1 : i32
      %dma_start3A_269 = arith.constant 0 : i32
      %dma_start3A_270 = arith.constant 0 : i32
      %dma_start3A_271 = tpu.memref_slice %arg7[%dma_start3A_268, %dma_start3A_269, %dma_start3A_270] : memref<2x1024x16xi32, #tpu.memory_space<vmem>> -> memref<1x128x16xi32, #tpu.memory_space<vmem>>
      %dma_start3A_272 = tpu.memref_squeeze %dma_start3A_271 : memref<1x128x16xi32, #tpu.memory_space<vmem>> -> memref<128x16xi32, #tpu.memory_space<vmem>>
      %dma_start3A_273 = arith.constant 0 : i32
      %dma_start3A_274 = tpu.memref_slice %arg6[%dma_start3A_267, %dma_start3A_273] : memref<2x1024xi32, #tpu.memory_space<vmem>> -> memref<1x128xi32, #tpu.memory_space<vmem>>
      %dma_start3A_275 = tpu.memref_squeeze %dma_start3A_274 : memref<1x128xi32, #tpu.memory_space<vmem>> -> memref<128xi32, #tpu.memory_space<vmem>>
      %dma_start3A_276 = arith.constant 0 : i32
      %dma_start3A_277 = arith.constant 0 : i32
      %dma_start3A_278 = tpu.memref_slice %arg2[%dma_start3A_276, %dma_start3A_277] : memref<1600000x16xi32, #tpu.memory_space<hbm>> -> memref<1600000x16xi32, #tpu.memory_space<hbm>>
      tpu.enqueue_indirect_dma source(%dma_start3A_278 : memref<1600000x16xi32, #tpu.memory_space<hbm>>) target(%dma_start3A_272 : memref<128x16xi32, #tpu.memory_space<vmem>>) offsets(%dma_start3A_275 : memref<128xi32, #tpu.memory_space<vmem>>) semaphore(%arg12 : memref<!tpu.dma_semaphore, #tpu.memory_space<semaphore_mem>>)
      %dma_start3A_279 = arith.constant 1 : i32
      %dma_start3A_280 = arith.constant 1 : i32
      %dma_start3A_281 = arith.constant 128 : i32
      %dma_start3A_282 = arith.constant 0 : i32
      %dma_start3A_283 = tpu.memref_slice %arg7[%dma_start3A_280, %dma_start3A_281, %dma_start3A_282] : memref<2x1024x16xi32, #tpu.memory_space<vmem>> -> memref<1x128x16xi32, #tpu.memory_space<vmem>>
      %dma_start3A_284 = tpu.memref_squeeze %dma_start3A_283 : memref<1x128x16xi32, #tpu.memory_space<vmem>> -> memref<128x16xi32, #tpu.memory_space<vmem>>
      %dma_start3A_285 = arith.constant 128 : i32
      %dma_start3A_286 = tpu.memref_slice %arg6[%dma_start3A_279, %dma_start3A_285] : memref<2x1024xi32, #tpu.memory_space<vmem>> -> memref<1x128xi32, #tpu.memory_space<vmem>>
      %dma_start3A_287 = tpu.memref_squeeze %dma_start3A_286 : memref<1x128xi32, #tpu.memory_space<vmem>> -> memref<128xi32, #tpu.memory_space<vmem>>
      %dma_start3A_288 = arith.constant 0 : i32
      %dma_start3A_289 = arith.constant 0 : i32
      %dma_start3A_290 = tpu.memref_slice %arg2[%dma_start3A_288, %dma_start3A_289] : memref<1600000x16xi32, #tpu.memory_space<hbm>> -> memref<1600000x16xi32, #tpu.memory_space<hbm>>
      tpu.enqueue_indirect_dma source(%dma_start3A_290 : memref<1600000x16xi32, #tpu.memory_space<hbm>>) target(%dma_start3A_284 : memref<128x16xi32, #tpu.memory_space<vmem>>) offsets(%dma_start3A_287 : memref<128xi32, #tpu.memory_space<vmem>>) semaphore(%arg12 : memref<!tpu.dma_semaphore, #tpu.memory_space<semaphore_mem>>)
      %dma_start3A_291 = arith.constant 1 : i32
      %dma_start3A_292 = arith.constant 1 : i32
      %dma_start3A_293 = arith.constant 256 : i32
      %dma_start3A_294 = arith.constant 0 : i32
      %dma_start3A_295 = tpu.memref_slice %arg7[%dma_start3A_292, %dma_start3A_293, %dma_start3A_294] : memref<2x1024x16xi32, #tpu.memory_space<vmem>> -> memref<1x128x16xi32, #tpu.memory_space<vmem>>
      %dma_start3A_296 = tpu.memref_squeeze %dma_start3A_295 : memref<1x128x16xi32, #tpu.memory_space<vmem>> -> memref<128x16xi32, #tpu.memory_space<vmem>>
      %dma_start3A_297 = arith.constant 256 : i32
      %dma_start3A_298 = tpu.memref_slice %arg6[%dma_start3A_291, %dma_start3A_297] : memref<2x1024xi32, #tpu.memory_space<vmem>> -> memref<1x128xi32, #tpu.memory_space<vmem>>
      %dma_start3A_299 = tpu.memref_squeeze %dma_start3A_298 : memref<1x128xi32, #tpu.memory_space<vmem>> -> memref<128xi32, #tpu.memory_space<vmem>>
      %dma_start3A_300 = arith.constant 0 : i32
      %dma_start3A_301 = arith.constant 0 : i32
      %dma_start3A_302 = tpu.memref_slice %arg2[%dma_start3A_300, %dma_start3A_301] : memref<1600000x16xi32, #tpu.memory_space<hbm>> -> memref<1600000x16xi32, #tpu.memory_space<hbm>>
      tpu.enqueue_indirect_dma source(%dma_start3A_302 : memref<1600000x16xi32, #tpu.memory_space<hbm>>) target(%dma_start3A_296 : memref<128x16xi32, #tpu.memory_space<vmem>>) offsets(%dma_start3A_299 : memref<128xi32, #tpu.memory_space<vmem>>) semaphore(%arg12 : memref<!tpu.dma_semaphore, #tpu.memory_space<semaphore_mem>>)
      %dma_start3A_303 = arith.constant 1 : i32
      %dma_start3A_304 = arith.constant 1 : i32
      %dma_start3A_305 = arith.constant 384 : i32
      %dma_start3A_306 = arith.constant 0 : i32
      %dma_start3A_307 = tpu.memref_slice %arg7[%dma_start3A_304, %dma_start3A_305, %dma_start3A_306] : memref<2x1024x16xi32, #tpu.memory_space<vmem>> -> memref<1x128x16xi32, #tpu.memory_space<vmem>>
      %dma_start3A_308 = tpu.memref_squeeze %dma_start3A_307 : memref<1x128x16xi32, #tpu.memory_space<vmem>> -> memref<128x16xi32, #tpu.memory_space<vmem>>
      %dma_start3A_309 = arith.constant 384 : i32
      %dma_start3A_310 = tpu.memref_slice %arg6[%dma_start3A_303, %dma_start3A_309] : memref<2x1024xi32, #tpu.memory_space<vmem>> -> memref<1x128xi32, #tpu.memory_space<vmem>>
      %dma_start3A_311 = tpu.memref_squeeze %dma_start3A_310 : memref<1x128xi32, #tpu.memory_space<vmem>> -> memref<128xi32, #tpu.memory_space<vmem>>
      %dma_start3A_312 = arith.constant 0 : i32
      %dma_start3A_313 = arith.constant 0 : i32
      %dma_start3A_314 = tpu.memref_slice %arg2[%dma_start3A_312, %dma_start3A_313] : memref<1600000x16xi32, #tpu.memory_space<hbm>> -> memref<1600000x16xi32, #tpu.memory_space<hbm>>
      tpu.enqueue_indirect_dma source(%dma_start3A_314 : memref<1600000x16xi32, #tpu.memory_space<hbm>>) target(%dma_start3A_308 : memref<128x16xi32, #tpu.memory_space<vmem>>) offsets(%dma_start3A_311 : memref<128xi32, #tpu.memory_space<vmem>>) semaphore(%arg12 : memref<!tpu.dma_semaphore, #tpu.memory_space<semaphore_mem>>)
      %dma_start3A_315 = arith.constant 1 : i32
      %dma_start3A_316 = arith.constant 1 : i32
      %dma_start3A_317 = arith.constant 512 : i32
      %dma_start3A_318 = arith.constant 0 : i32
      %dma_start3A_319 = tpu.memref_slice %arg7[%dma_start3A_316, %dma_start3A_317, %dma_start3A_318] : memref<2x1024x16xi32, #tpu.memory_space<vmem>> -> memref<1x128x16xi32, #tpu.memory_space<vmem>>
      %dma_start3A_320 = tpu.memref_squeeze %dma_start3A_319 : memref<1x128x16xi32, #tpu.memory_space<vmem>> -> memref<128x16xi32, #tpu.memory_space<vmem>>
      %dma_start3A_321 = arith.constant 512 : i32
      %dma_start3A_322 = tpu.memref_slice %arg6[%dma_start3A_315, %dma_start3A_321] : memref<2x1024xi32, #tpu.memory_space<vmem>> -> memref<1x128xi32, #tpu.memory_space<vmem>>
      %dma_start3A_323 = tpu.memref_squeeze %dma_start3A_322 : memref<1x128xi32, #tpu.memory_space<vmem>> -> memref<128xi32, #tpu.memory_space<vmem>>
      %dma_start3A_324 = arith.constant 0 : i32
      %dma_start3A_325 = arith.constant 0 : i32
      %dma_start3A_326 = tpu.memref_slice %arg2[%dma_start3A_324, %dma_start3A_325] : memref<1600000x16xi32, #tpu.memory_space<hbm>> -> memref<1600000x16xi32, #tpu.memory_space<hbm>>
      tpu.enqueue_indirect_dma source(%dma_start3A_326 : memref<1600000x16xi32, #tpu.memory_space<hbm>>) target(%dma_start3A_320 : memref<128x16xi32, #tpu.memory_space<vmem>>) offsets(%dma_start3A_323 : memref<128xi32, #tpu.memory_space<vmem>>) semaphore(%arg12 : memref<!tpu.dma_semaphore, #tpu.memory_space<semaphore_mem>>)
      %dma_start3A_327 = arith.constant 1 : i32
      %dma_start3A_328 = arith.constant 1 : i32
      %dma_start3A_329 = arith.constant 640 : i32
      %dma_start3A_330 = arith.constant 0 : i32
      %dma_start3A_331 = tpu.memref_slice %arg7[%dma_start3A_328, %dma_start3A_329, %dma_start3A_330] : memref<2x1024x16xi32, #tpu.memory_space<vmem>> -> memref<1x128x16xi32, #tpu.memory_space<vmem>>
      %dma_start3A_332 = tpu.memref_squeeze %dma_start3A_331 : memref<1x128x16xi32, #tpu.memory_space<vmem>> -> memref<128x16xi32, #tpu.memory_space<vmem>>
      %dma_start3A_333 = arith.constant 640 : i32
      %dma_start3A_334 = tpu.memref_slice %arg6[%dma_start3A_327, %dma_start3A_333] : memref<2x1024xi32, #tpu.memory_space<vmem>> -> memref<1x128xi32, #tpu.memory_space<vmem>>
      %dma_start3A_335 = tpu.memref_squeeze %dma_start3A_334 : memref<1x128xi32, #tpu.memory_space<vmem>> -> memref<128xi32, #tpu.memory_space<vmem>>
      %dma_start3A_336 = arith.constant 0 : i32
      %dma_start3A_337 = arith.constant 0 : i32
      %dma_start3A_338 = tpu.memref_slice %arg2[%dma_start3A_336, %dma_start3A_337] : memref<1600000x16xi32, #tpu.memory_space<hbm>> -> memref<1600000x16xi32, #tpu.memory_space<hbm>>
      tpu.enqueue_indirect_dma source(%dma_start3A_338 : memref<1600000x16xi32, #tpu.memory_space<hbm>>) target(%dma_start3A_332 : memref<128x16xi32, #tpu.memory_space<vmem>>) offsets(%dma_start3A_335 : memref<128xi32, #tpu.memory_space<vmem>>) semaphore(%arg12 : memref<!tpu.dma_semaphore, #tpu.memory_space<semaphore_mem>>)
      %dma_start3A_339 = arith.constant 1 : i32
      %dma_start3A_340 = arith.constant 1 : i32
      %dma_start3A_341 = arith.constant 768 : i32
      %dma_start3A_342 = arith.constant 0 : i32
      %dma_start3A_343 = tpu.memref_slice %arg7[%dma_start3A_340, %dma_start3A_341, %dma_start3A_342] : memref<2x1024x16xi32, #tpu.memory_space<vmem>> -> memref<1x128x16xi32, #tpu.memory_space<vmem>>
      %dma_start3A_344 = tpu.memref_squeeze %dma_start3A_343 : memref<1x128x16xi32, #tpu.memory_space<vmem>> -> memref<128x16xi32, #tpu.memory_space<vmem>>
      %dma_start3A_345 = arith.constant 768 : i32
      %dma_start3A_346 = tpu.memref_slice %arg6[%dma_start3A_339, %dma_start3A_345] : memref<2x1024xi32, #tpu.memory_space<vmem>> -> memref<1x128xi32, #tpu.memory_space<vmem>>
      %dma_start3A_347 = tpu.memref_squeeze %dma_start3A_346 : memref<1x128xi32, #tpu.memory_space<vmem>> -> memref<128xi32, #tpu.memory_space<vmem>>
      %dma_start3A_348 = arith.constant 0 : i32
      %dma_start3A_349 = arith.constant 0 : i32
      %dma_start3A_350 = tpu.memref_slice %arg2[%dma_start3A_348, %dma_start3A_349] : memref<1600000x16xi32, #tpu.memory_space<hbm>> -> memref<1600000x16xi32, #tpu.memory_space<hbm>>
      tpu.enqueue_indirect_dma source(%dma_start3A_350 : memref<1600000x16xi32, #tpu.memory_space<hbm>>) target(%dma_start3A_344 : memref<128x16xi32, #tpu.memory_space<vmem>>) offsets(%dma_start3A_347 : memref<128xi32, #tpu.memory_space<vmem>>) semaphore(%arg12 : memref<!tpu.dma_semaphore, #tpu.memory_space<semaphore_mem>>)
      %dma_start3A_351 = arith.constant 1 : i32
      %dma_start3A_352 = arith.constant 1 : i32
      %dma_start3A_353 = arith.constant 896 : i32
      %dma_start3A_354 = arith.constant 0 : i32
      %dma_start3A_355 = tpu.memref_slice %arg7[%dma_start3A_352, %dma_start3A_353, %dma_start3A_354] : memref<2x1024x16xi32, #tpu.memory_space<vmem>> -> memref<1x128x16xi32, #tpu.memory_space<vmem>>
      %dma_start3A_356 = tpu.memref_squeeze %dma_start3A_355 : memref<1x128x16xi32, #tpu.memory_space<vmem>> -> memref<128x16xi32, #tpu.memory_space<vmem>>
      %dma_start3A_357 = arith.constant 896 : i32
      %dma_start3A_358 = tpu.memref_slice %arg6[%dma_start3A_351, %dma_start3A_357] : memref<2x1024xi32, #tpu.memory_space<vmem>> -> memref<1x128xi32, #tpu.memory_space<vmem>>
      %dma_start3A_359 = tpu.memref_squeeze %dma_start3A_358 : memref<1x128xi32, #tpu.memory_space<vmem>> -> memref<128xi32, #tpu.memory_space<vmem>>
      %dma_start3A_360 = arith.constant 0 : i32
      %dma_start3A_361 = arith.constant 0 : i32
      %dma_start3A_362 = tpu.memref_slice %arg2[%dma_start3A_360, %dma_start3A_361] : memref<1600000x16xi32, #tpu.memory_space<hbm>> -> memref<1600000x16xi32, #tpu.memory_space<hbm>>
      tpu.enqueue_indirect_dma source(%dma_start3A_362 : memref<1600000x16xi32, #tpu.memory_space<hbm>>) target(%dma_start3A_356 : memref<128x16xi32, #tpu.memory_space<vmem>>) offsets(%dma_start3A_359 : memref<128xi32, #tpu.memory_space<vmem>>) semaphore(%arg12 : memref<!tpu.dma_semaphore, #tpu.memory_space<semaphore_mem>>)
      %add3A_363 = arith.constant 2 : i32
      %add3A_364 = arith.addi %mul3A_249, %add3A_363 : i32
      %mul3A_365 = arith.constant 64 : i32
      %mul3A_366 = arith.muli %add3A_364, %mul3A_365 : i32
      %add3A_367 = arith.addi %mul3A_2, %mul3A_366 : i32
      %min3A_368 = arith.constant 49936 : i32
      %min3A_369 = arith.minsi %add3A_367, %min3A_368 : i32
      %mul3A_370 = arith.constant 16 : i32
      %mul3A_371 = arith.muli %min3A_369, %mul3A_370 : i32
      %dma_start3A_372 = arith.constant 0 : i32
      %dma_start3A_373 = arith.constant 0 : i32
      %dma_start3A_374 = tpu.memref_slice %arg5[%dma_start3A_372, %dma_start3A_373] : memref<2x1024xi32, #tpu.memory_space<vmem>> -> memref<1x1024xi32, #tpu.memory_space<vmem>>
      %dma_start3A_375 = tpu.memref_squeeze %dma_start3A_374 : memref<1x1024xi32, #tpu.memory_space<vmem>> -> memref<1024xi32, #tpu.memory_space<vmem>>
      %dma_start3A_376 = tpu.memref_slice %arg3[%mul3A_371] : memref<800000xi32, #tpu.memory_space<hbm>> -> memref<1024xi32, #tpu.memory_space<hbm>>
      %dma_start3A_377 = arith.constant 0 : i32
      %dma_start3A_378 = tpu.memref_slice %arg5[%dma_start3A_372, %dma_start3A_377] : memref<2x1024xi32, #tpu.memory_space<vmem>> -> memref<1x1024xi32, #tpu.memory_space<vmem>>
      %dma_start3A_379 = tpu.memref_squeeze %dma_start3A_378 : memref<1x1024xi32, #tpu.memory_space<vmem>> -> memref<1024xi32, #tpu.memory_space<vmem>>
      %dma_start3A_380 = tpu.memref_slice %arg3[%mul3A_371] : memref<800000xi32, #tpu.memory_space<hbm>> -> memref<1024xi32, #tpu.memory_space<hbm>>
      tpu.enqueue_dma source(%dma_start3A_380 : memref<1024xi32, #tpu.memory_space<hbm>>) target(%dma_start3A_379 : memref<1024xi32, #tpu.memory_space<vmem>>) target_semaphore(%arg9 : memref<!tpu.dma_semaphore, #tpu.memory_space<semaphore_mem>>)
      %dma_wait3A_381 = arith.constant 0 : i32
      %dma_wait3A_382 = arith.constant 0 : i32
      %dma_wait3A_383 = arith.constant 0 : i32
      %dma_wait3A_384 = tpu.memref_slice %arg7[%dma_wait3A_381, %dma_wait3A_382, %dma_wait3A_383] : memref<2x1024x16xi32, #tpu.memory_space<vmem>> -> memref<1x1024x16xi32, #tpu.memory_space<vmem>>
      %dma_wait3A_385 = tpu.memref_squeeze %dma_wait3A_384 : memref<1x1024x16xi32, #tpu.memory_space<vmem>> -> memref<1024x16xi32, #tpu.memory_space<vmem>>
      %dma_wait3A_386 = arith.constant 0 : i32
      %dma_wait3A_387 = arith.constant 0 : i32
      %dma_wait3A_388 = tpu.memref_slice %arg2[%dma_wait3A_386, %dma_wait3A_387] : memref<1600000x16xi32, #tpu.memory_space<hbm>> -> memref<1024x16xi32, #tpu.memory_space<hbm>>
      %dma_wait3A_389 = arith.constant 0 : i32
      %dma_wait3A_390 = arith.constant 0 : i32
      %dma_wait3A_391 = tpu.memref_slice %arg7[%dma_wait3A_381, %dma_wait3A_389, %dma_wait3A_390] : memref<2x1024x16xi32, #tpu.memory_space<vmem>> -> memref<1x1024x16xi32, #tpu.memory_space<vmem>>
      %dma_wait3A_392 = tpu.memref_squeeze %dma_wait3A_391 : memref<1x1024x16xi32, #tpu.memory_space<vmem>> -> memref<1024x16xi32, #tpu.memory_space<vmem>>
      %dma_wait3A_393 = arith.constant 0 : i32
      %dma_wait3A_394 = arith.constant 0 : i32
      %dma_wait3A_395 = tpu.memref_slice %arg2[%dma_wait3A_393, %dma_wait3A_394] : memref<1600000x16xi32, #tpu.memory_space<hbm>> -> memref<1024x16xi32, #tpu.memory_space<hbm>>
      tpu.wait_dma2 semaphore(%arg11 : memref<!tpu.dma_semaphore, #tpu.memory_space<semaphore_mem>>) src(%dma_wait3A_395 : memref<1024x16xi32, #tpu.memory_space<hbm>>) dst(%dma_wait3A_392 : memref<1024x16xi32, #tpu.memory_space<vmem>>)
      %gt3A = arith.constant 0 : i32
      %gt3A_396 = arith.cmpi sgt, %scan3A_247, %gt3A : i32
      %convert_element_type3A = arith.extui %gt3A_396 : i1 to i32
      %cond3A = arith.constant 0 : i32
      %cond3A_397 = arith.cmpi ne, %convert_element_type3A, %cond3A : i32
      scf.if %cond3A_397 {
        %dma_wait3A_633 = arith.constant 0 : i32
        %dma_wait3A_634 = arith.constant 0 : i32
        %dma_wait3A_635 = arith.constant 0 : i32
        %dma_wait3A_636 = tpu.memref_slice %arg8[%dma_wait3A_633, %dma_wait3A_634, %dma_wait3A_635] : memref<2x16x128xf32, #tpu.memory_space<vmem>> -> memref<1x16x128xf32, #tpu.memory_space<vmem>>
        %dma_wait3A_637 = tpu.memref_squeeze %dma_wait3A_636 : memref<1x16x128xf32, #tpu.memory_space<vmem>> -> memref<16x128xf32, #tpu.memory_space<vmem>>
        %dma_wait3A_638 = arith.constant 0 : i32
        %dma_wait3A_639 = arith.constant 0 : i32
        %dma_wait3A_640 = tpu.memref_slice %arg4[%dma_wait3A_638, %dma_wait3A_639] : memref<12500x128xf32, #tpu.memory_space<hbm>> -> memref<16x128xf32, #tpu.memory_space<hbm>>
        %dma_wait3A_641 = arith.constant 0 : i32
        %dma_wait3A_642 = arith.constant 0 : i32
        %dma_wait3A_643 = tpu.memref_slice %arg4[%dma_wait3A_641, %dma_wait3A_642] : memref<12500x128xf32, #tpu.memory_space<hbm>> -> memref<16x128xf32, #tpu.memory_space<hbm>>
        %dma_wait3A_644 = arith.constant 0 : i32
        %dma_wait3A_645 = arith.constant 0 : i32
        %dma_wait3A_646 = tpu.memref_slice %arg8[%dma_wait3A_633, %dma_wait3A_644, %dma_wait3A_645] : memref<2x16x128xf32, #tpu.memory_space<vmem>> -> memref<1x16x128xf32, #tpu.memory_space<vmem>>
        %dma_wait3A_647 = tpu.memref_squeeze %dma_wait3A_646 : memref<1x16x128xf32, #tpu.memory_space<vmem>> -> memref<16x128xf32, #tpu.memory_space<vmem>>
        tpu.wait_dma2 semaphore(%arg13 : memref<!tpu.dma_semaphore, #tpu.memory_space<semaphore_mem>>) src(%dma_wait3A_647 : memref<16x128xf32, #tpu.memory_space<vmem>>) dst(%dma_wait3A_643 : memref<16x128xf32, #tpu.memory_space<hbm>>)
      } else {
      }
      %scan3A_398 = arith.constant 0 : i32
      %scan3A_399 = arith.constant 0 : i32
      %scan3A_400 = arith.constant 64 : i32
      %scan3A_401 = arith.addi %scan3A_399, %scan3A_400 : i32
      %scan3A_402 = arith.constant 2 : i32
      scf.for %scan3A_633 = %scan3A_399 to %scan3A_401 step %scan3A_402  : i32 {
        %mul3A_634 = arith.constant 16 : i32
        %mul3A_635 = arith.muli %scan3A_633, %mul3A_634 : i32
        %add3A_636 = arith.constant 0 : i32
        %add3A_637 = arith.addi %mul3A_635, %add3A_636 : i32
        %get3A = arith.constant 0 : i32
        %get3A_638 = arith.index_cast %get3A : i32 to index
        %get3A_639 = arith.index_cast %add3A_637 : i32 to index
        %get3A_640 = arith.constant 0 : index
        %get3A_641 = tpu.vector_load %arg7[%get3A_638, %get3A_639, %get3A_640] {strides = array<i32>} : memref<2x1024x16xi32, #tpu.memory_space<vmem>>, vector<16xi32>,
        %bitcast3A = vector.bitcast %get3A_641 : vector<16xi32> to vector<32xbf16>
        %unpack3A = tpu.unpack_subelements %bitcast3A, 0 {pack_format = #tpu.pack_format<interleaved>} : vector<32xbf16> -> vector<16xf32>
        %unpack3A_642 = tpu.unpack_subelements %bitcast3A, 1 {pack_format = #tpu.pack_format<interleaved>} : vector<32xbf16> -> vector<16xf32>
        %add3A_643 = arith.constant 1 : i32
        %add3A_644 = arith.addi %mul3A_635, %add3A_643 : i32
        %get3A_645 = arith.constant 0 : i32
        %get3A_646 = arith.index_cast %get3A_645 : i32 to index
        %get3A_647 = arith.index_cast %add3A_644 : i32 to index
        %get3A_648 = arith.constant 0 : index
        %get3A_649 = tpu.vector_load %arg7[%get3A_646, %get3A_647, %get3A_648] {strides = array<i32>} : memref<2x1024x16xi32, #tpu.memory_space<vmem>>, vector<16xi32>,
        %bitcast3A_650 = vector.bitcast %get3A_649 : vector<16xi32> to vector<32xbf16>
        %unpack3A_651 = tpu.unpack_subelements %bitcast3A_650, 0 {pack_format = #tpu.pack_format<interleaved>} : vector<32xbf16> -> vector<16xf32>
        %unpack3A_652 = tpu.unpack_subelements %bitcast3A_650, 1 {pack_format = #tpu.pack_format<interleaved>} : vector<32xbf16> -> vector<16xf32>
        %add3A_653 = arith.addf %unpack3A, %unpack3A_651 : vector<16xf32>
        %add3A_654 = arith.addf %unpack3A_642, %unpack3A_652 : vector<16xf32>
        %add3A_655 = arith.constant 2 : i32
        %add3A_656 = arith.addi %mul3A_635, %add3A_655 : i32
        %get3A_657 = arith.constant 0 : i32
        %get3A_658 = arith.index_cast %get3A_657 : i32 to index
        %get3A_659 = arith.index_cast %add3A_656 : i32 to index
        %get3A_660 = arith.constant 0 : index
        %get3A_661 = tpu.vector_load %arg7[%get3A_658, %get3A_659, %get3A_660] {strides = array<i32>} : memref<2x1024x16xi32, #tpu.memory_space<vmem>>, vector<16xi32>,
        %bitcast3A_662 = vector.bitcast %get3A_661 : vector<16xi32> to vector<32xbf16>
        %unpack3A_663 = tpu.unpack_subelements %bitcast3A_662, 0 {pack_format = #tpu.pack_format<interleaved>} : vector<32xbf16> -> vector<16xf32>
        %unpack3A_664 = tpu.unpack_subelements %bitcast3A_662, 1 {pack_format = #tpu.pack_format<interleaved>} : vector<32xbf16> -> vector<16xf32>
        %add3A_665 = arith.addf %add3A_653, %unpack3A_663 : vector<16xf32>
        %add3A_666 = arith.addf %add3A_654, %unpack3A_664 : vector<16xf32>
        %add3A_667 = arith.constant 3 : i32
        %add3A_668 = arith.addi %mul3A_635, %add3A_667 : i32
        %get3A_669 = arith.constant 0 : i32
        %get3A_670 = arith.index_cast %get3A_669 : i32 to index
        %get3A_671 = arith.index_cast %add3A_668 : i32 to index
        %get3A_672 = arith.constant 0 : index
        %get3A_673 = tpu.vector_load %arg7[%get3A_670, %get3A_671, %get3A_672] {strides = array<i32>} : memref<2x1024x16xi32, #tpu.memory_space<vmem>>, vector<16xi32>,
        %bitcast3A_674 = vector.bitcast %get3A_673 : vector<16xi32> to vector<32xbf16>
        %unpack3A_675 = tpu.unpack_subelements %bitcast3A_674, 0 {pack_format = #tpu.pack_format<interleaved>} : vector<32xbf16> -> vector<16xf32>
        %unpack3A_676 = tpu.unpack_subelements %bitcast3A_674, 1 {pack_format = #tpu.pack_format<interleaved>} : vector<32xbf16> -> vector<16xf32>
        %add3A_677 = arith.addf %add3A_665, %unpack3A_675 : vector<16xf32>
        %add3A_678 = arith.addf %add3A_666, %unpack3A_676 : vector<16xf32>
        %add3A_679 = arith.constant 4 : i32
        %add3A_680 = arith.addi %mul3A_635, %add3A_679 : i32
        %get3A_681 = arith.constant 0 : i32
        %get3A_682 = arith.index_cast %get3A_681 : i32 to index
        %get3A_683 = arith.index_cast %add3A_680 : i32 to index
        %get3A_684 = arith.constant 0 : index
        %get3A_685 = tpu.vector_load %arg7[%get3A_682, %get3A_683, %get3A_684] {strides = array<i32>} : memref<2x1024x16xi32, #tpu.memory_space<vmem>>, vector<16xi32>,
        %bitcast3A_686 = vector.bitcast %get3A_685 : vector<16xi32> to vector<32xbf16>
        %unpack3A_687 = tpu.unpack_subelements %bitcast3A_686, 0 {pack_format = #tpu.pack_format<interleaved>} : vector<32xbf16> -> vector<16xf32>
        %unpack3A_688 = tpu.unpack_subelements %bitcast3A_686, 1 {pack_format = #tpu.pack_format<interleaved>} : vector<32xbf16> -> vector<16xf32>
        %add3A_689 = arith.addf %add3A_677, %unpack3A_687 : vector<16xf32>
        %add3A_690 = arith.addf %add3A_678, %unpack3A_688 : vector<16xf32>
        %add3A_691 = arith.constant 5 : i32
        %add3A_692 = arith.addi %mul3A_635, %add3A_691 : i32
        %get3A_693 = arith.constant 0 : i32
        %get3A_694 = arith.index_cast %get3A_693 : i32 to index
        %get3A_695 = arith.index_cast %add3A_692 : i32 to index
        %get3A_696 = arith.constant 0 : index
        %get3A_697 = tpu.vector_load %arg7[%get3A_694, %get3A_695, %get3A_696] {strides = array<i32>} : memref<2x1024x16xi32, #tpu.memory_space<vmem>>, vector<16xi32>,
        %bitcast3A_698 = vector.bitcast %get3A_697 : vector<16xi32> to vector<32xbf16>
        %unpack3A_699 = tpu.unpack_subelements %bitcast3A_698, 0 {pack_format = #tpu.pack_format<interleaved>} : vector<32xbf16> -> vector<16xf32>
        %unpack3A_700 = tpu.unpack_subelements %bitcast3A_698, 1 {pack_format = #tpu.pack_format<interleaved>} : vector<32xbf16> -> vector<16xf32>
        %add3A_701 = arith.addf %add3A_689, %unpack3A_699 : vector<16xf32>
        %add3A_702 = arith.addf %add3A_690, %unpack3A_700 : vector<16xf32>
        %add3A_703 = arith.constant 6 : i32
        %add3A_704 = arith.addi %mul3A_635, %add3A_703 : i32
        %get3A_705 = arith.constant 0 : i32
        %get3A_706 = arith.index_cast %get3A_705 : i32 to index
        %get3A_707 = arith.index_cast %add3A_704 : i32 to index
        %get3A_708 = arith.constant 0 : index
        %get3A_709 = tpu.vector_load %arg7[%get3A_706, %get3A_707, %get3A_708] {strides = array<i32>} : memref<2x1024x16xi32, #tpu.memory_space<vmem>>, vector<16xi32>,
        %bitcast3A_710 = vector.bitcast %get3A_709 : vector<16xi32> to vector<32xbf16>
        %unpack3A_711 = tpu.unpack_subelements %bitcast3A_710, 0 {pack_format = #tpu.pack_format<interleaved>} : vector<32xbf16> -> vector<16xf32>
        %unpack3A_712 = tpu.unpack_subelements %bitcast3A_710, 1 {pack_format = #tpu.pack_format<interleaved>} : vector<32xbf16> -> vector<16xf32>
        %add3A_713 = arith.addf %add3A_701, %unpack3A_711 : vector<16xf32>
        %add3A_714 = arith.addf %add3A_702, %unpack3A_712 : vector<16xf32>
        %add3A_715 = arith.constant 7 : i32
        %add3A_716 = arith.addi %mul3A_635, %add3A_715 : i32
        %get3A_717 = arith.constant 0 : i32
        %get3A_718 = arith.index_cast %get3A_717 : i32 to index
        %get3A_719 = arith.index_cast %add3A_716 : i32 to index
        %get3A_720 = arith.constant 0 : index
        %get3A_721 = tpu.vector_load %arg7[%get3A_718, %get3A_719, %get3A_720] {strides = array<i32>} : memref<2x1024x16xi32, #tpu.memory_space<vmem>>, vector<16xi32>,
        %bitcast3A_722 = vector.bitcast %get3A_721 : vector<16xi32> to vector<32xbf16>
        %unpack3A_723 = tpu.unpack_subelements %bitcast3A_722, 0 {pack_format = #tpu.pack_format<interleaved>} : vector<32xbf16> -> vector<16xf32>
        %unpack3A_724 = tpu.unpack_subelements %bitcast3A_722, 1 {pack_format = #tpu.pack_format<interleaved>} : vector<32xbf16> -> vector<16xf32>
        %add3A_725 = arith.addf %add3A_713, %unpack3A_723 : vector<16xf32>
        %add3A_726 = arith.addf %add3A_714, %unpack3A_724 : vector<16xf32>
        %add3A_727 = arith.constant 8 : i32
        %add3A_728 = arith.addi %mul3A_635, %add3A_727 : i32
        %get3A_729 = arith.constant 0 : i32
        %get3A_730 = arith.index_cast %get3A_729 : i32 to index
        %get3A_731 = arith.index_cast %add3A_728 : i32 to index
        %get3A_732 = arith.constant 0 : index
        %get3A_733 = tpu.vector_load %arg7[%get3A_730, %get3A_731, %get3A_732] {strides = array<i32>} : memref<2x1024x16xi32, #tpu.memory_space<vmem>>, vector<16xi32>,
        %bitcast3A_734 = vector.bitcast %get3A_733 : vector<16xi32> to vector<32xbf16>
        %unpack3A_735 = tpu.unpack_subelements %bitcast3A_734, 0 {pack_format = #tpu.pack_format<interleaved>} : vector<32xbf16> -> vector<16xf32>
        %unpack3A_736 = tpu.unpack_subelements %bitcast3A_734, 1 {pack_format = #tpu.pack_format<interleaved>} : vector<32xbf16> -> vector<16xf32>
        %add3A_737 = arith.addf %add3A_725, %unpack3A_735 : vector<16xf32>
        %add3A_738 = arith.addf %add3A_726, %unpack3A_736 : vector<16xf32>
        %add3A_739 = arith.constant 9 : i32
        %add3A_740 = arith.addi %mul3A_635, %add3A_739 : i32
        %get3A_741 = arith.constant 0 : i32
        %get3A_742 = arith.index_cast %get3A_741 : i32 to index
        %get3A_743 = arith.index_cast %add3A_740 : i32 to index
        %get3A_744 = arith.constant 0 : index
        %get3A_745 = tpu.vector_load %arg7[%get3A_742, %get3A_743, %get3A_744] {strides = array<i32>} : memref<2x1024x16xi32, #tpu.memory_space<vmem>>, vector<16xi32>,
        %bitcast3A_746 = vector.bitcast %get3A_745 : vector<16xi32> to vector<32xbf16>
        %unpack3A_747 = tpu.unpack_subelements %bitcast3A_746, 0 {pack_format = #tpu.pack_format<interleaved>} : vector<32xbf16> -> vector<16xf32>
        %unpack3A_748 = tpu.unpack_subelements %bitcast3A_746, 1 {pack_format = #tpu.pack_format<interleaved>} : vector<32xbf16> -> vector<16xf32>
        %add3A_749 = arith.addf %add3A_737, %unpack3A_747 : vector<16xf32>
        %add3A_750 = arith.addf %add3A_738, %unpack3A_748 : vector<16xf32>
        %add3A_751 = arith.constant 10 : i32
        %add3A_752 = arith.addi %mul3A_635, %add3A_751 : i32
        %get3A_753 = arith.constant 0 : i32
        %get3A_754 = arith.index_cast %get3A_753 : i32 to index
        %get3A_755 = arith.index_cast %add3A_752 : i32 to index
        %get3A_756 = arith.constant 0 : index
        %get3A_757 = tpu.vector_load %arg7[%get3A_754, %get3A_755, %get3A_756] {strides = array<i32>} : memref<2x1024x16xi32, #tpu.memory_space<vmem>>, vector<16xi32>,
        %bitcast3A_758 = vector.bitcast %get3A_757 : vector<16xi32> to vector<32xbf16>
        %unpack3A_759 = tpu.unpack_subelements %bitcast3A_758, 0 {pack_format = #tpu.pack_format<interleaved>} : vector<32xbf16> -> vector<16xf32>
        %unpack3A_760 = tpu.unpack_subelements %bitcast3A_758, 1 {pack_format = #tpu.pack_format<interleaved>} : vector<32xbf16> -> vector<16xf32>
        %add3A_761 = arith.addf %add3A_749, %unpack3A_759 : vector<16xf32>
        %add3A_762 = arith.addf %add3A_750, %unpack3A_760 : vector<16xf32>
        %add3A_763 = arith.constant 11 : i32
        %add3A_764 = arith.addi %mul3A_635, %add3A_763 : i32
        %get3A_765 = arith.constant 0 : i32
        %get3A_766 = arith.index_cast %get3A_765 : i32 to index
        %get3A_767 = arith.index_cast %add3A_764 : i32 to index
        %get3A_768 = arith.constant 0 : index
        %get3A_769 = tpu.vector_load %arg7[%get3A_766, %get3A_767, %get3A_768] {strides = array<i32>} : memref<2x1024x16xi32, #tpu.memory_space<vmem>>, vector<16xi32>,
        %bitcast3A_770 = vector.bitcast %get3A_769 : vector<16xi32> to vector<32xbf16>
        %unpack3A_771 = tpu.unpack_subelements %bitcast3A_770, 0 {pack_format = #tpu.pack_format<interleaved>} : vector<32xbf16> -> vector<16xf32>
        %unpack3A_772 = tpu.unpack_subelements %bitcast3A_770, 1 {pack_format = #tpu.pack_format<interleaved>} : vector<32xbf16> -> vector<16xf32>
        %add3A_773 = arith.addf %add3A_761, %unpack3A_771 : vector<16xf32>
        %add3A_774 = arith.addf %add3A_762, %unpack3A_772 : vector<16xf32>
        %add3A_775 = arith.constant 12 : i32
        %add3A_776 = arith.addi %mul3A_635, %add3A_775 : i32
        %get3A_777 = arith.constant 0 : i32
        %get3A_778 = arith.index_cast %get3A_777 : i32 to index
        %get3A_779 = arith.index_cast %add3A_776 : i32 to index
        %get3A_780 = arith.constant 0 : index
        %get3A_781 = tpu.vector_load %arg7[%get3A_778, %get3A_779, %get3A_780] {strides = array<i32>} : memref<2x1024x16xi32, #tpu.memory_space<vmem>>, vector<16xi32>,
        %bitcast3A_782 = vector.bitcast %get3A_781 : vector<16xi32> to vector<32xbf16>
        %unpack3A_783 = tpu.unpack_subelements %bitcast3A_782, 0 {pack_format = #tpu.pack_format<interleaved>} : vector<32xbf16> -> vector<16xf32>
        %unpack3A_784 = tpu.unpack_subelements %bitcast3A_782, 1 {pack_format = #tpu.pack_format<interleaved>} : vector<32xbf16> -> vector<16xf32>
        %add3A_785 = arith.addf %add3A_773, %unpack3A_783 : vector<16xf32>
        %add3A_786 = arith.addf %add3A_774, %unpack3A_784 : vector<16xf32>
        %add3A_787 = arith.constant 13 : i32
        %add3A_788 = arith.addi %mul3A_635, %add3A_787 : i32
        %get3A_789 = arith.constant 0 : i32
        %get3A_790 = arith.index_cast %get3A_789 : i32 to index
        %get3A_791 = arith.index_cast %add3A_788 : i32 to index
        %get3A_792 = arith.constant 0 : index
        %get3A_793 = tpu.vector_load %arg7[%get3A_790, %get3A_791, %get3A_792] {strides = array<i32>} : memref<2x1024x16xi32, #tpu.memory_space<vmem>>, vector<16xi32>,
        %bitcast3A_794 = vector.bitcast %get3A_793 : vector<16xi32> to vector<32xbf16>
        %unpack3A_795 = tpu.unpack_subelements %bitcast3A_794, 0 {pack_format = #tpu.pack_format<interleaved>} : vector<32xbf16> -> vector<16xf32>
        %unpack3A_796 = tpu.unpack_subelements %bitcast3A_794, 1 {pack_format = #tpu.pack_format<interleaved>} : vector<32xbf16> -> vector<16xf32>
        %add3A_797 = arith.addf %add3A_785, %unpack3A_795 : vector<16xf32>
        %add3A_798 = arith.addf %add3A_786, %unpack3A_796 : vector<16xf32>
        %add3A_799 = arith.constant 14 : i32
        %add3A_800 = arith.addi %mul3A_635, %add3A_799 : i32
        %get3A_801 = arith.constant 0 : i32
        %get3A_802 = arith.index_cast %get3A_801 : i32 to index
        %get3A_803 = arith.index_cast %add3A_800 : i32 to index
        %get3A_804 = arith.constant 0 : index
        %get3A_805 = tpu.vector_load %arg7[%get3A_802, %get3A_803, %get3A_804] {strides = array<i32>} : memref<2x1024x16xi32, #tpu.memory_space<vmem>>, vector<16xi32>,
        %bitcast3A_806 = vector.bitcast %get3A_805 : vector<16xi32> to vector<32xbf16>
        %unpack3A_807 = tpu.unpack_subelements %bitcast3A_806, 0 {pack_format = #tpu.pack_format<interleaved>} : vector<32xbf16> -> vector<16xf32>
        %unpack3A_808 = tpu.unpack_subelements %bitcast3A_806, 1 {pack_format = #tpu.pack_format<interleaved>} : vector<32xbf16> -> vector<16xf32>
        %add3A_809 = arith.addf %add3A_797, %unpack3A_807 : vector<16xf32>
        %add3A_810 = arith.addf %add3A_798, %unpack3A_808 : vector<16xf32>
        %add3A_811 = arith.constant 15 : i32
        %add3A_812 = arith.addi %mul3A_635, %add3A_811 : i32
        %get3A_813 = arith.constant 0 : i32
        %get3A_814 = arith.index_cast %get3A_813 : i32 to index
        %get3A_815 = arith.index_cast %add3A_812 : i32 to index
        %get3A_816 = arith.constant 0 : index
        %get3A_817 = tpu.vector_load %arg7[%get3A_814, %get3A_815, %get3A_816] {strides = array<i32>} : memref<2x1024x16xi32, #tpu.memory_space<vmem>>, vector<16xi32>,
        %bitcast3A_818 = vector.bitcast %get3A_817 : vector<16xi32> to vector<32xbf16>
        %unpack3A_819 = tpu.unpack_subelements %bitcast3A_818, 0 {pack_format = #tpu.pack_format<interleaved>} : vector<32xbf16> -> vector<16xf32>
        %unpack3A_820 = tpu.unpack_subelements %bitcast3A_818, 1 {pack_format = #tpu.pack_format<interleaved>} : vector<32xbf16> -> vector<16xf32>
        %add3A_821 = arith.addf %add3A_809, %unpack3A_819 : vector<16xf32>
        %add3A_822 = arith.addf %add3A_810, %unpack3A_820 : vector<16xf32>
        %jit3A_823 = arith.constant 4 : i32
        %eq3A = arith.constant 0 : i32
        %eq3A_824 = arith.cmpi eq, %jit3A_823, %eq3A : i32
        %jit3A_825 = arith.constant 1 : i32
        %select_n3A_826 = arith.select %eq3A_824, %jit3A_825, %jit3A_823 : i32
        %rem3A_827 = arith.remsi %scan3A_633, %select_n3A_826 : i32
        %ne3A_828 = arith.constant 0 : i32
        %ne3A_829 = arith.cmpi ne, %rem3A_827, %ne3A_828 : i32
        %lt3A_830 = arith.constant 0 : i32
        %lt3A_831 = arith.cmpi slt, %rem3A_827, %lt3A_830 : i32
        %lt3A_832 = arith.constant 0 : i32
        %lt3A_833 = arith.cmpi slt, %select_n3A_826, %lt3A_832 : i32
        %ne3A_834 = arith.xori %lt3A_831, %lt3A_833 : i1
        %and3A_835 = arith.andi %ne3A_834, %ne3A_829 : i1
        %add3A_836 = arith.addi %rem3A_827, %select_n3A_826 : i32
        %select_n3A_837 = arith.select %and3A_835, %add3A_836, %rem3A_827 : i32
        %mul3A_838 = arith.constant 32 : i32
        %mul3A_839 = arith.muli %select_n3A_837, %mul3A_838 : i32
        %jit3A_840 = arith.constant 4 : i32
        %div3A_841 = arith.divsi %scan3A_633, %jit3A_840 : i32
        %sign3A_842 = arith.constant 0 : i32
        %sign3A_843 = arith.cmpi sgt, %scan3A_633, %sign3A_842 : i32
        %sign3A_844 = arith.extui %sign3A_843 : i1 to i32
        %sign3A_845 = arith.constant 0 : i32
        %sign3A_846 = arith.cmpi slt, %scan3A_633, %sign3A_845 : i32
        %sign3A_847 = arith.extui %sign3A_846 : i1 to i32
        %sign3A_848 = arith.subi %sign3A_844, %sign3A_847 : i32
        %sign3A_849 = arith.constant 0 : i32
        %sign3A_850 = arith.cmpi sgt, %jit3A_840, %sign3A_849 : i32
        %sign3A_851 = arith.extui %sign3A_850 : i1 to i32
        %sign3A_852 = arith.constant 0 : i32
        %sign3A_853 = arith.cmpi slt, %jit3A_840, %sign3A_852 : i32
        %sign3A_854 = arith.extui %sign3A_853 : i1 to i32
        %sign3A_855 = arith.subi %sign3A_851, %sign3A_854 : i32
        %ne3A_856 = arith.cmpi ne, %sign3A_848, %sign3A_855 : i32
        %rem3A_857 = arith.remsi %scan3A_633, %jit3A_840 : i32
        %ne3A_858 = arith.constant 0 : i32
        %ne3A_859 = arith.cmpi ne, %rem3A_857, %ne3A_858 : i32
        %and3A_860 = arith.andi %ne3A_856, %ne3A_859 : i1
        %sub3A_861 = arith.constant 1 : i32
        %sub3A_862 = arith.subi %div3A_841, %sub3A_861 : i32
        %select_n3A_863 = arith.select %and3A_860, %sub3A_862, %div3A_841 : i32
        %swap3A = arith.constant 0 : i32
        %swap3A_864 = arith.index_cast %swap3A : i32 to index
        %swap3A_865 = arith.index_cast %select_n3A_863 : i32 to index
        %swap3A_866 = arith.index_cast %mul3A_839 : i32 to index
        %swap3A_867 = tpu.vector_load %arg8[%swap3A_864, %swap3A_865, %swap3A_866] {strides = array<i32>} : memref<2x16x128xf32, #tpu.memory_space<vmem>>, vector<16xf32>,
        tpu.vector_store %arg8[%swap3A_864, %swap3A_865, %swap3A_866], %add3A_821 {strides = array<i32>} : memref<2x16x128xf32, #tpu.memory_space<vmem>>, vector<16xf32>,
        %jit3A_868 = arith.constant 4 : i32
        %div3A_869 = arith.divsi %scan3A_633, %jit3A_868 : i32
        %sign3A_870 = arith.constant 0 : i32
        %sign3A_871 = arith.cmpi sgt, %scan3A_633, %sign3A_870 : i32
        %sign3A_872 = arith.extui %sign3A_871 : i1 to i32
        %sign3A_873 = arith.constant 0 : i32
        %sign3A_874 = arith.cmpi slt, %scan3A_633, %sign3A_873 : i32
        %sign3A_875 = arith.extui %sign3A_874 : i1 to i32
        %sign3A_876 = arith.subi %sign3A_872, %sign3A_875 : i32
        %sign3A_877 = arith.constant 0 : i32
        %sign3A_878 = arith.cmpi sgt, %jit3A_868, %sign3A_877 : i32
        %sign3A_879 = arith.extui %sign3A_878 : i1 to i32
        %sign3A_880 = arith.constant 0 : i32
        %sign3A_881 = arith.cmpi slt, %jit3A_868, %sign3A_880 : i32
        %sign3A_882 = arith.extui %sign3A_881 : i1 to i32
        %sign3A_883 = arith.subi %sign3A_879, %sign3A_882 : i32
        %ne3A_884 = arith.cmpi ne, %sign3A_876, %sign3A_883 : i32
        %rem3A_885 = arith.remsi %scan3A_633, %jit3A_868 : i32
        %ne3A_886 = arith.constant 0 : i32
        %ne3A_887 = arith.cmpi ne, %rem3A_885, %ne3A_886 : i32
        %and3A_888 = arith.andi %ne3A_884, %ne3A_887 : i1
        %sub3A_889 = arith.constant 1 : i32
        %sub3A_890 = arith.subi %div3A_869, %sub3A_889 : i32
        %select_n3A_891 = arith.select %and3A_888, %sub3A_890, %div3A_869 : i32
        %add3A_892 = arith.constant 16 : i32
        %add3A_893 = arith.addi %mul3A_839, %add3A_892 : i32
        %swap3A_894 = arith.constant 0 : i32
        %swap3A_895 = arith.index_cast %swap3A_894 : i32 to index
        %swap3A_896 = arith.index_cast %select_n3A_891 : i32 to index
        %swap3A_897 = arith.index_cast %add3A_893 : i32 to index
        %swap3A_898 = tpu.vector_load %arg8[%swap3A_895, %swap3A_896, %swap3A_897] {strides = array<i32>} : memref<2x16x128xf32, #tpu.memory_space<vmem>>, vector<16xf32>,
        tpu.vector_store %arg8[%swap3A_895, %swap3A_896, %swap3A_897], %add3A_822 {strides = array<i32>} : memref<2x16x128xf32, #tpu.memory_space<vmem>>, vector<16xf32>,
        %scan3A_899 = arith.constant 1 : i32
        %scan3A_900 = arith.addi %scan3A_633, %scan3A_899 : i32
        %mul3A_901 = arith.constant 16 : i32
        %mul3A_902 = arith.muli %scan3A_900, %mul3A_901 : i32
        %add3A_903 = arith.constant 0 : i32
        %add3A_904 = arith.addi %mul3A_902, %add3A_903 : i32
        %get3A_905 = arith.constant 0 : i32
        %get3A_906 = arith.index_cast %get3A_905 : i32 to index
        %get3A_907 = arith.index_cast %add3A_904 : i32 to index
        %get3A_908 = arith.constant 0 : index
        %get3A_909 = tpu.vector_load %arg7[%get3A_906, %get3A_907, %get3A_908] {strides = array<i32>} : memref<2x1024x16xi32, #tpu.memory_space<vmem>>, vector<16xi32>,
        %bitcast3A_910 = vector.bitcast %get3A_909 : vector<16xi32> to vector<32xbf16>
        %unpack3A_911 = tpu.unpack_subelements %bitcast3A_910, 0 {pack_format = #tpu.pack_format<interleaved>} : vector<32xbf16> -> vector<16xf32>
        %unpack3A_912 = tpu.unpack_subelements %bitcast3A_910, 1 {pack_format = #tpu.pack_format<interleaved>} : vector<32xbf16> -> vector<16xf32>
        %add3A_913 = arith.constant 1 : i32
        %add3A_914 = arith.addi %mul3A_902, %add3A_913 : i32
        %get3A_915 = arith.constant 0 : i32
        %get3A_916 = arith.index_cast %get3A_915 : i32 to index
        %get3A_917 = arith.index_cast %add3A_914 : i32 to index
        %get3A_918 = arith.constant 0 : index
        %get3A_919 = tpu.vector_load %arg7[%get3A_916, %get3A_917, %get3A_918] {strides = array<i32>} : memref<2x1024x16xi32, #tpu.memory_space<vmem>>, vector<16xi32>,
        %bitcast3A_920 = vector.bitcast %get3A_919 : vector<16xi32> to vector<32xbf16>
        %unpack3A_921 = tpu.unpack_subelements %bitcast3A_920, 0 {pack_format = #tpu.pack_format<interleaved>} : vector<32xbf16> -> vector<16xf32>
        %unpack3A_922 = tpu.unpack_subelements %bitcast3A_920, 1 {pack_format = #tpu.pack_format<interleaved>} : vector<32xbf16> -> vector<16xf32>
        %add3A_923 = arith.addf %unpack3A_911, %unpack3A_921 : vector<16xf32>
        %add3A_924 = arith.addf %unpack3A_912, %unpack3A_922 : vector<16xf32>
        %add3A_925 = arith.constant 2 : i32
        %add3A_926 = arith.addi %mul3A_902, %add3A_925 : i32
        %get3A_927 = arith.constant 0 : i32
        %get3A_928 = arith.index_cast %get3A_927 : i32 to index
        %get3A_929 = arith.index_cast %add3A_926 : i32 to index
        %get3A_930 = arith.constant 0 : index
        %get3A_931 = tpu.vector_load %arg7[%get3A_928, %get3A_929, %get3A_930] {strides = array<i32>} : memref<2x1024x16xi32, #tpu.memory_space<vmem>>, vector<16xi32>,
        %bitcast3A_932 = vector.bitcast %get3A_931 : vector<16xi32> to vector<32xbf16>
        %unpack3A_933 = tpu.unpack_subelements %bitcast3A_932, 0 {pack_format = #tpu.pack_format<interleaved>} : vector<32xbf16> -> vector<16xf32>
        %unpack3A_934 = tpu.unpack_subelements %bitcast3A_932, 1 {pack_format = #tpu.pack_format<interleaved>} : vector<32xbf16> -> vector<16xf32>
        %add3A_935 = arith.addf %add3A_923, %unpack3A_933 : vector<16xf32>
        %add3A_936 = arith.addf %add3A_924, %unpack3A_934 : vector<16xf32>
        %add3A_937 = arith.constant 3 : i32
        %add3A_938 = arith.addi %mul3A_902, %add3A_937 : i32
        %get3A_939 = arith.constant 0 : i32
        %get3A_940 = arith.index_cast %get3A_939 : i32 to index
        %get3A_941 = arith.index_cast %add3A_938 : i32 to index
        %get3A_942 = arith.constant 0 : index
        %get3A_943 = tpu.vector_load %arg7[%get3A_940, %get3A_941, %get3A_942] {strides = array<i32>} : memref<2x1024x16xi32, #tpu.memory_space<vmem>>, vector<16xi32>,
        %bitcast3A_944 = vector.bitcast %get3A_943 : vector<16xi32> to vector<32xbf16>
        %unpack3A_945 = tpu.unpack_subelements %bitcast3A_944, 0 {pack_format = #tpu.pack_format<interleaved>} : vector<32xbf16> -> vector<16xf32>
        %unpack3A_946 = tpu.unpack_subelements %bitcast3A_944, 1 {pack_format = #tpu.pack_format<interleaved>} : vector<32xbf16> -> vector<16xf32>
        %add3A_947 = arith.addf %add3A_935, %unpack3A_945 : vector<16xf32>
        %add3A_948 = arith.addf %add3A_936, %unpack3A_946 : vector<16xf32>
        %add3A_949 = arith.constant 4 : i32
        %add3A_950 = arith.addi %mul3A_902, %add3A_949 : i32
        %get3A_951 = arith.constant 0 : i32
        %get3A_952 = arith.index_cast %get3A_951 : i32 to index
        %get3A_953 = arith.index_cast %add3A_950 : i32 to index
        %get3A_954 = arith.constant 0 : index
        %get3A_955 = tpu.vector_load %arg7[%get3A_952, %get3A_953, %get3A_954] {strides = array<i32>} : memref<2x1024x16xi32, #tpu.memory_space<vmem>>, vector<16xi32>,
        %bitcast3A_956 = vector.bitcast %get3A_955 : vector<16xi32> to vector<32xbf16>
        %unpack3A_957 = tpu.unpack_subelements %bitcast3A_956, 0 {pack_format = #tpu.pack_format<interleaved>} : vector<32xbf16> -> vector<16xf32>
        %unpack3A_958 = tpu.unpack_subelements %bitcast3A_956, 1 {pack_format = #tpu.pack_format<interleaved>} : vector<32xbf16> -> vector<16xf32>
        %add3A_959 = arith.addf %add3A_947, %unpack3A_957 : vector<16xf32>
        %add3A_960 = arith.addf %add3A_948, %unpack3A_958 : vector<16xf32>
        %add3A_961 = arith.constant 5 : i32
        %add3A_962 = arith.addi %mul3A_902, %add3A_961 : i32
        %get3A_963 = arith.constant 0 : i32
        %get3A_964 = arith.index_cast %get3A_963 : i32 to index
        %get3A_965 = arith.index_cast %add3A_962 : i32 to index
        %get3A_966 = arith.constant 0 : index
        %get3A_967 = tpu.vector_load %arg7[%get3A_964, %get3A_965, %get3A_966] {strides = array<i32>} : memref<2x1024x16xi32, #tpu.memory_space<vmem>>, vector<16xi32>,
        %bitcast3A_968 = vector.bitcast %get3A_967 : vector<16xi32> to vector<32xbf16>
        %unpack3A_969 = tpu.unpack_subelements %bitcast3A_968, 0 {pack_format = #tpu.pack_format<interleaved>} : vector<32xbf16> -> vector<16xf32>
        %unpack3A_970 = tpu.unpack_subelements %bitcast3A_968, 1 {pack_format = #tpu.pack_format<interleaved>} : vector<32xbf16> -> vector<16xf32>
        %add3A_971 = arith.addf %add3A_959, %unpack3A_969 : vector<16xf32>
        %add3A_972 = arith.addf %add3A_960, %unpack3A_970 : vector<16xf32>
        %add3A_973 = arith.constant 6 : i32
        %add3A_974 = arith.addi %mul3A_902, %add3A_973 : i32
        %get3A_975 = arith.constant 0 : i32
        %get3A_976 = arith.index_cast %get3A_975 : i32 to index
        %get3A_977 = arith.index_cast %add3A_974 : i32 to index
        %get3A_978 = arith.constant 0 : index
        %get3A_979 = tpu.vector_load %arg7[%get3A_976, %get3A_977, %get3A_978] {strides = array<i32>} : memref<2x1024x16xi32, #tpu.memory_space<vmem>>, vector<16xi32>,
        %bitcast3A_980 = vector.bitcast %get3A_979 : vector<16xi32> to vector<32xbf16>
        %unpack3A_981 = tpu.unpack_subelements %bitcast3A_980, 0 {pack_format = #tpu.pack_format<interleaved>} : vector<32xbf16> -> vector<16xf32>
        %unpack3A_982 = tpu.unpack_subelements %bitcast3A_980, 1 {pack_format = #tpu.pack_format<interleaved>} : vector<32xbf16> -> vector<16xf32>
        %add3A_983 = arith.addf %add3A_971, %unpack3A_981 : vector<16xf32>
        %add3A_984 = arith.addf %add3A_972, %unpack3A_982 : vector<16xf32>
        %add3A_985 = arith.constant 7 : i32
        %add3A_986 = arith.addi %mul3A_902, %add3A_985 : i32
        %get3A_987 = arith.constant 0 : i32
        %get3A_988 = arith.index_cast %get3A_987 : i32 to index
        %get3A_989 = arith.index_cast %add3A_986 : i32 to index
        %get3A_990 = arith.constant 0 : index
        %get3A_991 = tpu.vector_load %arg7[%get3A_988, %get3A_989, %get3A_990] {strides = array<i32>} : memref<2x1024x16xi32, #tpu.memory_space<vmem>>, vector<16xi32>,
        %bitcast3A_992 = vector.bitcast %get3A_991 : vector<16xi32> to vector<32xbf16>
        %unpack3A_993 = tpu.unpack_subelements %bitcast3A_992, 0 {pack_format = #tpu.pack_format<interleaved>} : vector<32xbf16> -> vector<16xf32>
        %unpack3A_994 = tpu.unpack_subelements %bitcast3A_992, 1 {pack_format = #tpu.pack_format<interleaved>} : vector<32xbf16> -> vector<16xf32>
        %add3A_995 = arith.addf %add3A_983, %unpack3A_993 : vector<16xf32>
        %add3A_996 = arith.addf %add3A_984, %unpack3A_994 : vector<16xf32>
        %add3A_997 = arith.constant 8 : i32
        %add3A_998 = arith.addi %mul3A_902, %add3A_997 : i32
        %get3A_999 = arith.constant 0 : i32
        %get3A_1000 = arith.index_cast %get3A_999 : i32 to index
        %get3A_1001 = arith.index_cast %add3A_998 : i32 to index
        %get3A_1002 = arith.constant 0 : index
        %get3A_1003 = tpu.vector_load %arg7[%get3A_1000, %get3A_1001, %get3A_1002] {strides = array<i32>} : memref<2x1024x16xi32, #tpu.memory_space<vmem>>, vector<16xi32>,
        %bitcast3A_1004 = vector.bitcast %get3A_1003 : vector<16xi32> to vector<32xbf16>
        %unpack3A_1005 = tpu.unpack_subelements %bitcast3A_1004, 0 {pack_format = #tpu.pack_format<interleaved>} : vector<32xbf16> -> vector<16xf32>
        %unpack3A_1006 = tpu.unpack_subelements %bitcast3A_1004, 1 {pack_format = #tpu.pack_format<interleaved>} : vector<32xbf16> -> vector<16xf32>
        %add3A_1007 = arith.addf %add3A_995, %unpack3A_1005 : vector<16xf32>
        %add3A_1008 = arith.addf %add3A_996, %unpack3A_1006 : vector<16xf32>
        %add3A_1009 = arith.constant 9 : i32
        %add3A_1010 = arith.addi %mul3A_902, %add3A_1009 : i32
        %get3A_1011 = arith.constant 0 : i32
        %get3A_1012 = arith.index_cast %get3A_1011 : i32 to index
        %get3A_1013 = arith.index_cast %add3A_1010 : i32 to index
        %get3A_1014 = arith.constant 0 : index
        %get3A_1015 = tpu.vector_load %arg7[%get3A_1012, %get3A_1013, %get3A_1014] {strides = array<i32>} : memref<2x1024x16xi32, #tpu.memory_space<vmem>>, vector<16xi32>,
        %bitcast3A_1016 = vector.bitcast %get3A_1015 : vector<16xi32> to vector<32xbf16>
        %unpack3A_1017 = tpu.unpack_subelements %bitcast3A_1016, 0 {pack_format = #tpu.pack_format<interleaved>} : vector<32xbf16> -> vector<16xf32>
        %unpack3A_1018 = tpu.unpack_subelements %bitcast3A_1016, 1 {pack_format = #tpu.pack_format<interleaved>} : vector<32xbf16> -> vector<16xf32>
        %add3A_1019 = arith.addf %add3A_1007, %unpack3A_1017 : vector<16xf32>
        %add3A_1020 = arith.addf %add3A_1008, %unpack3A_1018 : vector<16xf32>
        %add3A_1021 = arith.constant 10 : i32
        %add3A_1022 = arith.addi %mul3A_902, %add3A_1021 : i32
        %get3A_1023 = arith.constant 0 : i32
        %get3A_1024 = arith.index_cast %get3A_1023 : i32 to index
        %get3A_1025 = arith.index_cast %add3A_1022 : i32 to index
        %get3A_1026 = arith.constant 0 : index
        %get3A_1027 = tpu.vector_load %arg7[%get3A_1024, %get3A_1025, %get3A_1026] {strides = array<i32>} : memref<2x1024x16xi32, #tpu.memory_space<vmem>>, vector<16xi32>,
        %bitcast3A_1028 = vector.bitcast %get3A_1027 : vector<16xi32> to vector<32xbf16>
        %unpack3A_1029 = tpu.unpack_subelements %bitcast3A_1028, 0 {pack_format = #tpu.pack_format<interleaved>} : vector<32xbf16> -> vector<16xf32>
        %unpack3A_1030 = tpu.unpack_subelements %bitcast3A_1028, 1 {pack_format = #tpu.pack_format<interleaved>} : vector<32xbf16> -> vector<16xf32>
        %add3A_1031 = arith.addf %add3A_1019, %unpack3A_1029 : vector<16xf32>
        %add3A_1032 = arith.addf %add3A_1020, %unpack3A_1030 : vector<16xf32>
        %add3A_1033 = arith.constant 11 : i32
        %add3A_1034 = arith.addi %mul3A_902, %add3A_1033 : i32
        %get3A_1035 = arith.constant 0 : i32
        %get3A_1036 = arith.index_cast %get3A_1035 : i32 to index
        %get3A_1037 = arith.index_cast %add3A_1034 : i32 to index
        %get3A_1038 = arith.constant 0 : index
        %get3A_1039 = tpu.vector_load %arg7[%get3A_1036, %get3A_1037, %get3A_1038] {strides = array<i32>} : memref<2x1024x16xi32, #tpu.memory_space<vmem>>, vector<16xi32>,
        %bitcast3A_1040 = vector.bitcast %get3A_1039 : vector<16xi32> to vector<32xbf16>
        %unpack3A_1041 = tpu.unpack_subelements %bitcast3A_1040, 0 {pack_format = #tpu.pack_format<interleaved>} : vector<32xbf16> -> vector<16xf32>
        %unpack3A_1042 = tpu.unpack_subelements %bitcast3A_1040, 1 {pack_format = #tpu.pack_format<interleaved>} : vector<32xbf16> -> vector<16xf32>
        %add3A_1043 = arith.addf %add3A_1031, %unpack3A_1041 : vector<16xf32>
        %add3A_1044 = arith.addf %add3A_1032, %unpack3A_1042 : vector<16xf32>
        %add3A_1045 = arith.constant 12 : i32
        %add3A_1046 = arith.addi %mul3A_902, %add3A_1045 : i32
        %get3A_1047 = arith.constant 0 : i32
        %get3A_1048 = arith.index_cast %get3A_1047 : i32 to index
        %get3A_1049 = arith.index_cast %add3A_1046 : i32 to index
        %get3A_1050 = arith.constant 0 : index
        %get3A_1051 = tpu.vector_load %arg7[%get3A_1048, %get3A_1049, %get3A_1050] {strides = array<i32>} : memref<2x1024x16xi32, #tpu.memory_space<vmem>>, vector<16xi32>,
        %bitcast3A_1052 = vector.bitcast %get3A_1051 : vector<16xi32> to vector<32xbf16>
        %unpack3A_1053 = tpu.unpack_subelements %bitcast3A_1052, 0 {pack_format = #tpu.pack_format<interleaved>} : vector<32xbf16> -> vector<16xf32>
        %unpack3A_1054 = tpu.unpack_subelements %bitcast3A_1052, 1 {pack_format = #tpu.pack_format<interleaved>} : vector<32xbf16> -> vector<16xf32>
        %add3A_1055 = arith.addf %add3A_1043, %unpack3A_1053 : vector<16xf32>
        %add3A_1056 = arith.addf %add3A_1044, %unpack3A_1054 : vector<16xf32>
        %add3A_1057 = arith.constant 13 : i32
        %add3A_1058 = arith.addi %mul3A_902, %add3A_1057 : i32
        %get3A_1059 = arith.constant 0 : i32
        %get3A_1060 = arith.index_cast %get3A_1059 : i32 to index
        %get3A_1061 = arith.index_cast %add3A_1058 : i32 to index
        %get3A_1062 = arith.constant 0 : index
        %get3A_1063 = tpu.vector_load %arg7[%get3A_1060, %get3A_1061, %get3A_1062] {strides = array<i32>} : memref<2x1024x16xi32, #tpu.memory_space<vmem>>, vector<16xi32>,
        %bitcast3A_1064 = vector.bitcast %get3A_1063 : vector<16xi32> to vector<32xbf16>
        %unpack3A_1065 = tpu.unpack_subelements %bitcast3A_1064, 0 {pack_format = #tpu.pack_format<interleaved>} : vector<32xbf16> -> vector<16xf32>
        %unpack3A_1066 = tpu.unpack_subelements %bitcast3A_1064, 1 {pack_format = #tpu.pack_format<interleaved>} : vector<32xbf16> -> vector<16xf32>
        %add3A_1067 = arith.addf %add3A_1055, %unpack3A_1065 : vector<16xf32>
        %add3A_1068 = arith.addf %add3A_1056, %unpack3A_1066 : vector<16xf32>
        %add3A_1069 = arith.constant 14 : i32
        %add3A_1070 = arith.addi %mul3A_902, %add3A_1069 : i32
        %get3A_1071 = arith.constant 0 : i32
        %get3A_1072 = arith.index_cast %get3A_1071 : i32 to index
        %get3A_1073 = arith.index_cast %add3A_1070 : i32 to index
        %get3A_1074 = arith.constant 0 : index
        %get3A_1075 = tpu.vector_load %arg7[%get3A_1072, %get3A_1073, %get3A_1074] {strides = array<i32>} : memref<2x1024x16xi32, #tpu.memory_space<vmem>>, vector<16xi32>,
        %bitcast3A_1076 = vector.bitcast %get3A_1075 : vector<16xi32> to vector<32xbf16>
        %unpack3A_1077 = tpu.unpack_subelements %bitcast3A_1076, 0 {pack_format = #tpu.pack_format<interleaved>} : vector<32xbf16> -> vector<16xf32>
        %unpack3A_1078 = tpu.unpack_subelements %bitcast3A_1076, 1 {pack_format = #tpu.pack_format<interleaved>} : vector<32xbf16> -> vector<16xf32>
        %add3A_1079 = arith.addf %add3A_1067, %unpack3A_1077 : vector<16xf32>
        %add3A_1080 = arith.addf %add3A_1068, %unpack3A_1078 : vector<16xf32>
        %add3A_1081 = arith.constant 15 : i32
        %add3A_1082 = arith.addi %mul3A_902, %add3A_1081 : i32
        %get3A_1083 = arith.constant 0 : i32
        %get3A_1084 = arith.index_cast %get3A_1083 : i32 to index
        %get3A_1085 = arith.index_cast %add3A_1082 : i32 to index
        %get3A_1086 = arith.constant 0 : index
        %get3A_1087 = tpu.vector_load %arg7[%get3A_1084, %get3A_1085, %get3A_1086] {strides = array<i32>} : memref<2x1024x16xi32, #tpu.memory_space<vmem>>, vector<16xi32>,
        %bitcast3A_1088 = vector.bitcast %get3A_1087 : vector<16xi32> to vector<32xbf16>
        %unpack3A_1089 = tpu.unpack_subelements %bitcast3A_1088, 0 {pack_format = #tpu.pack_format<interleaved>} : vector<32xbf16> -> vector<16xf32>
        %unpack3A_1090 = tpu.unpack_subelements %bitcast3A_1088, 1 {pack_format = #tpu.pack_format<interleaved>} : vector<32xbf16> -> vector<16xf32>
        %add3A_1091 = arith.addf %add3A_1079, %unpack3A_1089 : vector<16xf32>
        %add3A_1092 = arith.addf %add3A_1080, %unpack3A_1090 : vector<16xf32>
        %jit3A_1093 = arith.constant 4 : i32
        %eq3A_1094 = arith.constant 0 : i32
        %eq3A_1095 = arith.cmpi eq, %jit3A_1093, %eq3A_1094 : i32
        %jit3A_1096 = arith.constant 1 : i32
        %select_n3A_1097 = arith.select %eq3A_1095, %jit3A_1096, %jit3A_1093 : i32
        %rem3A_1098 = arith.remsi %scan3A_900, %select_n3A_1097 : i32
        %ne3A_1099 = arith.constant 0 : i32
        %ne3A_1100 = arith.cmpi ne, %rem3A_1098, %ne3A_1099 : i32
        %lt3A_1101 = arith.constant 0 : i32
        %lt3A_1102 = arith.cmpi slt, %rem3A_1098, %lt3A_1101 : i32
        %lt3A_1103 = arith.constant 0 : i32
        %lt3A_1104 = arith.cmpi slt, %select_n3A_1097, %lt3A_1103 : i32
        %ne3A_1105 = arith.xori %lt3A_1102, %lt3A_1104 : i1
        %and3A_1106 = arith.andi %ne3A_1105, %ne3A_1100 : i1
        %add3A_1107 = arith.addi %rem3A_1098, %select_n3A_1097 : i32
        %select_n3A_1108 = arith.select %and3A_1106, %add3A_1107, %rem3A_1098 : i32
        %mul3A_1109 = arith.constant 32 : i32
        %mul3A_1110 = arith.muli %select_n3A_1108, %mul3A_1109 : i32
        %jit3A_1111 = arith.constant 4 : i32
        %div3A_1112 = arith.divsi %scan3A_900, %jit3A_1111 : i32
        %sign3A_1113 = arith.constant 0 : i32
        %sign3A_1114 = arith.cmpi sgt, %scan3A_900, %sign3A_1113 : i32
        %sign3A_1115 = arith.extui %sign3A_1114 : i1 to i32
        %sign3A_1116 = arith.constant 0 : i32
        %sign3A_1117 = arith.cmpi slt, %scan3A_900, %sign3A_1116 : i32
        %sign3A_1118 = arith.extui %sign3A_1117 : i1 to i32
        %sign3A_1119 = arith.subi %sign3A_1115, %sign3A_1118 : i32
        %sign3A_1120 = arith.constant 0 : i32
        %sign3A_1121 = arith.cmpi sgt, %jit3A_1111, %sign3A_1120 : i32
        %sign3A_1122 = arith.extui %sign3A_1121 : i1 to i32
        %sign3A_1123 = arith.constant 0 : i32
        %sign3A_1124 = arith.cmpi slt, %jit3A_1111, %sign3A_1123 : i32
        %sign3A_1125 = arith.extui %sign3A_1124 : i1 to i32
        %sign3A_1126 = arith.subi %sign3A_1122, %sign3A_1125 : i32
        %ne3A_1127 = arith.cmpi ne, %sign3A_1119, %sign3A_1126 : i32
        %rem3A_1128 = arith.remsi %scan3A_900, %jit3A_1111 : i32
        %ne3A_1129 = arith.constant 0 : i32
        %ne3A_1130 = arith.cmpi ne, %rem3A_1128, %ne3A_1129 : i32
        %and3A_1131 = arith.andi %ne3A_1127, %ne3A_1130 : i1
        %sub3A_1132 = arith.constant 1 : i32
        %sub3A_1133 = arith.subi %div3A_1112, %sub3A_1132 : i32
        %select_n3A_1134 = arith.select %and3A_1131, %sub3A_1133, %div3A_1112 : i32
        %swap3A_1135 = arith.constant 0 : i32
        %swap3A_1136 = arith.index_cast %swap3A_1135 : i32 to index
        %swap3A_1137 = arith.index_cast %select_n3A_1134 : i32 to index
        %swap3A_1138 = arith.index_cast %mul3A_1110 : i32 to index
        %swap3A_1139 = tpu.vector_load %arg8[%swap3A_1136, %swap3A_1137, %swap3A_1138] {strides = array<i32>} : memref<2x16x128xf32, #tpu.memory_space<vmem>>, vector<16xf32>,
        tpu.vector_store %arg8[%swap3A_1136, %swap3A_1137, %swap3A_1138], %add3A_1091 {strides = array<i32>} : memref<2x16x128xf32, #tpu.memory_space<vmem>>, vector<16xf32>,
        %jit3A_1140 = arith.constant 4 : i32
        %div3A_1141 = arith.divsi %scan3A_900, %jit3A_1140 : i32
        %sign3A_1142 = arith.constant 0 : i32
        %sign3A_1143 = arith.cmpi sgt, %scan3A_900, %sign3A_1142 : i32
        %sign3A_1144 = arith.extui %sign3A_1143 : i1 to i32
        %sign3A_1145 = arith.constant 0 : i32
        %sign3A_1146 = arith.cmpi slt, %scan3A_900, %sign3A_1145 : i32
        %sign3A_1147 = arith.extui %sign3A_1146 : i1 to i32
        %sign3A_1148 = arith.subi %sign3A_1144, %sign3A_1147 : i32
        %sign3A_1149 = arith.constant 0 : i32
        %sign3A_1150 = arith.cmpi sgt, %jit3A_1140, %sign3A_1149 : i32
        %sign3A_1151 = arith.extui %sign3A_1150 : i1 to i32
        %sign3A_1152 = arith.constant 0 : i32
        %sign3A_1153 = arith.cmpi slt, %jit3A_1140, %sign3A_1152 : i32
        %sign3A_1154 = arith.extui %sign3A_1153 : i1 to i32
        %sign3A_1155 = arith.subi %sign3A_1151, %sign3A_1154 : i32
        %ne3A_1156 = arith.cmpi ne, %sign3A_1148, %sign3A_1155 : i32
        %rem3A_1157 = arith.remsi %scan3A_900, %jit3A_1140 : i32
        %ne3A_1158 = arith.constant 0 : i32
        %ne3A_1159 = arith.cmpi ne, %rem3A_1157, %ne3A_1158 : i32
        %and3A_1160 = arith.andi %ne3A_1156, %ne3A_1159 : i1
        %sub3A_1161 = arith.constant 1 : i32
        %sub3A_1162 = arith.subi %div3A_1141, %sub3A_1161 : i32
        %select_n3A_1163 = arith.select %and3A_1160, %sub3A_1162, %div3A_1141 : i32
        %add3A_1164 = arith.constant 16 : i32
        %add3A_1165 = arith.addi %mul3A_1110, %add3A_1164 : i32
        %swap3A_1166 = arith.constant 0 : i32
        %swap3A_1167 = arith.index_cast %swap3A_1166 : i32 to index
        %swap3A_1168 = arith.index_cast %select_n3A_1163 : i32 to index
        %swap3A_1169 = arith.index_cast %add3A_1165 : i32 to index
        %swap3A_1170 = tpu.vector_load %arg8[%swap3A_1167, %swap3A_1168, %swap3A_1169] {strides = array<i32>} : memref<2x16x128xf32, #tpu.memory_space<vmem>>, vector<16xf32>,
        tpu.vector_store %arg8[%swap3A_1167, %swap3A_1168, %swap3A_1169], %add3A_1092 {strides = array<i32>} : memref<2x16x128xf32, #tpu.memory_space<vmem>>, vector<16xf32>,
      }
      %scan3A_403 = arith.constant 64 : i32
      %mul3A_404 = arith.constant 64 : i32
      %mul3A_405 = arith.muli %mul3A_249, %mul3A_404 : i32
      %add3A_406 = arith.addi %mul3A_2, %mul3A_405 : i32
      %min3A_407 = arith.constant 49936 : i32
      %min3A_408 = arith.minsi %add3A_406, %min3A_407 : i32
      %jit3A_409 = arith.constant 4 : i32
      %div3A_410 = arith.divsi %min3A_408, %jit3A_409 : i32
      %sign3A_411 = arith.constant 0 : i32
      %sign3A_412 = arith.cmpi sgt, %min3A_408, %sign3A_411 : i32
      %sign3A_413 = arith.extui %sign3A_412 : i1 to i32
      %sign3A_414 = arith.constant 0 : i32
      %sign3A_415 = arith.cmpi slt, %min3A_408, %sign3A_414 : i32
      %sign3A_416 = arith.extui %sign3A_415 : i1 to i32
      %sign3A_417 = arith.subi %sign3A_413, %sign3A_416 : i32
      %sign3A_418 = arith.constant 0 : i32
      %sign3A_419 = arith.cmpi sgt, %jit3A_409, %sign3A_418 : i32
      %sign3A_420 = arith.extui %sign3A_419 : i1 to i32
      %sign3A_421 = arith.constant 0 : i32
      %sign3A_422 = arith.cmpi slt, %jit3A_409, %sign3A_421 : i32
      %sign3A_423 = arith.extui %sign3A_422 : i1 to i32
      %sign3A_424 = arith.subi %sign3A_420, %sign3A_423 : i32
      %ne3A_425 = arith.cmpi ne, %sign3A_417, %sign3A_424 : i32
      %rem3A_426 = arith.remsi %min3A_408, %jit3A_409 : i32
      %ne3A_427 = arith.constant 0 : i32
      %ne3A_428 = arith.cmpi ne, %rem3A_426, %ne3A_427 : i32
      %and3A_429 = arith.andi %ne3A_425, %ne3A_428 : i1
      %sub3A_430 = arith.constant 1 : i32
      %sub3A_431 = arith.subi %div3A_410, %sub3A_430 : i32
      %select_n3A_432 = arith.select %and3A_429, %sub3A_431, %div3A_410 : i32
      %dma_start3A_433 = arith.constant 0 : i32
      %dma_start3A_434 = arith.constant 0 : i32
      %dma_start3A_435 = arith.constant 0 : i32
      %dma_start3A_436 = tpu.memref_slice %arg8[%dma_start3A_433, %dma_start3A_434, %dma_start3A_435] : memref<2x16x128xf32, #tpu.memory_space<vmem>> -> memref<1x16x128xf32, #tpu.memory_space<vmem>>
      %dma_start3A_437 = tpu.memref_squeeze %dma_start3A_436 : memref<1x16x128xf32, #tpu.memory_space<vmem>> -> memref<16x128xf32, #tpu.memory_space<vmem>>
      %dma_start3A_438 = arith.constant 0 : i32
      %dma_start3A_439 = tpu.memref_slice %arg4[%select_n3A_432, %dma_start3A_438] : memref<12500x128xf32, #tpu.memory_space<hbm>> -> memref<16x128xf32, #tpu.memory_space<hbm>>
      %dma_start3A_440 = arith.constant 0 : i32
      %dma_start3A_441 = tpu.memref_slice %arg4[%select_n3A_432, %dma_start3A_440] : memref<12500x128xf32, #tpu.memory_space<hbm>> -> memref<16x128xf32, #tpu.memory_space<hbm>>
      %dma_start3A_442 = arith.constant 0 : i32
      %dma_start3A_443 = arith.constant 0 : i32
      %dma_start3A_444 = tpu.memref_slice %arg8[%dma_start3A_433, %dma_start3A_442, %dma_start3A_443] : memref<2x16x128xf32, #tpu.memory_space<vmem>> -> memref<1x16x128xf32, #tpu.memory_space<vmem>>
      %dma_start3A_445 = tpu.memref_squeeze %dma_start3A_444 : memref<1x16x128xf32, #tpu.memory_space<vmem>> -> memref<16x128xf32, #tpu.memory_space<vmem>>
      tpu.enqueue_dma source(%dma_start3A_445 : memref<16x128xf32, #tpu.memory_space<vmem>>) target(%dma_start3A_441 : memref<16x128xf32, #tpu.memory_space<hbm>>) target_semaphore(%arg13 : memref<!tpu.dma_semaphore, #tpu.memory_space<semaphore_mem>>)
      %dma_wait3A_446 = arith.constant 0 : i32
      %dma_wait3A_447 = arith.constant 0 : i32
      %dma_wait3A_448 = tpu.memref_slice %arg5[%dma_wait3A_446, %dma_wait3A_447] : memref<2x1024xi32, #tpu.memory_space<vmem>> -> memref<1x1024xi32, #tpu.memory_space<vmem>>
      %dma_wait3A_449 = tpu.memref_squeeze %dma_wait3A_448 : memref<1x1024xi32, #tpu.memory_space<vmem>> -> memref<1024xi32, #tpu.memory_space<vmem>>
      %dma_wait3A_450 = arith.constant 0 : i32
      %dma_wait3A_451 = tpu.memref_slice %arg3[%dma_wait3A_450] : memref<800000xi32, #tpu.memory_space<hbm>> -> memref<1024xi32, #tpu.memory_space<hbm>>
      %dma_wait3A_452 = arith.constant 0 : i32
      %dma_wait3A_453 = tpu.memref_slice %arg5[%dma_wait3A_446, %dma_wait3A_452] : memref<2x1024xi32, #tpu.memory_space<vmem>> -> memref<1x1024xi32, #tpu.memory_space<vmem>>
      %dma_wait3A_454 = tpu.memref_squeeze %dma_wait3A_453 : memref<1x1024xi32, #tpu.memory_space<vmem>> -> memref<1024xi32, #tpu.memory_space<vmem>>
      %dma_wait3A_455 = arith.constant 0 : i32
      %dma_wait3A_456 = tpu.memref_slice %arg3[%dma_wait3A_455] : memref<800000xi32, #tpu.memory_space<hbm>> -> memref<1024xi32, #tpu.memory_space<hbm>>
      tpu.wait_dma2 semaphore(%arg9 : memref<!tpu.dma_semaphore, #tpu.memory_space<semaphore_mem>>) src(%dma_wait3A_456 : memref<1024xi32, #tpu.memory_space<hbm>>) dst(%dma_wait3A_454 : memref<1024xi32, #tpu.memory_space<vmem>>)
      %scan3A_457 = arith.constant 0 : i32
      %scan3A_458 = arith.constant 0 : i32
      %scan3A_459 = arith.constant 64 : i32
      %scan3A_460 = arith.addi %scan3A_458, %scan3A_459 : i32
      %scan3A_461 = arith.constant 4 : i32
      scf.for %scan3A_633 = %scan3A_458 to %scan3A_460 step %scan3A_461  : i32 {
        %mul3A_634 = arith.constant 16 : i32
        %mul3A_635 = arith.muli %scan3A_633, %mul3A_634 : i32
        %get3A = arith.constant 0 : i32
        %get3A_636 = arith.index_cast %get3A : i32 to index
        %get3A_637 = arith.index_cast %mul3A_635 : i32 to index
        %get3A_638 = tpu.vector_load %arg5[%get3A_636, %get3A_637] {strides = array<i32>} : memref<2x1024xi32, #tpu.memory_space<vmem>>, vector<16xi32>,
        %mul3A_639 = arith.constant 16 : i32
        %mul3A_640 = vector.broadcast %mul3A_639 : i32 to vector<16xi32>
        %mul3A_641 = arith.muli %get3A_638, %mul3A_640 : vector<16xi32>
        %add3A_642 = arith.addi %mul3A_641, %iota3A : vector<16xi32>
        %mul3A_643 = arith.constant 16 : i32
        %mul3A_644 = arith.muli %scan3A_633, %mul3A_643 : i32
        %swap3A = arith.constant 0 : i32
        %swap3A_645 = arith.index_cast %swap3A : i32 to index
        %swap3A_646 = arith.index_cast %mul3A_644 : i32 to index
        %swap3A_647 = tpu.vector_load %arg6[%swap3A_645, %swap3A_646] {strides = array<i32>} : memref<2x1024xi32, #tpu.memory_space<vmem>>, vector<16xi32>,
        tpu.vector_store %arg6[%swap3A_645, %swap3A_646], %add3A_642 {strides = array<i32>} : memref<2x1024xi32, #tpu.memory_space<vmem>>, vector<16xi32>,
        %scan3A_648 = arith.constant 1 : i32
        %scan3A_649 = arith.addi %scan3A_633, %scan3A_648 : i32
        %mul3A_650 = arith.constant 16 : i32
        %mul3A_651 = arith.muli %scan3A_649, %mul3A_650 : i32
        %get3A_652 = arith.constant 0 : i32
        %get3A_653 = arith.index_cast %get3A_652 : i32 to index
        %get3A_654 = arith.index_cast %mul3A_651 : i32 to index
        %get3A_655 = tpu.vector_load %arg5[%get3A_653, %get3A_654] {strides = array<i32>} : memref<2x1024xi32, #tpu.memory_space<vmem>>, vector<16xi32>,
        %mul3A_656 = arith.constant 16 : i32
        %mul3A_657 = vector.broadcast %mul3A_656 : i32 to vector<16xi32>
        %mul3A_658 = arith.muli %get3A_655, %mul3A_657 : vector<16xi32>
        %add3A_659 = arith.addi %mul3A_658, %iota3A : vector<16xi32>
        %mul3A_660 = arith.constant 16 : i32
        %mul3A_661 = arith.muli %scan3A_649, %mul3A_660 : i32
        %swap3A_662 = arith.constant 0 : i32
        %swap3A_663 = arith.index_cast %swap3A_662 : i32 to index
        %swap3A_664 = arith.index_cast %mul3A_661 : i32 to index
        %swap3A_665 = tpu.vector_load %arg6[%swap3A_663, %swap3A_664] {strides = array<i32>} : memref<2x1024xi32, #tpu.memory_space<vmem>>, vector<16xi32>,
        tpu.vector_store %arg6[%swap3A_663, %swap3A_664], %add3A_659 {strides = array<i32>} : memref<2x1024xi32, #tpu.memory_space<vmem>>, vector<16xi32>,
        %scan3A_666 = arith.constant 2 : i32
        %scan3A_667 = arith.addi %scan3A_633, %scan3A_666 : i32
        %mul3A_668 = arith.constant 16 : i32
        %mul3A_669 = arith.muli %scan3A_667, %mul3A_668 : i32
        %get3A_670 = arith.constant 0 : i32
        %get3A_671 = arith.index_cast %get3A_670 : i32 to index
        %get3A_672 = arith.index_cast %mul3A_669 : i32 to index
        %get3A_673 = tpu.vector_load %arg5[%get3A_671, %get3A_672] {strides = array<i32>} : memref<2x1024xi32, #tpu.memory_space<vmem>>, vector<16xi32>,
        %mul3A_674 = arith.constant 16 : i32
        %mul3A_675 = vector.broadcast %mul3A_674 : i32 to vector<16xi32>
        %mul3A_676 = arith.muli %get3A_673, %mul3A_675 : vector<16xi32>
        %add3A_677 = arith.addi %mul3A_676, %iota3A : vector<16xi32>
        %mul3A_678 = arith.constant 16 : i32
        %mul3A_679 = arith.muli %scan3A_667, %mul3A_678 : i32
        %swap3A_680 = arith.constant 0 : i32
        %swap3A_681 = arith.index_cast %swap3A_680 : i32 to index
        %swap3A_682 = arith.index_cast %mul3A_679 : i32 to index
        %swap3A_683 = tpu.vector_load %arg6[%swap3A_681, %swap3A_682] {strides = array<i32>} : memref<2x1024xi32, #tpu.memory_space<vmem>>, vector<16xi32>,
        tpu.vector_store %arg6[%swap3A_681, %swap3A_682], %add3A_677 {strides = array<i32>} : memref<2x1024xi32, #tpu.memory_space<vmem>>, vector<16xi32>,
        %scan3A_684 = arith.constant 3 : i32
        %scan3A_685 = arith.addi %scan3A_633, %scan3A_684 : i32
        %mul3A_686 = arith.constant 16 : i32
        %mul3A_687 = arith.muli %scan3A_685, %mul3A_686 : i32
        %get3A_688 = arith.constant 0 : i32
        %get3A_689 = arith.index_cast %get3A_688 : i32 to index
        %get3A_690 = arith.index_cast %mul3A_687 : i32 to index
        %get3A_691 = tpu.vector_load %arg5[%get3A_689, %get3A_690] {strides = array<i32>} : memref<2x1024xi32, #tpu.memory_space<vmem>>, vector<16xi32>,
        %mul3A_692 = arith.constant 16 : i32
        %mul3A_693 = vector.broadcast %mul3A_692 : i32 to vector<16xi32>
        %mul3A_694 = arith.muli %get3A_691, %mul3A_693 : vector<16xi32>
        %add3A_695 = arith.addi %mul3A_694, %iota3A : vector<16xi32>
        %mul3A_696 = arith.constant 16 : i32
        %mul3A_697 = arith.muli %scan3A_685, %mul3A_696 : i32
        %swap3A_698 = arith.constant 0 : i32
        %swap3A_699 = arith.index_cast %swap3A_698 : i32 to index
        %swap3A_700 = arith.index_cast %mul3A_697 : i32 to index
        %swap3A_701 = tpu.vector_load %arg6[%swap3A_699, %swap3A_700] {strides = array<i32>} : memref<2x1024xi32, #tpu.memory_space<vmem>>, vector<16xi32>,
        tpu.vector_store %arg6[%swap3A_699, %swap3A_700], %add3A_695 {strides = array<i32>} : memref<2x1024xi32, #tpu.memory_space<vmem>>, vector<16xi32>,
      }
      %scan3A_462 = arith.constant 64 : i32
      %dma_start3A_463 = arith.constant 0 : i32
      %dma_start3A_464 = arith.constant 0 : i32
      %dma_start3A_465 = arith.constant 0 : i32
      %dma_start3A_466 = arith.constant 0 : i32
      %dma_start3A_467 = tpu.memref_slice %arg7[%dma_start3A_464, %dma_start3A_465, %dma_start3A_466] : memref<2x1024x16xi32, #tpu.memory_space<vmem>> -> memref<1x128x16xi32, #tpu.memory_space<vmem>>
      %dma_start3A_468 = tpu.memref_squeeze %dma_start3A_467 : memref<1x128x16xi32, #tpu.memory_space<vmem>> -> memref<128x16xi32, #tpu.memory_space<vmem>>
      %dma_start3A_469 = arith.constant 0 : i32
      %dma_start3A_470 = tpu.memref_slice %arg6[%dma_start3A_463, %dma_start3A_469] : memref<2x1024xi32, #tpu.memory_space<vmem>> -> memref<1x128xi32, #tpu.memory_space<vmem>>
      %dma_start3A_471 = tpu.memref_squeeze %dma_start3A_470 : memref<1x128xi32, #tpu.memory_space<vmem>> -> memref<128xi32, #tpu.memory_space<vmem>>
      %dma_start3A_472 = arith.constant 0 : i32
      %dma_start3A_473 = arith.constant 0 : i32
      %dma_start3A_474 = tpu.memref_slice %arg2[%dma_start3A_472, %dma_start3A_473] : memref<1600000x16xi32, #tpu.memory_space<hbm>> -> memref<1600000x16xi32, #tpu.memory_space<hbm>>
      tpu.enqueue_indirect_dma source(%dma_start3A_474 : memref<1600000x16xi32, #tpu.memory_space<hbm>>) target(%dma_start3A_468 : memref<128x16xi32, #tpu.memory_space<vmem>>) offsets(%dma_start3A_471 : memref<128xi32, #tpu.memory_space<vmem>>) semaphore(%arg11 : memref<!tpu.dma_semaphore, #tpu.memory_space<semaphore_mem>>)
      %dma_start3A_475 = arith.constant 0 : i32
      %dma_start3A_476 = arith.constant 0 : i32
      %dma_start3A_477 = arith.constant 128 : i32
      %dma_start3A_478 = arith.constant 0 : i32
      %dma_start3A_479 = tpu.memref_slice %arg7[%dma_start3A_476, %dma_start3A_477, %dma_start3A_478] : memref<2x1024x16xi32, #tpu.memory_space<vmem>> -> memref<1x128x16xi32, #tpu.memory_space<vmem>>
      %dma_start3A_480 = tpu.memref_squeeze %dma_start3A_479 : memref<1x128x16xi32, #tpu.memory_space<vmem>> -> memref<128x16xi32, #tpu.memory_space<vmem>>
      %dma_start3A_481 = arith.constant 128 : i32
      %dma_start3A_482 = tpu.memref_slice %arg6[%dma_start3A_475, %dma_start3A_481] : memref<2x1024xi32, #tpu.memory_space<vmem>> -> memref<1x128xi32, #tpu.memory_space<vmem>>
      %dma_start3A_483 = tpu.memref_squeeze %dma_start3A_482 : memref<1x128xi32, #tpu.memory_space<vmem>> -> memref<128xi32, #tpu.memory_space<vmem>>
      %dma_start3A_484 = arith.constant 0 : i32
      %dma_start3A_485 = arith.constant 0 : i32
      %dma_start3A_486 = tpu.memref_slice %arg2[%dma_start3A_484, %dma_start3A_485] : memref<1600000x16xi32, #tpu.memory_space<hbm>> -> memref<1600000x16xi32, #tpu.memory_space<hbm>>
      tpu.enqueue_indirect_dma source(%dma_start3A_486 : memref<1600000x16xi32, #tpu.memory_space<hbm>>) target(%dma_start3A_480 : memref<128x16xi32, #tpu.memory_space<vmem>>) offsets(%dma_start3A_483 : memref<128xi32, #tpu.memory_space<vmem>>) semaphore(%arg11 : memref<!tpu.dma_semaphore, #tpu.memory_space<semaphore_mem>>)
      %dma_start3A_487 = arith.constant 0 : i32
      %dma_start3A_488 = arith.constant 0 : i32
      %dma_start3A_489 = arith.constant 256 : i32
      %dma_start3A_490 = arith.constant 0 : i32
      %dma_start3A_491 = tpu.memref_slice %arg7[%dma_start3A_488, %dma_start3A_489, %dma_start3A_490] : memref<2x1024x16xi32, #tpu.memory_space<vmem>> -> memref<1x128x16xi32, #tpu.memory_space<vmem>>
      %dma_start3A_492 = tpu.memref_squeeze %dma_start3A_491 : memref<1x128x16xi32, #tpu.memory_space<vmem>> -> memref<128x16xi32, #tpu.memory_space<vmem>>
      %dma_start3A_493 = arith.constant 256 : i32
      %dma_start3A_494 = tpu.memref_slice %arg6[%dma_start3A_487, %dma_start3A_493] : memref<2x1024xi32, #tpu.memory_space<vmem>> -> memref<1x128xi32, #tpu.memory_space<vmem>>
      %dma_start3A_495 = tpu.memref_squeeze %dma_start3A_494 : memref<1x128xi32, #tpu.memory_space<vmem>> -> memref<128xi32, #tpu.memory_space<vmem>>
      %dma_start3A_496 = arith.constant 0 : i32
      %dma_start3A_497 = arith.constant 0 : i32
      %dma_start3A_498 = tpu.memref_slice %arg2[%dma_start3A_496, %dma_start3A_497] : memref<1600000x16xi32, #tpu.memory_space<hbm>> -> memref<1600000x16xi32, #tpu.memory_space<hbm>>
      tpu.enqueue_indirect_dma source(%dma_start3A_498 : memref<1600000x16xi32, #tpu.memory_space<hbm>>) target(%dma_start3A_492 : memref<128x16xi32, #tpu.memory_space<vmem>>) offsets(%dma_start3A_495 : memref<128xi32, #tpu.memory_space<vmem>>) semaphore(%arg11 : memref<!tpu.dma_semaphore, #tpu.memory_space<semaphore_mem>>)
      %dma_start3A_499 = arith.constant 0 : i32
      %dma_start3A_500 = arith.constant 0 : i32
      %dma_start3A_501 = arith.constant 384 : i32
      %dma_start3A_502 = arith.constant 0 : i32
      %dma_start3A_503 = tpu.memref_slice %arg7[%dma_start3A_500, %dma_start3A_501, %dma_start3A_502] : memref<2x1024x16xi32, #tpu.memory_space<vmem>> -> memref<1x128x16xi32, #tpu.memory_space<vmem>>
      %dma_start3A_504 = tpu.memref_squeeze %dma_start3A_503 : memref<1x128x16xi32, #tpu.memory_space<vmem>> -> memref<128x16xi32, #tpu.memory_space<vmem>>
      %dma_start3A_505 = arith.constant 384 : i32
      %dma_start3A_506 = tpu.memref_slice %arg6[%dma_start3A_499, %dma_start3A_505] : memref<2x1024xi32, #tpu.memory_space<vmem>> -> memref<1x128xi32, #tpu.memory_space<vmem>>
      %dma_start3A_507 = tpu.memref_squeeze %dma_start3A_506 : memref<1x128xi32, #tpu.memory_space<vmem>> -> memref<128xi32, #tpu.memory_space<vmem>>
      %dma_start3A_508 = arith.constant 0 : i32
      %dma_start3A_509 = arith.constant 0 : i32
      %dma_start3A_510 = tpu.memref_slice %arg2[%dma_start3A_508, %dma_start3A_509] : memref<1600000x16xi32, #tpu.memory_space<hbm>> -> memref<1600000x16xi32, #tpu.memory_space<hbm>>
      tpu.enqueue_indirect_dma source(%dma_start3A_510 : memref<1600000x16xi32, #tpu.memory_space<hbm>>) target(%dma_start3A_504 : memref<128x16xi32, #tpu.memory_space<vmem>>) offsets(%dma_start3A_507 : memref<128xi32, #tpu.memory_space<vmem>>) semaphore(%arg11 : memref<!tpu.dma_semaphore, #tpu.memory_space<semaphore_mem>>)
      %dma_start3A_511 = arith.constant 0 : i32
      %dma_start3A_512 = arith.constant 0 : i32
      %dma_start3A_513 = arith.constant 512 : i32
      %dma_start3A_514 = arith.constant 0 : i32
      %dma_start3A_515 = tpu.memref_slice %arg7[%dma_start3A_512, %dma_start3A_513, %dma_start3A_514] : memref<2x1024x16xi32, #tpu.memory_space<vmem>> -> memref<1x128x16xi32, #tpu.memory_space<vmem>>
      %dma_start3A_516 = tpu.memref_squeeze %dma_start3A_515 : memref<1x128x16xi32, #tpu.memory_space<vmem>> -> memref<128x16xi32, #tpu.memory_space<vmem>>
      %dma_start3A_517 = arith.constant 512 : i32
      %dma_start3A_518 = tpu.memref_slice %arg6[%dma_start3A_511, %dma_start3A_517] : memref<2x1024xi32, #tpu.memory_space<vmem>> -> memref<1x128xi32, #tpu.memory_space<vmem>>
      %dma_start3A_519 = tpu.memref_squeeze %dma_start3A_518 : memref<1x128xi32, #tpu.memory_space<vmem>> -> memref<128xi32, #tpu.memory_space<vmem>>
      %dma_start3A_520 = arith.constant 0 : i32
      %dma_start3A_521 = arith.constant 0 : i32
      %dma_start3A_522 = tpu.memref_slice %arg2[%dma_start3A_520, %dma_start3A_521] : memref<1600000x16xi32, #tpu.memory_space<hbm>> -> memref<1600000x16xi32, #tpu.memory_space<hbm>>
      tpu.enqueue_indirect_dma source(%dma_start3A_522 : memref<1600000x16xi32, #tpu.memory_space<hbm>>) target(%dma_start3A_516 : memref<128x16xi32, #tpu.memory_space<vmem>>) offsets(%dma_start3A_519 : memref<128xi32, #tpu.memory_space<vmem>>) semaphore(%arg11 : memref<!tpu.dma_semaphore, #tpu.memory_space<semaphore_mem>>)
      %dma_start3A_523 = arith.constant 0 : i32
      %dma_start3A_524 = arith.constant 0 : i32
      %dma_start3A_525 = arith.constant 640 : i32
      %dma_start3A_526 = arith.constant 0 : i32
      %dma_start3A_527 = tpu.memref_slice %arg7[%dma_start3A_524, %dma_start3A_525, %dma_start3A_526] : memref<2x1024x16xi32, #tpu.memory_space<vmem>> -> memref<1x128x16xi32, #tpu.memory_space<vmem>>
      %dma_start3A_528 = tpu.memref_squeeze %dma_start3A_527 : memref<1x128x16xi32, #tpu.memory_space<vmem>> -> memref<128x16xi32, #tpu.memory_space<vmem>>
      %dma_start3A_529 = arith.constant 640 : i32
      %dma_start3A_530 = tpu.memref_slice %arg6[%dma_start3A_523, %dma_start3A_529] : memref<2x1024xi32, #tpu.memory_space<vmem>> -> memref<1x128xi32, #tpu.memory_space<vmem>>
      %dma_start3A_531 = tpu.memref_squeeze %dma_start3A_530 : memref<1x128xi32, #tpu.memory_space<vmem>> -> memref<128xi32, #tpu.memory_space<vmem>>
      %dma_start3A_532 = arith.constant 0 : i32
      %dma_start3A_533 = arith.constant 0 : i32
      %dma_start3A_534 = tpu.memref_slice %arg2[%dma_start3A_532, %dma_start3A_533] : memref<1600000x16xi32, #tpu.memory_space<hbm>> -> memref<1600000x16xi32, #tpu.memory_space<hbm>>
      tpu.enqueue_indirect_dma source(%dma_start3A_534 : memref<1600000x16xi32, #tpu.memory_space<hbm>>) target(%dma_start3A_528 : memref<128x16xi32, #tpu.memory_space<vmem>>) offsets(%dma_start3A_531 : memref<128xi32, #tpu.memory_space<vmem>>) semaphore(%arg11 : memref<!tpu.dma_semaphore, #tpu.memory_space<semaphore_mem>>)
      %dma_start3A_535 = arith.constant 0 : i32
      %dma_start3A_536 = arith.constant 0 : i32
      %dma_start3A_537 = arith.constant 768 : i32
      %dma_start3A_538 = arith.constant 0 : i32
      %dma_start3A_539 = tpu.memref_slice %arg7[%dma_start3A_536, %dma_start3A_537, %dma_start3A_538] : memref<2x1024x16xi32, #tpu.memory_space<vmem>> -> memref<1x128x16xi32, #tpu.memory_space<vmem>>
      %dma_start3A_540 = tpu.memref_squeeze %dma_start3A_539 : memref<1x128x16xi32, #tpu.memory_space<vmem>> -> memref<128x16xi32, #tpu.memory_space<vmem>>
      %dma_start3A_541 = arith.constant 768 : i32
      %dma_start3A_542 = tpu.memref_slice %arg6[%dma_start3A_535, %dma_start3A_541] : memref<2x1024xi32, #tpu.memory_space<vmem>> -> memref<1x128xi32, #tpu.memory_space<vmem>>
      %dma_start3A_543 = tpu.memref_squeeze %dma_start3A_542 : memref<1x128xi32, #tpu.memory_space<vmem>> -> memref<128xi32, #tpu.memory_space<vmem>>
      %dma_start3A_544 = arith.constant 0 : i32
      %dma_start3A_545 = arith.constant 0 : i32
      %dma_start3A_546 = tpu.memref_slice %arg2[%dma_start3A_544, %dma_start3A_545] : memref<1600000x16xi32, #tpu.memory_space<hbm>> -> memref<1600000x16xi32, #tpu.memory_space<hbm>>
      tpu.enqueue_indirect_dma source(%dma_start3A_546 : memref<1600000x16xi32, #tpu.memory_space<hbm>>) target(%dma_start3A_540 : memref<128x16xi32, #tpu.memory_space<vmem>>) offsets(%dma_start3A_543 : memref<128xi32, #tpu.memory_space<vmem>>) semaphore(%arg11 : memref<!tpu.dma_semaphore, #tpu.memory_space<semaphore_mem>>)
      %dma_start3A_547 = arith.constant 0 : i32
      %dma_start3A_548 = arith.constant 0 : i32
      %dma_start3A_549 = arith.constant 896 : i32
      %dma_start3A_550 = arith.constant 0 : i32
      %dma_start3A_551 = tpu.memref_slice %arg7[%dma_start3A_548, %dma_start3A_549, %dma_start3A_550] : memref<2x1024x16xi32, #tpu.memory_space<vmem>> -> memref<1x128x16xi32, #tpu.memory_space<vmem>>
      %dma_start3A_552 = tpu.memref_squeeze %dma_start3A_551 : memref<1x128x16xi32, #tpu.memory_space<vmem>> -> memref<128x16xi32, #tpu.memory_space<vmem>>
      %dma_start3A_553 = arith.constant 896 : i32
      %dma_start3A_554 = tpu.memref_slice %arg6[%dma_start3A_547, %dma_start3A_553] : memref<2x1024xi32, #tpu.memory_space<vmem>> -> memref<1x128xi32, #tpu.memory_space<vmem>>
      %dma_start3A_555 = tpu.memref_squeeze %dma_start3A_554 : memref<1x128xi32, #tpu.memory_space<vmem>> -> memref<128xi32, #tpu.memory_space<vmem>>
      %dma_start3A_556 = arith.constant 0 : i32
      %dma_start3A_557 = arith.constant 0 : i32
      %dma_start3A_558 = tpu.memref_slice %arg2[%dma_start3A_556, %dma_start3A_557] : memref<1600000x16xi32, #tpu.memory_space<hbm>> -> memref<1600000x16xi32, #tpu.memory_space<hbm>>
      tpu.enqueue_indirect_dma source(%dma_start3A_558 : memref<1600000x16xi32, #tpu.memory_space<hbm>>) target(%dma_start3A_552 : memref<128x16xi32, #tpu.memory_space<vmem>>) offsets(%dma_start3A_555 : memref<128xi32, #tpu.memory_space<vmem>>) semaphore(%arg11 : memref<!tpu.dma_semaphore, #tpu.memory_space<semaphore_mem>>)
      %lt3A = arith.constant 11 : i32
      %lt3A_559 = arith.cmpi slt, %scan3A_247, %lt3A : i32
      %convert_element_type3A_560 = arith.extui %lt3A_559 : i1 to i32
      %cond3A_561 = arith.constant 0 : i32
      %cond3A_562 = arith.cmpi ne, %convert_element_type3A_560, %cond3A_561 : i32
      scf.if %cond3A_562 {
        %add3A_633 = arith.constant 3 : i32
        %add3A_634 = arith.addi %mul3A_249, %add3A_633 : i32
        %mul3A_635 = arith.constant 64 : i32
        %mul3A_636 = arith.muli %add3A_634, %mul3A_635 : i32
        %add3A_637 = arith.addi %mul3A_2, %mul3A_636 : i32
        %min3A_638 = arith.constant 49936 : i32
        %min3A_639 = arith.minsi %add3A_637, %min3A_638 : i32
        %mul3A_640 = arith.constant 16 : i32
        %mul3A_641 = arith.muli %min3A_639, %mul3A_640 : i32
        %dma_start3A_642 = arith.constant 1 : i32
        %dma_start3A_643 = arith.constant 0 : i32
        %dma_start3A_644 = tpu.memref_slice %arg5[%dma_start3A_642, %dma_start3A_643] : memref<2x1024xi32, #tpu.memory_space<vmem>> -> memref<1x1024xi32, #tpu.memory_space<vmem>>
        %dma_start3A_645 = tpu.memref_squeeze %dma_start3A_644 : memref<1x1024xi32, #tpu.memory_space<vmem>> -> memref<1024xi32, #tpu.memory_space<vmem>>
        %dma_start3A_646 = tpu.memref_slice %arg3[%mul3A_641] : memref<800000xi32, #tpu.memory_space<hbm>> -> memref<1024xi32, #tpu.memory_space<hbm>>
        %dma_start3A_647 = arith.constant 0 : i32
        %dma_start3A_648 = tpu.memref_slice %arg5[%dma_start3A_642, %dma_start3A_647] : memref<2x1024xi32, #tpu.memory_space<vmem>> -> memref<1x1024xi32, #tpu.memory_space<vmem>>
        %dma_start3A_649 = tpu.memref_squeeze %dma_start3A_648 : memref<1x1024xi32, #tpu.memory_space<vmem>> -> memref<1024xi32, #tpu.memory_space<vmem>>
        %dma_start3A_650 = tpu.memref_slice %arg3[%mul3A_641] : memref<800000xi32, #tpu.memory_space<hbm>> -> memref<1024xi32, #tpu.memory_space<hbm>>
        tpu.enqueue_dma source(%dma_start3A_650 : memref<1024xi32, #tpu.memory_space<hbm>>) target(%dma_start3A_649 : memref<1024xi32, #tpu.memory_space<vmem>>) target_semaphore(%arg10 : memref<!tpu.dma_semaphore, #tpu.memory_space<semaphore_mem>>)
      } else {
      }
      %dma_wait3A_563 = arith.constant 1 : i32
      %dma_wait3A_564 = arith.constant 0 : i32
      %dma_wait3A_565 = arith.constant 0 : i32
      %dma_wait3A_566 = tpu.memref_slice %arg7[%dma_wait3A_563, %dma_wait3A_564, %dma_wait3A_565] : memref<2x1024x16xi32, #tpu.memory_space<vmem>> -> memref<1x1024x16xi32, #tpu.memory_space<vmem>>
      %dma_wait3A_567 = tpu.memref_squeeze %dma_wait3A_566 : memref<1x1024x16xi32, #tpu.memory_space<vmem>> -> memref<1024x16xi32, #tpu.memory_space<vmem>>
      %dma_wait3A_568 = arith.constant 0 : i32
      %dma_wait3A_569 = arith.constant 0 : i32
      %dma_wait3A_570 = tpu.memref_slice %arg2[%dma_wait3A_568, %dma_wait3A_569] : memref<1600000x16xi32, #tpu.memory_space<hbm>> -> memref<1024x16xi32, #tpu.memory_space<hbm>>
      %dma_wait3A_571 = arith.constant 0 : i32
      %dma_wait3A_572 = arith.constant 0 : i32
      %dma_wait3A_573 = tpu.memref_slice %arg7[%dma_wait3A_563, %dma_wait3A_571, %dma_wait3A_572] : memref<2x1024x16xi32, #tpu.memory_space<vmem>> -> memref<1x1024x16xi32, #tpu.memory_space<vmem>>
      %dma_wait3A_574 = tpu.memref_squeeze %dma_wait3A_573 : memref<1x1024x16xi32, #tpu.memory_space<vmem>> -> memref<1024x16xi32, #tpu.memory_space<vmem>>
      %dma_wait3A_575 = arith.constant 0 : i32
      %dma_wait3A_576 = arith.constant 0 : i32
      %dma_wait3A_577 = tpu.memref_slice %arg2[%dma_wait3A_575, %dma_wait3A_576] : memref<1600000x16xi32, #tpu.memory_space<hbm>> -> memref<1024x16xi32, #tpu.memory_space<hbm>>
      tpu.wait_dma2 semaphore(%arg12 : memref<!tpu.dma_semaphore, #tpu.memory_space<semaphore_mem>>) src(%dma_wait3A_577 : memref<1024x16xi32, #tpu.memory_space<hbm>>) dst(%dma_wait3A_574 : memref<1024x16xi32, #tpu.memory_space<vmem>>)
      %gt3A_578 = arith.constant 0 : i32
      %gt3A_579 = arith.cmpi sgt, %scan3A_247, %gt3A_578 : i32
      %convert_element_type3A_580 = arith.extui %gt3A_579 : i1 to i32
      %cond3A_581 = arith.constant 0 : i32
      %cond3A_582 = arith.cmpi ne, %convert_element_type3A_580, %cond3A_581 : i32
      scf.if %cond3A_582 {
        %dma_wait3A_633 = arith.constant 1 : i32
        %dma_wait3A_634 = arith.constant 0 : i32
        %dma_wait3A_635 = arith.constant 0 : i32
        %dma_wait3A_636 = tpu.memref_slice %arg8[%dma_wait3A_633, %dma_wait3A_634, %dma_wait3A_635] : memref<2x16x128xf32, #tpu.memory_space<vmem>> -> memref<1x16x128xf32, #tpu.memory_space<vmem>>
        %dma_wait3A_637 = tpu.memref_squeeze %dma_wait3A_636 : memref<1x16x128xf32, #tpu.memory_space<vmem>> -> memref<16x128xf32, #tpu.memory_space<vmem>>
        %dma_wait3A_638 = arith.constant 0 : i32
        %dma_wait3A_639 = arith.constant 0 : i32
        %dma_wait3A_640 = tpu.memref_slice %arg4[%dma_wait3A_638, %dma_wait3A_639] : memref<12500x128xf32, #tpu.memory_space<hbm>> -> memref<16x128xf32, #tpu.memory_space<hbm>>
        %dma_wait3A_641 = arith.constant 0 : i32
        %dma_wait3A_642 = arith.constant 0 : i32
        %dma_wait3A_643 = tpu.memref_slice %arg4[%dma_wait3A_641, %dma_wait3A_642] : memref<12500x128xf32, #tpu.memory_space<hbm>> -> memref<16x128xf32, #tpu.memory_space<hbm>>
        %dma_wait3A_644 = arith.constant 0 : i32
        %dma_wait3A_645 = arith.constant 0 : i32
        %dma_wait3A_646 = tpu.memref_slice %arg8[%dma_wait3A_633, %dma_wait3A_644, %dma_wait3A_645] : memref<2x16x128xf32, #tpu.memory_space<vmem>> -> memref<1x16x128xf32, #tpu.memory_space<vmem>>
        %dma_wait3A_647 = tpu.memref_squeeze %dma_wait3A_646 : memref<1x16x128xf32, #tpu.memory_space<vmem>> -> memref<16x128xf32, #tpu.memory_space<vmem>>
        tpu.wait_dma2 semaphore(%arg14 : memref<!tpu.dma_semaphore, #tpu.memory_space<semaphore_mem>>) src(%dma_wait3A_647 : memref<16x128xf32, #tpu.memory_space<vmem>>) dst(%dma_wait3A_643 : memref<16x128xf32, #tpu.memory_space<hbm>>)
      } else {
      }
      %add3A_583 = arith.constant 1 : i32
      %add3A_584 = arith.addi %mul3A_249, %add3A_583 : i32
      %scan3A_585 = arith.constant 0 : i32
      %scan3A_586 = arith.constant 0 : i32
      %scan3A_587 = arith.constant 64 : i32
      %scan3A_588 = arith.addi %scan3A_586, %scan3A_587 : i32
      %scan3A_589 = arith.constant 2 : i32
      scf.for %scan3A_633 = %scan3A_586 to %scan3A_588 step %scan3A_589  : i32 {
        %mul3A_634 = arith.constant 16 : i32
        %mul3A_635 = arith.muli %scan3A_633, %mul3A_634 : i32
        %add3A_636 = arith.constant 0 : i32
        %add3A_637 = arith.addi %mul3A_635, %add3A_636 : i32
        %get3A = arith.constant 1 : i32
        %get3A_638 = arith.index_cast %get3A : i32 to index
        %get3A_639 = arith.index_cast %add3A_637 : i32 to index
        %get3A_640 = arith.constant 0 : index
        %get3A_641 = tpu.vector_load %arg7[%get3A_638, %get3A_639, %get3A_640] {strides = array<i32>} : memref<2x1024x16xi32, #tpu.memory_space<vmem>>, vector<16xi32>,
        %bitcast3A = vector.bitcast %get3A_641 : vector<16xi32> to vector<32xbf16>
        %unpack3A = tpu.unpack_subelements %bitcast3A, 0 {pack_format = #tpu.pack_format<interleaved>} : vector<32xbf16> -> vector<16xf32>
        %unpack3A_642 = tpu.unpack_subelements %bitcast3A, 1 {pack_format = #tpu.pack_format<interleaved>} : vector<32xbf16> -> vector<16xf32>
        %add3A_643 = arith.constant 1 : i32
        %add3A_644 = arith.addi %mul3A_635, %add3A_643 : i32
        %get3A_645 = arith.constant 1 : i32
        %get3A_646 = arith.index_cast %get3A_645 : i32 to index
        %get3A_647 = arith.index_cast %add3A_644 : i32 to index
        %get3A_648 = arith.constant 0 : index
        %get3A_649 = tpu.vector_load %arg7[%get3A_646, %get3A_647, %get3A_648] {strides = array<i32>} : memref<2x1024x16xi32, #tpu.memory_space<vmem>>, vector<16xi32>,
        %bitcast3A_650 = vector.bitcast %get3A_649 : vector<16xi32> to vector<32xbf16>
        %unpack3A_651 = tpu.unpack_subelements %bitcast3A_650, 0 {pack_format = #tpu.pack_format<interleaved>} : vector<32xbf16> -> vector<16xf32>
        %unpack3A_652 = tpu.unpack_subelements %bitcast3A_650, 1 {pack_format = #tpu.pack_format<interleaved>} : vector<32xbf16> -> vector<16xf32>
        %add3A_653 = arith.addf %unpack3A, %unpack3A_651 : vector<16xf32>
        %add3A_654 = arith.addf %unpack3A_642, %unpack3A_652 : vector<16xf32>
        %add3A_655 = arith.constant 2 : i32
        %add3A_656 = arith.addi %mul3A_635, %add3A_655 : i32
        %get3A_657 = arith.constant 1 : i32
        %get3A_658 = arith.index_cast %get3A_657 : i32 to index
        %get3A_659 = arith.index_cast %add3A_656 : i32 to index
        %get3A_660 = arith.constant 0 : index
        %get3A_661 = tpu.vector_load %arg7[%get3A_658, %get3A_659, %get3A_660] {strides = array<i32>} : memref<2x1024x16xi32, #tpu.memory_space<vmem>>, vector<16xi32>,
        %bitcast3A_662 = vector.bitcast %get3A_661 : vector<16xi32> to vector<32xbf16>
        %unpack3A_663 = tpu.unpack_subelements %bitcast3A_662, 0 {pack_format = #tpu.pack_format<interleaved>} : vector<32xbf16> -> vector<16xf32>
        %unpack3A_664 = tpu.unpack_subelements %bitcast3A_662, 1 {pack_format = #tpu.pack_format<interleaved>} : vector<32xbf16> -> vector<16xf32>
        %add3A_665 = arith.addf %add3A_653, %unpack3A_663 : vector<16xf32>
        %add3A_666 = arith.addf %add3A_654, %unpack3A_664 : vector<16xf32>
        %add3A_667 = arith.constant 3 : i32
        %add3A_668 = arith.addi %mul3A_635, %add3A_667 : i32
        %get3A_669 = arith.constant 1 : i32
        %get3A_670 = arith.index_cast %get3A_669 : i32 to index
        %get3A_671 = arith.index_cast %add3A_668 : i32 to index
        %get3A_672 = arith.constant 0 : index
        %get3A_673 = tpu.vector_load %arg7[%get3A_670, %get3A_671, %get3A_672] {strides = array<i32>} : memref<2x1024x16xi32, #tpu.memory_space<vmem>>, vector<16xi32>,
        %bitcast3A_674 = vector.bitcast %get3A_673 : vector<16xi32> to vector<32xbf16>
        %unpack3A_675 = tpu.unpack_subelements %bitcast3A_674, 0 {pack_format = #tpu.pack_format<interleaved>} : vector<32xbf16> -> vector<16xf32>
        %unpack3A_676 = tpu.unpack_subelements %bitcast3A_674, 1 {pack_format = #tpu.pack_format<interleaved>} : vector<32xbf16> -> vector<16xf32>
        %add3A_677 = arith.addf %add3A_665, %unpack3A_675 : vector<16xf32>
        %add3A_678 = arith.addf %add3A_666, %unpack3A_676 : vector<16xf32>
        %add3A_679 = arith.constant 4 : i32
        %add3A_680 = arith.addi %mul3A_635, %add3A_679 : i32
        %get3A_681 = arith.constant 1 : i32
        %get3A_682 = arith.index_cast %get3A_681 : i32 to index
        %get3A_683 = arith.index_cast %add3A_680 : i32 to index
        %get3A_684 = arith.constant 0 : index
        %get3A_685 = tpu.vector_load %arg7[%get3A_682, %get3A_683, %get3A_684] {strides = array<i32>} : memref<2x1024x16xi32, #tpu.memory_space<vmem>>, vector<16xi32>,
        %bitcast3A_686 = vector.bitcast %get3A_685 : vector<16xi32> to vector<32xbf16>
        %unpack3A_687 = tpu.unpack_subelements %bitcast3A_686, 0 {pack_format = #tpu.pack_format<interleaved>} : vector<32xbf16> -> vector<16xf32>
        %unpack3A_688 = tpu.unpack_subelements %bitcast3A_686, 1 {pack_format = #tpu.pack_format<interleaved>} : vector<32xbf16> -> vector<16xf32>
        %add3A_689 = arith.addf %add3A_677, %unpack3A_687 : vector<16xf32>
        %add3A_690 = arith.addf %add3A_678, %unpack3A_688 : vector<16xf32>
        %add3A_691 = arith.constant 5 : i32
        %add3A_692 = arith.addi %mul3A_635, %add3A_691 : i32
        %get3A_693 = arith.constant 1 : i32
        %get3A_694 = arith.index_cast %get3A_693 : i32 to index
        %get3A_695 = arith.index_cast %add3A_692 : i32 to index
        %get3A_696 = arith.constant 0 : index
        %get3A_697 = tpu.vector_load %arg7[%get3A_694, %get3A_695, %get3A_696] {strides = array<i32>} : memref<2x1024x16xi32, #tpu.memory_space<vmem>>, vector<16xi32>,
        %bitcast3A_698 = vector.bitcast %get3A_697 : vector<16xi32> to vector<32xbf16>
        %unpack3A_699 = tpu.unpack_subelements %bitcast3A_698, 0 {pack_format = #tpu.pack_format<interleaved>} : vector<32xbf16> -> vector<16xf32>
        %unpack3A_700 = tpu.unpack_subelements %bitcast3A_698, 1 {pack_format = #tpu.pack_format<interleaved>} : vector<32xbf16> -> vector<16xf32>
        %add3A_701 = arith.addf %add3A_689, %unpack3A_699 : vector<16xf32>
        %add3A_702 = arith.addf %add3A_690, %unpack3A_700 : vector<16xf32>
        %add3A_703 = arith.constant 6 : i32
        %add3A_704 = arith.addi %mul3A_635, %add3A_703 : i32
        %get3A_705 = arith.constant 1 : i32
        %get3A_706 = arith.index_cast %get3A_705 : i32 to index
        %get3A_707 = arith.index_cast %add3A_704 : i32 to index
        %get3A_708 = arith.constant 0 : index
        %get3A_709 = tpu.vector_load %arg7[%get3A_706, %get3A_707, %get3A_708] {strides = array<i32>} : memref<2x1024x16xi32, #tpu.memory_space<vmem>>, vector<16xi32>,
        %bitcast3A_710 = vector.bitcast %get3A_709 : vector<16xi32> to vector<32xbf16>
        %unpack3A_711 = tpu.unpack_subelements %bitcast3A_710, 0 {pack_format = #tpu.pack_format<interleaved>} : vector<32xbf16> -> vector<16xf32>
        %unpack3A_712 = tpu.unpack_subelements %bitcast3A_710, 1 {pack_format = #tpu.pack_format<interleaved>} : vector<32xbf16> -> vector<16xf32>
        %add3A_713 = arith.addf %add3A_701, %unpack3A_711 : vector<16xf32>
        %add3A_714 = arith.addf %add3A_702, %unpack3A_712 : vector<16xf32>
        %add3A_715 = arith.constant 7 : i32
        %add3A_716 = arith.addi %mul3A_635, %add3A_715 : i32
        %get3A_717 = arith.constant 1 : i32
        %get3A_718 = arith.index_cast %get3A_717 : i32 to index
        %get3A_719 = arith.index_cast %add3A_716 : i32 to index
        %get3A_720 = arith.constant 0 : index
        %get3A_721 = tpu.vector_load %arg7[%get3A_718, %get3A_719, %get3A_720] {strides = array<i32>} : memref<2x1024x16xi32, #tpu.memory_space<vmem>>, vector<16xi32>,
        %bitcast3A_722 = vector.bitcast %get3A_721 : vector<16xi32> to vector<32xbf16>
        %unpack3A_723 = tpu.unpack_subelements %bitcast3A_722, 0 {pack_format = #tpu.pack_format<interleaved>} : vector<32xbf16> -> vector<16xf32>
        %unpack3A_724 = tpu.unpack_subelements %bitcast3A_722, 1 {pack_format = #tpu.pack_format<interleaved>} : vector<32xbf16> -> vector<16xf32>
        %add3A_725 = arith.addf %add3A_713, %unpack3A_723 : vector<16xf32>
        %add3A_726 = arith.addf %add3A_714, %unpack3A_724 : vector<16xf32>
        %add3A_727 = arith.constant 8 : i32
        %add3A_728 = arith.addi %mul3A_635, %add3A_727 : i32
        %get3A_729 = arith.constant 1 : i32
        %get3A_730 = arith.index_cast %get3A_729 : i32 to index
        %get3A_731 = arith.index_cast %add3A_728 : i32 to index
        %get3A_732 = arith.constant 0 : index
        %get3A_733 = tpu.vector_load %arg7[%get3A_730, %get3A_731, %get3A_732] {strides = array<i32>} : memref<2x1024x16xi32, #tpu.memory_space<vmem>>, vector<16xi32>,
        %bitcast3A_734 = vector.bitcast %get3A_733 : vector<16xi32> to vector<32xbf16>
        %unpack3A_735 = tpu.unpack_subelements %bitcast3A_734, 0 {pack_format = #tpu.pack_format<interleaved>} : vector<32xbf16> -> vector<16xf32>
        %unpack3A_736 = tpu.unpack_subelements %bitcast3A_734, 1 {pack_format = #tpu.pack_format<interleaved>} : vector<32xbf16> -> vector<16xf32>
        %add3A_737 = arith.addf %add3A_725, %unpack3A_735 : vector<16xf32>
        %add3A_738 = arith.addf %add3A_726, %unpack3A_736 : vector<16xf32>
        %add3A_739 = arith.constant 9 : i32
        %add3A_740 = arith.addi %mul3A_635, %add3A_739 : i32
        %get3A_741 = arith.constant 1 : i32
        %get3A_742 = arith.index_cast %get3A_741 : i32 to index
        %get3A_743 = arith.index_cast %add3A_740 : i32 to index
        %get3A_744 = arith.constant 0 : index
        %get3A_745 = tpu.vector_load %arg7[%get3A_742, %get3A_743, %get3A_744] {strides = array<i32>} : memref<2x1024x16xi32, #tpu.memory_space<vmem>>, vector<16xi32>,
        %bitcast3A_746 = vector.bitcast %get3A_745 : vector<16xi32> to vector<32xbf16>
        %unpack3A_747 = tpu.unpack_subelements %bitcast3A_746, 0 {pack_format = #tpu.pack_format<interleaved>} : vector<32xbf16> -> vector<16xf32>
        %unpack3A_748 = tpu.unpack_subelements %bitcast3A_746, 1 {pack_format = #tpu.pack_format<interleaved>} : vector<32xbf16> -> vector<16xf32>
        %add3A_749 = arith.addf %add3A_737, %unpack3A_747 : vector<16xf32>
        %add3A_750 = arith.addf %add3A_738, %unpack3A_748 : vector<16xf32>
        %add3A_751 = arith.constant 10 : i32
        %add3A_752 = arith.addi %mul3A_635, %add3A_751 : i32
        %get3A_753 = arith.constant 1 : i32
        %get3A_754 = arith.index_cast %get3A_753 : i32 to index
        %get3A_755 = arith.index_cast %add3A_752 : i32 to index
        %get3A_756 = arith.constant 0 : index
        %get3A_757 = tpu.vector_load %arg7[%get3A_754, %get3A_755, %get3A_756] {strides = array<i32>} : memref<2x1024x16xi32, #tpu.memory_space<vmem>>, vector<16xi32>,
        %bitcast3A_758 = vector.bitcast %get3A_757 : vector<16xi32> to vector<32xbf16>
        %unpack3A_759 = tpu.unpack_subelements %bitcast3A_758, 0 {pack_format = #tpu.pack_format<interleaved>} : vector<32xbf16> -> vector<16xf32>
        %unpack3A_760 = tpu.unpack_subelements %bitcast3A_758, 1 {pack_format = #tpu.pack_format<interleaved>} : vector<32xbf16> -> vector<16xf32>
        %add3A_761 = arith.addf %add3A_749, %unpack3A_759 : vector<16xf32>
        %add3A_762 = arith.addf %add3A_750, %unpack3A_760 : vector<16xf32>
        %add3A_763 = arith.constant 11 : i32
        %add3A_764 = arith.addi %mul3A_635, %add3A_763 : i32
        %get3A_765 = arith.constant 1 : i32
        %get3A_766 = arith.index_cast %get3A_765 : i32 to index
        %get3A_767 = arith.index_cast %add3A_764 : i32 to index
        %get3A_768 = arith.constant 0 : index
        %get3A_769 = tpu.vector_load %arg7[%get3A_766, %get3A_767, %get3A_768] {strides = array<i32>} : memref<2x1024x16xi32, #tpu.memory_space<vmem>>, vector<16xi32>,
        %bitcast3A_770 = vector.bitcast %get3A_769 : vector<16xi32> to vector<32xbf16>
        %unpack3A_771 = tpu.unpack_subelements %bitcast3A_770, 0 {pack_format = #tpu.pack_format<interleaved>} : vector<32xbf16> -> vector<16xf32>
        %unpack3A_772 = tpu.unpack_subelements %bitcast3A_770, 1 {pack_format = #tpu.pack_format<interleaved>} : vector<32xbf16> -> vector<16xf32>
        %add3A_773 = arith.addf %add3A_761, %unpack3A_771 : vector<16xf32>
        %add3A_774 = arith.addf %add3A_762, %unpack3A_772 : vector<16xf32>
        %add3A_775 = arith.constant 12 : i32
        %add3A_776 = arith.addi %mul3A_635, %add3A_775 : i32
        %get3A_777 = arith.constant 1 : i32
        %get3A_778 = arith.index_cast %get3A_777 : i32 to index
        %get3A_779 = arith.index_cast %add3A_776 : i32 to index
        %get3A_780 = arith.constant 0 : index
        %get3A_781 = tpu.vector_load %arg7[%get3A_778, %get3A_779, %get3A_780] {strides = array<i32>} : memref<2x1024x16xi32, #tpu.memory_space<vmem>>, vector<16xi32>,
        %bitcast3A_782 = vector.bitcast %get3A_781 : vector<16xi32> to vector<32xbf16>
        %unpack3A_783 = tpu.unpack_subelements %bitcast3A_782, 0 {pack_format = #tpu.pack_format<interleaved>} : vector<32xbf16> -> vector<16xf32>
        %unpack3A_784 = tpu.unpack_subelements %bitcast3A_782, 1 {pack_format = #tpu.pack_format<interleaved>} : vector<32xbf16> -> vector<16xf32>
        %add3A_785 = arith.addf %add3A_773, %unpack3A_783 : vector<16xf32>
        %add3A_786 = arith.addf %add3A_774, %unpack3A_784 : vector<16xf32>
        %add3A_787 = arith.constant 13 : i32
        %add3A_788 = arith.addi %mul3A_635, %add3A_787 : i32
        %get3A_789 = arith.constant 1 : i32
        %get3A_790 = arith.index_cast %get3A_789 : i32 to index
        %get3A_791 = arith.index_cast %add3A_788 : i32 to index
        %get3A_792 = arith.constant 0 : index
        %get3A_793 = tpu.vector_load %arg7[%get3A_790, %get3A_791, %get3A_792] {strides = array<i32>} : memref<2x1024x16xi32, #tpu.memory_space<vmem>>, vector<16xi32>,
        %bitcast3A_794 = vector.bitcast %get3A_793 : vector<16xi32> to vector<32xbf16>
        %unpack3A_795 = tpu.unpack_subelements %bitcast3A_794, 0 {pack_format = #tpu.pack_format<interleaved>} : vector<32xbf16> -> vector<16xf32>
        %unpack3A_796 = tpu.unpack_subelements %bitcast3A_794, 1 {pack_format = #tpu.pack_format<interleaved>} : vector<32xbf16> -> vector<16xf32>
        %add3A_797 = arith.addf %add3A_785, %unpack3A_795 : vector<16xf32>
        %add3A_798 = arith.addf %add3A_786, %unpack3A_796 : vector<16xf32>
        %add3A_799 = arith.constant 14 : i32
        %add3A_800 = arith.addi %mul3A_635, %add3A_799 : i32
        %get3A_801 = arith.constant 1 : i32
        %get3A_802 = arith.index_cast %get3A_801 : i32 to index
        %get3A_803 = arith.index_cast %add3A_800 : i32 to index
        %get3A_804 = arith.constant 0 : index
        %get3A_805 = tpu.vector_load %arg7[%get3A_802, %get3A_803, %get3A_804] {strides = array<i32>} : memref<2x1024x16xi32, #tpu.memory_space<vmem>>, vector<16xi32>,
        %bitcast3A_806 = vector.bitcast %get3A_805 : vector<16xi32> to vector<32xbf16>
        %unpack3A_807 = tpu.unpack_subelements %bitcast3A_806, 0 {pack_format = #tpu.pack_format<interleaved>} : vector<32xbf16> -> vector<16xf32>
        %unpack3A_808 = tpu.unpack_subelements %bitcast3A_806, 1 {pack_format = #tpu.pack_format<interleaved>} : vector<32xbf16> -> vector<16xf32>
        %add3A_809 = arith.addf %add3A_797, %unpack3A_807 : vector<16xf32>
        %add3A_810 = arith.addf %add3A_798, %unpack3A_808 : vector<16xf32>
        %add3A_811 = arith.constant 15 : i32
        %add3A_812 = arith.addi %mul3A_635, %add3A_811 : i32
        %get3A_813 = arith.constant 1 : i32
        %get3A_814 = arith.index_cast %get3A_813 : i32 to index
        %get3A_815 = arith.index_cast %add3A_812 : i32 to index
        %get3A_816 = arith.constant 0 : index
        %get3A_817 = tpu.vector_load %arg7[%get3A_814, %get3A_815, %get3A_816] {strides = array<i32>} : memref<2x1024x16xi32, #tpu.memory_space<vmem>>, vector<16xi32>,
        %bitcast3A_818 = vector.bitcast %get3A_817 : vector<16xi32> to vector<32xbf16>
        %unpack3A_819 = tpu.unpack_subelements %bitcast3A_818, 0 {pack_format = #tpu.pack_format<interleaved>} : vector<32xbf16> -> vector<16xf32>
        %unpack3A_820 = tpu.unpack_subelements %bitcast3A_818, 1 {pack_format = #tpu.pack_format<interleaved>} : vector<32xbf16> -> vector<16xf32>
        %add3A_821 = arith.addf %add3A_809, %unpack3A_819 : vector<16xf32>
        %add3A_822 = arith.addf %add3A_810, %unpack3A_820 : vector<16xf32>
        %jit3A_823 = arith.constant 4 : i32
        %eq3A = arith.constant 0 : i32
        %eq3A_824 = arith.cmpi eq, %jit3A_823, %eq3A : i32
        %jit3A_825 = arith.constant 1 : i32
        %select_n3A_826 = arith.select %eq3A_824, %jit3A_825, %jit3A_823 : i32
        %rem3A_827 = arith.remsi %scan3A_633, %select_n3A_826 : i32
        %ne3A_828 = arith.constant 0 : i32
        %ne3A_829 = arith.cmpi ne, %rem3A_827, %ne3A_828 : i32
        %lt3A_830 = arith.constant 0 : i32
        %lt3A_831 = arith.cmpi slt, %rem3A_827, %lt3A_830 : i32
        %lt3A_832 = arith.constant 0 : i32
        %lt3A_833 = arith.cmpi slt, %select_n3A_826, %lt3A_832 : i32
        %ne3A_834 = arith.xori %lt3A_831, %lt3A_833 : i1
        %and3A_835 = arith.andi %ne3A_834, %ne3A_829 : i1
        %add3A_836 = arith.addi %rem3A_827, %select_n3A_826 : i32
        %select_n3A_837 = arith.select %and3A_835, %add3A_836, %rem3A_827 : i32
        %mul3A_838 = arith.constant 32 : i32
        %mul3A_839 = arith.muli %select_n3A_837, %mul3A_838 : i32
        %jit3A_840 = arith.constant 4 : i32
        %div3A_841 = arith.divsi %scan3A_633, %jit3A_840 : i32
        %sign3A_842 = arith.constant 0 : i32
        %sign3A_843 = arith.cmpi sgt, %scan3A_633, %sign3A_842 : i32
        %sign3A_844 = arith.extui %sign3A_843 : i1 to i32
        %sign3A_845 = arith.constant 0 : i32
        %sign3A_846 = arith.cmpi slt, %scan3A_633, %sign3A_845 : i32
        %sign3A_847 = arith.extui %sign3A_846 : i1 to i32
        %sign3A_848 = arith.subi %sign3A_844, %sign3A_847 : i32
        %sign3A_849 = arith.constant 0 : i32
        %sign3A_850 = arith.cmpi sgt, %jit3A_840, %sign3A_849 : i32
        %sign3A_851 = arith.extui %sign3A_850 : i1 to i32
        %sign3A_852 = arith.constant 0 : i32
        %sign3A_853 = arith.cmpi slt, %jit3A_840, %sign3A_852 : i32
        %sign3A_854 = arith.extui %sign3A_853 : i1 to i32
        %sign3A_855 = arith.subi %sign3A_851, %sign3A_854 : i32
        %ne3A_856 = arith.cmpi ne, %sign3A_848, %sign3A_855 : i32
        %rem3A_857 = arith.remsi %scan3A_633, %jit3A_840 : i32
        %ne3A_858 = arith.constant 0 : i32
        %ne3A_859 = arith.cmpi ne, %rem3A_857, %ne3A_858 : i32
        %and3A_860 = arith.andi %ne3A_856, %ne3A_859 : i1
        %sub3A_861 = arith.constant 1 : i32
        %sub3A_862 = arith.subi %div3A_841, %sub3A_861 : i32
        %select_n3A_863 = arith.select %and3A_860, %sub3A_862, %div3A_841 : i32
        %swap3A = arith.constant 1 : i32
        %swap3A_864 = arith.index_cast %swap3A : i32 to index
        %swap3A_865 = arith.index_cast %select_n3A_863 : i32 to index
        %swap3A_866 = arith.index_cast %mul3A_839 : i32 to index
        %swap3A_867 = tpu.vector_load %arg8[%swap3A_864, %swap3A_865, %swap3A_866] {strides = array<i32>} : memref<2x16x128xf32, #tpu.memory_space<vmem>>, vector<16xf32>,
        tpu.vector_store %arg8[%swap3A_864, %swap3A_865, %swap3A_866], %add3A_821 {strides = array<i32>} : memref<2x16x128xf32, #tpu.memory_space<vmem>>, vector<16xf32>,
        %jit3A_868 = arith.constant 4 : i32
        %div3A_869 = arith.divsi %scan3A_633, %jit3A_868 : i32
        %sign3A_870 = arith.constant 0 : i32
        %sign3A_871 = arith.cmpi sgt, %scan3A_633, %sign3A_870 : i32
        %sign3A_872 = arith.extui %sign3A_871 : i1 to i32
        %sign3A_873 = arith.constant 0 : i32
        %sign3A_874 = arith.cmpi slt, %scan3A_633, %sign3A_873 : i32
        %sign3A_875 = arith.extui %sign3A_874 : i1 to i32
        %sign3A_876 = arith.subi %sign3A_872, %sign3A_875 : i32
        %sign3A_877 = arith.constant 0 : i32
        %sign3A_878 = arith.cmpi sgt, %jit3A_868, %sign3A_877 : i32
        %sign3A_879 = arith.extui %sign3A_878 : i1 to i32
        %sign3A_880 = arith.constant 0 : i32
        %sign3A_881 = arith.cmpi slt, %jit3A_868, %sign3A_880 : i32
        %sign3A_882 = arith.extui %sign3A_881 : i1 to i32
        %sign3A_883 = arith.subi %sign3A_879, %sign3A_882 : i32
        %ne3A_884 = arith.cmpi ne, %sign3A_876, %sign3A_883 : i32
        %rem3A_885 = arith.remsi %scan3A_633, %jit3A_868 : i32
        %ne3A_886 = arith.constant 0 : i32
        %ne3A_887 = arith.cmpi ne, %rem3A_885, %ne3A_886 : i32
        %and3A_888 = arith.andi %ne3A_884, %ne3A_887 : i1
        %sub3A_889 = arith.constant 1 : i32
        %sub3A_890 = arith.subi %div3A_869, %sub3A_889 : i32
        %select_n3A_891 = arith.select %and3A_888, %sub3A_890, %div3A_869 : i32
        %add3A_892 = arith.constant 16 : i32
        %add3A_893 = arith.addi %mul3A_839, %add3A_892 : i32
        %swap3A_894 = arith.constant 1 : i32
        %swap3A_895 = arith.index_cast %swap3A_894 : i32 to index
        %swap3A_896 = arith.index_cast %select_n3A_891 : i32 to index
        %swap3A_897 = arith.index_cast %add3A_893 : i32 to index
        %swap3A_898 = tpu.vector_load %arg8[%swap3A_895, %swap3A_896, %swap3A_897] {strides = array<i32>} : memref<2x16x128xf32, #tpu.memory_space<vmem>>, vector<16xf32>,
        tpu.vector_store %arg8[%swap3A_895, %swap3A_896, %swap3A_897], %add3A_822 {strides = array<i32>} : memref<2x16x128xf32, #tpu.memory_space<vmem>>, vector<16xf32>,
        %scan3A_899 = arith.constant 1 : i32
        %scan3A_900 = arith.addi %scan3A_633, %scan3A_899 : i32
        %mul3A_901 = arith.constant 16 : i32
        %mul3A_902 = arith.muli %scan3A_900, %mul3A_901 : i32
        %add3A_903 = arith.constant 0 : i32
        %add3A_904 = arith.addi %mul3A_902, %add3A_903 : i32
        %get3A_905 = arith.constant 1 : i32
        %get3A_906 = arith.index_cast %get3A_905 : i32 to index
        %get3A_907 = arith.index_cast %add3A_904 : i32 to index
        %get3A_908 = arith.constant 0 : index
        %get3A_909 = tpu.vector_load %arg7[%get3A_906, %get3A_907, %get3A_908] {strides = array<i32>} : memref<2x1024x16xi32, #tpu.memory_space<vmem>>, vector<16xi32>,
        %bitcast3A_910 = vector.bitcast %get3A_909 : vector<16xi32> to vector<32xbf16>
        %unpack3A_911 = tpu.unpack_subelements %bitcast3A_910, 0 {pack_format = #tpu.pack_format<interleaved>} : vector<32xbf16> -> vector<16xf32>
        %unpack3A_912 = tpu.unpack_subelements %bitcast3A_910, 1 {pack_format = #tpu.pack_format<interleaved>} : vector<32xbf16> -> vector<16xf32>
        %add3A_913 = arith.constant 1 : i32
        %add3A_914 = arith.addi %mul3A_902, %add3A_913 : i32
        %get3A_915 = arith.constant 1 : i32
        %get3A_916 = arith.index_cast %get3A_915 : i32 to index
        %get3A_917 = arith.index_cast %add3A_914 : i32 to index
        %get3A_918 = arith.constant 0 : index
        %get3A_919 = tpu.vector_load %arg7[%get3A_916, %get3A_917, %get3A_918] {strides = array<i32>} : memref<2x1024x16xi32, #tpu.memory_space<vmem>>, vector<16xi32>,
        %bitcast3A_920 = vector.bitcast %get3A_919 : vector<16xi32> to vector<32xbf16>
        %unpack3A_921 = tpu.unpack_subelements %bitcast3A_920, 0 {pack_format = #tpu.pack_format<interleaved>} : vector<32xbf16> -> vector<16xf32>
        %unpack3A_922 = tpu.unpack_subelements %bitcast3A_920, 1 {pack_format = #tpu.pack_format<interleaved>} : vector<32xbf16> -> vector<16xf32>
        %add3A_923 = arith.addf %unpack3A_911, %unpack3A_921 : vector<16xf32>
        %add3A_924 = arith.addf %unpack3A_912, %unpack3A_922 : vector<16xf32>
        %add3A_925 = arith.constant 2 : i32
        %add3A_926 = arith.addi %mul3A_902, %add3A_925 : i32
        %get3A_927 = arith.constant 1 : i32
        %get3A_928 = arith.index_cast %get3A_927 : i32 to index
        %get3A_929 = arith.index_cast %add3A_926 : i32 to index
        %get3A_930 = arith.constant 0 : index
        %get3A_931 = tpu.vector_load %arg7[%get3A_928, %get3A_929, %get3A_930] {strides = array<i32>} : memref<2x1024x16xi32, #tpu.memory_space<vmem>>, vector<16xi32>,
        %bitcast3A_932 = vector.bitcast %get3A_931 : vector<16xi32> to vector<32xbf16>
        %unpack3A_933 = tpu.unpack_subelements %bitcast3A_932, 0 {pack_format = #tpu.pack_format<interleaved>} : vector<32xbf16> -> vector<16xf32>
        %unpack3A_934 = tpu.unpack_subelements %bitcast3A_932, 1 {pack_format = #tpu.pack_format<interleaved>} : vector<32xbf16> -> vector<16xf32>
        %add3A_935 = arith.addf %add3A_923, %unpack3A_933 : vector<16xf32>
        %add3A_936 = arith.addf %add3A_924, %unpack3A_934 : vector<16xf32>
        %add3A_937 = arith.constant 3 : i32
        %add3A_938 = arith.addi %mul3A_902, %add3A_937 : i32
        %get3A_939 = arith.constant 1 : i32
        %get3A_940 = arith.index_cast %get3A_939 : i32 to index
        %get3A_941 = arith.index_cast %add3A_938 : i32 to index
        %get3A_942 = arith.constant 0 : index
        %get3A_943 = tpu.vector_load %arg7[%get3A_940, %get3A_941, %get3A_942] {strides = array<i32>} : memref<2x1024x16xi32, #tpu.memory_space<vmem>>, vector<16xi32>,
        %bitcast3A_944 = vector.bitcast %get3A_943 : vector<16xi32> to vector<32xbf16>
        %unpack3A_945 = tpu.unpack_subelements %bitcast3A_944, 0 {pack_format = #tpu.pack_format<interleaved>} : vector<32xbf16> -> vector<16xf32>
        %unpack3A_946 = tpu.unpack_subelements %bitcast3A_944, 1 {pack_format = #tpu.pack_format<interleaved>} : vector<32xbf16> -> vector<16xf32>
        %add3A_947 = arith.addf %add3A_935, %unpack3A_945 : vector<16xf32>
        %add3A_948 = arith.addf %add3A_936, %unpack3A_946 : vector<16xf32>
        %add3A_949 = arith.constant 4 : i32
        %add3A_950 = arith.addi %mul3A_902, %add3A_949 : i32
        %get3A_951 = arith.constant 1 : i32
        %get3A_952 = arith.index_cast %get3A_951 : i32 to index
        %get3A_953 = arith.index_cast %add3A_950 : i32 to index
        %get3A_954 = arith.constant 0 : index
        %get3A_955 = tpu.vector_load %arg7[%get3A_952, %get3A_953, %get3A_954] {strides = array<i32>} : memref<2x1024x16xi32, #tpu.memory_space<vmem>>, vector<16xi32>,
        %bitcast3A_956 = vector.bitcast %get3A_955 : vector<16xi32> to vector<32xbf16>
        %unpack3A_957 = tpu.unpack_subelements %bitcast3A_956, 0 {pack_format = #tpu.pack_format<interleaved>} : vector<32xbf16> -> vector<16xf32>
        %unpack3A_958 = tpu.unpack_subelements %bitcast3A_956, 1 {pack_format = #tpu.pack_format<interleaved>} : vector<32xbf16> -> vector<16xf32>
        %add3A_959 = arith.addf %add3A_947, %unpack3A_957 : vector<16xf32>
        %add3A_960 = arith.addf %add3A_948, %unpack3A_958 : vector<16xf32>
        %add3A_961 = arith.constant 5 : i32
        %add3A_962 = arith.addi %mul3A_902, %add3A_961 : i32
        %get3A_963 = arith.constant 1 : i32
        %get3A_964 = arith.index_cast %get3A_963 : i32 to index
        %get3A_965 = arith.index_cast %add3A_962 : i32 to index
        %get3A_966 = arith.constant 0 : index
        %get3A_967 = tpu.vector_load %arg7[%get3A_964, %get3A_965, %get3A_966] {strides = array<i32>} : memref<2x1024x16xi32, #tpu.memory_space<vmem>>, vector<16xi32>,
        %bitcast3A_968 = vector.bitcast %get3A_967 : vector<16xi32> to vector<32xbf16>
        %unpack3A_969 = tpu.unpack_subelements %bitcast3A_968, 0 {pack_format = #tpu.pack_format<interleaved>} : vector<32xbf16> -> vector<16xf32>
        %unpack3A_970 = tpu.unpack_subelements %bitcast3A_968, 1 {pack_format = #tpu.pack_format<interleaved>} : vector<32xbf16> -> vector<16xf32>
        %add3A_971 = arith.addf %add3A_959, %unpack3A_969 : vector<16xf32>
        %add3A_972 = arith.addf %add3A_960, %unpack3A_970 : vector<16xf32>
        %add3A_973 = arith.constant 6 : i32
        %add3A_974 = arith.addi %mul3A_902, %add3A_973 : i32
        %get3A_975 = arith.constant 1 : i32
        %get3A_976 = arith.index_cast %get3A_975 : i32 to index
        %get3A_977 = arith.index_cast %add3A_974 : i32 to index
        %get3A_978 = arith.constant 0 : index
        %get3A_979 = tpu.vector_load %arg7[%get3A_976, %get3A_977, %get3A_978] {strides = array<i32>} : memref<2x1024x16xi32, #tpu.memory_space<vmem>>, vector<16xi32>,
        %bitcast3A_980 = vector.bitcast %get3A_979 : vector<16xi32> to vector<32xbf16>
        %unpack3A_981 = tpu.unpack_subelements %bitcast3A_980, 0 {pack_format = #tpu.pack_format<interleaved>} : vector<32xbf16> -> vector<16xf32>
        %unpack3A_982 = tpu.unpack_subelements %bitcast3A_980, 1 {pack_format = #tpu.pack_format<interleaved>} : vector<32xbf16> -> vector<16xf32>
        %add3A_983 = arith.addf %add3A_971, %unpack3A_981 : vector<16xf32>
        %add3A_984 = arith.addf %add3A_972, %unpack3A_982 : vector<16xf32>
        %add3A_985 = arith.constant 7 : i32
        %add3A_986 = arith.addi %mul3A_902, %add3A_985 : i32
        %get3A_987 = arith.constant 1 : i32
        %get3A_988 = arith.index_cast %get3A_987 : i32 to index
        %get3A_989 = arith.index_cast %add3A_986 : i32 to index
        %get3A_990 = arith.constant 0 : index
        %get3A_991 = tpu.vector_load %arg7[%get3A_988, %get3A_989, %get3A_990] {strides = array<i32>} : memref<2x1024x16xi32, #tpu.memory_space<vmem>>, vector<16xi32>,
        %bitcast3A_992 = vector.bitcast %get3A_991 : vector<16xi32> to vector<32xbf16>
        %unpack3A_993 = tpu.unpack_subelements %bitcast3A_992, 0 {pack_format = #tpu.pack_format<interleaved>} : vector<32xbf16> -> vector<16xf32>
        %unpack3A_994 = tpu.unpack_subelements %bitcast3A_992, 1 {pack_format = #tpu.pack_format<interleaved>} : vector<32xbf16> -> vector<16xf32>
        %add3A_995 = arith.addf %add3A_983, %unpack3A_993 : vector<16xf32>
        %add3A_996 = arith.addf %add3A_984, %unpack3A_994 : vector<16xf32>
        %add3A_997 = arith.constant 8 : i32
        %add3A_998 = arith.addi %mul3A_902, %add3A_997 : i32
        %get3A_999 = arith.constant 1 : i32
        %get3A_1000 = arith.index_cast %get3A_999 : i32 to index
        %get3A_1001 = arith.index_cast %add3A_998 : i32 to index
        %get3A_1002 = arith.constant 0 : index
        %get3A_1003 = tpu.vector_load %arg7[%get3A_1000, %get3A_1001, %get3A_1002] {strides = array<i32>} : memref<2x1024x16xi32, #tpu.memory_space<vmem>>, vector<16xi32>,
        %bitcast3A_1004 = vector.bitcast %get3A_1003 : vector<16xi32> to vector<32xbf16>
        %unpack3A_1005 = tpu.unpack_subelements %bitcast3A_1004, 0 {pack_format = #tpu.pack_format<interleaved>} : vector<32xbf16> -> vector<16xf32>
        %unpack3A_1006 = tpu.unpack_subelements %bitcast3A_1004, 1 {pack_format = #tpu.pack_format<interleaved>} : vector<32xbf16> -> vector<16xf32>
        %add3A_1007 = arith.addf %add3A_995, %unpack3A_1005 : vector<16xf32>
        %add3A_1008 = arith.addf %add3A_996, %unpack3A_1006 : vector<16xf32>
        %add3A_1009 = arith.constant 9 : i32
        %add3A_1010 = arith.addi %mul3A_902, %add3A_1009 : i32
        %get3A_1011 = arith.constant 1 : i32
        %get3A_1012 = arith.index_cast %get3A_1011 : i32 to index
        %get3A_1013 = arith.index_cast %add3A_1010 : i32 to index
        %get3A_1014 = arith.constant 0 : index
        %get3A_1015 = tpu.vector_load %arg7[%get3A_1012, %get3A_1013, %get3A_1014] {strides = array<i32>} : memref<2x1024x16xi32, #tpu.memory_space<vmem>>, vector<16xi32>,
        %bitcast3A_1016 = vector.bitcast %get3A_1015 : vector<16xi32> to vector<32xbf16>
        %unpack3A_1017 = tpu.unpack_subelements %bitcast3A_1016, 0 {pack_format = #tpu.pack_format<interleaved>} : vector<32xbf16> -> vector<16xf32>
        %unpack3A_1018 = tpu.unpack_subelements %bitcast3A_1016, 1 {pack_format = #tpu.pack_format<interleaved>} : vector<32xbf16> -> vector<16xf32>
        %add3A_1019 = arith.addf %add3A_1007, %unpack3A_1017 : vector<16xf32>
        %add3A_1020 = arith.addf %add3A_1008, %unpack3A_1018 : vector<16xf32>
        %add3A_1021 = arith.constant 10 : i32
        %add3A_1022 = arith.addi %mul3A_902, %add3A_1021 : i32
        %get3A_1023 = arith.constant 1 : i32
        %get3A_1024 = arith.index_cast %get3A_1023 : i32 to index
        %get3A_1025 = arith.index_cast %add3A_1022 : i32 to index
        %get3A_1026 = arith.constant 0 : index
        %get3A_1027 = tpu.vector_load %arg7[%get3A_1024, %get3A_1025, %get3A_1026] {strides = array<i32>} : memref<2x1024x16xi32, #tpu.memory_space<vmem>>, vector<16xi32>,
        %bitcast3A_1028 = vector.bitcast %get3A_1027 : vector<16xi32> to vector<32xbf16>
        %unpack3A_1029 = tpu.unpack_subelements %bitcast3A_1028, 0 {pack_format = #tpu.pack_format<interleaved>} : vector<32xbf16> -> vector<16xf32>
        %unpack3A_1030 = tpu.unpack_subelements %bitcast3A_1028, 1 {pack_format = #tpu.pack_format<interleaved>} : vector<32xbf16> -> vector<16xf32>
        %add3A_1031 = arith.addf %add3A_1019, %unpack3A_1029 : vector<16xf32>
        %add3A_1032 = arith.addf %add3A_1020, %unpack3A_1030 : vector<16xf32>
        %add3A_1033 = arith.constant 11 : i32
        %add3A_1034 = arith.addi %mul3A_902, %add3A_1033 : i32
        %get3A_1035 = arith.constant 1 : i32
        %get3A_1036 = arith.index_cast %get3A_1035 : i32 to index
        %get3A_1037 = arith.index_cast %add3A_1034 : i32 to index
        %get3A_1038 = arith.constant 0 : index
        %get3A_1039 = tpu.vector_load %arg7[%get3A_1036, %get3A_1037, %get3A_1038] {strides = array<i32>} : memref<2x1024x16xi32, #tpu.memory_space<vmem>>, vector<16xi32>,
        %bitcast3A_1040 = vector.bitcast %get3A_1039 : vector<16xi32> to vector<32xbf16>
        %unpack3A_1041 = tpu.unpack_subelements %bitcast3A_1040, 0 {pack_format = #tpu.pack_format<interleaved>} : vector<32xbf16> -> vector<16xf32>
        %unpack3A_1042 = tpu.unpack_subelements %bitcast3A_1040, 1 {pack_format = #tpu.pack_format<interleaved>} : vector<32xbf16> -> vector<16xf32>
        %add3A_1043 = arith.addf %add3A_1031, %unpack3A_1041 : vector<16xf32>
        %add3A_1044 = arith.addf %add3A_1032, %unpack3A_1042 : vector<16xf32>
        %add3A_1045 = arith.constant 12 : i32
        %add3A_1046 = arith.addi %mul3A_902, %add3A_1045 : i32
        %get3A_1047 = arith.constant 1 : i32
        %get3A_1048 = arith.index_cast %get3A_1047 : i32 to index
        %get3A_1049 = arith.index_cast %add3A_1046 : i32 to index
        %get3A_1050 = arith.constant 0 : index
        %get3A_1051 = tpu.vector_load %arg7[%get3A_1048, %get3A_1049, %get3A_1050] {strides = array<i32>} : memref<2x1024x16xi32, #tpu.memory_space<vmem>>, vector<16xi32>,
        %bitcast3A_1052 = vector.bitcast %get3A_1051 : vector<16xi32> to vector<32xbf16>
        %unpack3A_1053 = tpu.unpack_subelements %bitcast3A_1052, 0 {pack_format = #tpu.pack_format<interleaved>} : vector<32xbf16> -> vector<16xf32>
        %unpack3A_1054 = tpu.unpack_subelements %bitcast3A_1052, 1 {pack_format = #tpu.pack_format<interleaved>} : vector<32xbf16> -> vector<16xf32>
        %add3A_1055 = arith.addf %add3A_1043, %unpack3A_1053 : vector<16xf32>
        %add3A_1056 = arith.addf %add3A_1044, %unpack3A_1054 : vector<16xf32>
        %add3A_1057 = arith.constant 13 : i32
        %add3A_1058 = arith.addi %mul3A_902, %add3A_1057 : i32
        %get3A_1059 = arith.constant 1 : i32
        %get3A_1060 = arith.index_cast %get3A_1059 : i32 to index
        %get3A_1061 = arith.index_cast %add3A_1058 : i32 to index
        %get3A_1062 = arith.constant 0 : index
        %get3A_1063 = tpu.vector_load %arg7[%get3A_1060, %get3A_1061, %get3A_1062] {strides = array<i32>} : memref<2x1024x16xi32, #tpu.memory_space<vmem>>, vector<16xi32>,
        %bitcast3A_1064 = vector.bitcast %get3A_1063 : vector<16xi32> to vector<32xbf16>
        %unpack3A_1065 = tpu.unpack_subelements %bitcast3A_1064, 0 {pack_format = #tpu.pack_format<interleaved>} : vector<32xbf16> -> vector<16xf32>
        %unpack3A_1066 = tpu.unpack_subelements %bitcast3A_1064, 1 {pack_format = #tpu.pack_format<interleaved>} : vector<32xbf16> -> vector<16xf32>
        %add3A_1067 = arith.addf %add3A_1055, %unpack3A_1065 : vector<16xf32>
        %add3A_1068 = arith.addf %add3A_1056, %unpack3A_1066 : vector<16xf32>
        %add3A_1069 = arith.constant 14 : i32
        %add3A_1070 = arith.addi %mul3A_902, %add3A_1069 : i32
        %get3A_1071 = arith.constant 1 : i32
        %get3A_1072 = arith.index_cast %get3A_1071 : i32 to index
        %get3A_1073 = arith.index_cast %add3A_1070 : i32 to index
        %get3A_1074 = arith.constant 0 : index
        %get3A_1075 = tpu.vector_load %arg7[%get3A_1072, %get3A_1073, %get3A_1074] {strides = array<i32>} : memref<2x1024x16xi32, #tpu.memory_space<vmem>>, vector<16xi32>,
        %bitcast3A_1076 = vector.bitcast %get3A_1075 : vector<16xi32> to vector<32xbf16>
        %unpack3A_1077 = tpu.unpack_subelements %bitcast3A_1076, 0 {pack_format = #tpu.pack_format<interleaved>} : vector<32xbf16> -> vector<16xf32>
        %unpack3A_1078 = tpu.unpack_subelements %bitcast3A_1076, 1 {pack_format = #tpu.pack_format<interleaved>} : vector<32xbf16> -> vector<16xf32>
        %add3A_1079 = arith.addf %add3A_1067, %unpack3A_1077 : vector<16xf32>
        %add3A_1080 = arith.addf %add3A_1068, %unpack3A_1078 : vector<16xf32>
        %add3A_1081 = arith.constant 15 : i32
        %add3A_1082 = arith.addi %mul3A_902, %add3A_1081 : i32
        %get3A_1083 = arith.constant 1 : i32
        %get3A_1084 = arith.index_cast %get3A_1083 : i32 to index
        %get3A_1085 = arith.index_cast %add3A_1082 : i32 to index
        %get3A_1086 = arith.constant 0 : index
        %get3A_1087 = tpu.vector_load %arg7[%get3A_1084, %get3A_1085, %get3A_1086] {strides = array<i32>} : memref<2x1024x16xi32, #tpu.memory_space<vmem>>, vector<16xi32>,
        %bitcast3A_1088 = vector.bitcast %get3A_1087 : vector<16xi32> to vector<32xbf16>
        %unpack3A_1089 = tpu.unpack_subelements %bitcast3A_1088, 0 {pack_format = #tpu.pack_format<interleaved>} : vector<32xbf16> -> vector<16xf32>
        %unpack3A_1090 = tpu.unpack_subelements %bitcast3A_1088, 1 {pack_format = #tpu.pack_format<interleaved>} : vector<32xbf16> -> vector<16xf32>
        %add3A_1091 = arith.addf %add3A_1079, %unpack3A_1089 : vector<16xf32>
        %add3A_1092 = arith.addf %add3A_1080, %unpack3A_1090 : vector<16xf32>
        %jit3A_1093 = arith.constant 4 : i32
        %eq3A_1094 = arith.constant 0 : i32
        %eq3A_1095 = arith.cmpi eq, %jit3A_1093, %eq3A_1094 : i32
        %jit3A_1096 = arith.constant 1 : i32
        %select_n3A_1097 = arith.select %eq3A_1095, %jit3A_1096, %jit3A_1093 : i32
        %rem3A_1098 = arith.remsi %scan3A_900, %select_n3A_1097 : i32
        %ne3A_1099 = arith.constant 0 : i32
        %ne3A_1100 = arith.cmpi ne, %rem3A_1098, %ne3A_1099 : i32
        %lt3A_1101 = arith.constant 0 : i32
        %lt3A_1102 = arith.cmpi slt, %rem3A_1098, %lt3A_1101 : i32
        %lt3A_1103 = arith.constant 0 : i32
        %lt3A_1104 = arith.cmpi slt, %select_n3A_1097, %lt3A_1103 : i32
        %ne3A_1105 = arith.xori %lt3A_1102, %lt3A_1104 : i1
        %and3A_1106 = arith.andi %ne3A_1105, %ne3A_1100 : i1
        %add3A_1107 = arith.addi %rem3A_1098, %select_n3A_1097 : i32
        %select_n3A_1108 = arith.select %and3A_1106, %add3A_1107, %rem3A_1098 : i32
        %mul3A_1109 = arith.constant 32 : i32
        %mul3A_1110 = arith.muli %select_n3A_1108, %mul3A_1109 : i32
        %jit3A_1111 = arith.constant 4 : i32
        %div3A_1112 = arith.divsi %scan3A_900, %jit3A_1111 : i32
        %sign3A_1113 = arith.constant 0 : i32
        %sign3A_1114 = arith.cmpi sgt, %scan3A_900, %sign3A_1113 : i32
        %sign3A_1115 = arith.extui %sign3A_1114 : i1 to i32
        %sign3A_1116 = arith.constant 0 : i32
        %sign3A_1117 = arith.cmpi slt, %scan3A_900, %sign3A_1116 : i32
        %sign3A_1118 = arith.extui %sign3A_1117 : i1 to i32
        %sign3A_1119 = arith.subi %sign3A_1115, %sign3A_1118 : i32
        %sign3A_1120 = arith.constant 0 : i32
        %sign3A_1121 = arith.cmpi sgt, %jit3A_1111, %sign3A_1120 : i32
        %sign3A_1122 = arith.extui %sign3A_1121 : i1 to i32
        %sign3A_1123 = arith.constant 0 : i32
        %sign3A_1124 = arith.cmpi slt, %jit3A_1111, %sign3A_1123 : i32
        %sign3A_1125 = arith.extui %sign3A_1124 : i1 to i32
        %sign3A_1126 = arith.subi %sign3A_1122, %sign3A_1125 : i32
        %ne3A_1127 = arith.cmpi ne, %sign3A_1119, %sign3A_1126 : i32
        %rem3A_1128 = arith.remsi %scan3A_900, %jit3A_1111 : i32
        %ne3A_1129 = arith.constant 0 : i32
        %ne3A_1130 = arith.cmpi ne, %rem3A_1128, %ne3A_1129 : i32
        %and3A_1131 = arith.andi %ne3A_1127, %ne3A_1130 : i1
        %sub3A_1132 = arith.constant 1 : i32
        %sub3A_1133 = arith.subi %div3A_1112, %sub3A_1132 : i32
        %select_n3A_1134 = arith.select %and3A_1131, %sub3A_1133, %div3A_1112 : i32
        %swap3A_1135 = arith.constant 1 : i32
        %swap3A_1136 = arith.index_cast %swap3A_1135 : i32 to index
        %swap3A_1137 = arith.index_cast %select_n3A_1134 : i32 to index
        %swap3A_1138 = arith.index_cast %mul3A_1110 : i32 to index
        %swap3A_1139 = tpu.vector_load %arg8[%swap3A_1136, %swap3A_1137, %swap3A_1138] {strides = array<i32>} : memref<2x16x128xf32, #tpu.memory_space<vmem>>, vector<16xf32>,
        tpu.vector_store %arg8[%swap3A_1136, %swap3A_1137, %swap3A_1138], %add3A_1091 {strides = array<i32>} : memref<2x16x128xf32, #tpu.memory_space<vmem>>, vector<16xf32>,
        %jit3A_1140 = arith.constant 4 : i32
        %div3A_1141 = arith.divsi %scan3A_900, %jit3A_1140 : i32
        %sign3A_1142 = arith.constant 0 : i32
        %sign3A_1143 = arith.cmpi sgt, %scan3A_900, %sign3A_1142 : i32
        %sign3A_1144 = arith.extui %sign3A_1143 : i1 to i32
        %sign3A_1145 = arith.constant 0 : i32
        %sign3A_1146 = arith.cmpi slt, %scan3A_900, %sign3A_1145 : i32
        %sign3A_1147 = arith.extui %sign3A_1146 : i1 to i32
        %sign3A_1148 = arith.subi %sign3A_1144, %sign3A_1147 : i32
        %sign3A_1149 = arith.constant 0 : i32
        %sign3A_1150 = arith.cmpi sgt, %jit3A_1140, %sign3A_1149 : i32
        %sign3A_1151 = arith.extui %sign3A_1150 : i1 to i32
        %sign3A_1152 = arith.constant 0 : i32
        %sign3A_1153 = arith.cmpi slt, %jit3A_1140, %sign3A_1152 : i32
        %sign3A_1154 = arith.extui %sign3A_1153 : i1 to i32
        %sign3A_1155 = arith.subi %sign3A_1151, %sign3A_1154 : i32
        %ne3A_1156 = arith.cmpi ne, %sign3A_1148, %sign3A_1155 : i32
        %rem3A_1157 = arith.remsi %scan3A_900, %jit3A_1140 : i32
        %ne3A_1158 = arith.constant 0 : i32
        %ne3A_1159 = arith.cmpi ne, %rem3A_1157, %ne3A_1158 : i32
        %and3A_1160 = arith.andi %ne3A_1156, %ne3A_1159 : i1
        %sub3A_1161 = arith.constant 1 : i32
        %sub3A_1162 = arith.subi %div3A_1141, %sub3A_1161 : i32
        %select_n3A_1163 = arith.select %and3A_1160, %sub3A_1162, %div3A_1141 : i32
        %add3A_1164 = arith.constant 16 : i32
        %add3A_1165 = arith.addi %mul3A_1110, %add3A_1164 : i32
        %swap3A_1166 = arith.constant 1 : i32
        %swap3A_1167 = arith.index_cast %swap3A_1166 : i32 to index
        %swap3A_1168 = arith.index_cast %select_n3A_1163 : i32 to index
        %swap3A_1169 = arith.index_cast %add3A_1165 : i32 to index
        %swap3A_1170 = tpu.vector_load %arg8[%swap3A_1167, %swap3A_1168, %swap3A_1169] {strides = array<i32>} : memref<2x16x128xf32, #tpu.memory_space<vmem>>, vector<16xf32>,
        tpu.vector_store %arg8[%swap3A_1167, %swap3A_1168, %swap3A_1169], %add3A_1092 {strides = array<i32>} : memref<2x16x128xf32, #tpu.memory_space<vmem>>, vector<16xf32>,
      }
      %scan3A_590 = arith.constant 64 : i32
      %mul3A_591 = arith.constant 64 : i32
      %mul3A_592 = arith.muli %add3A_584, %mul3A_591 : i32
      %add3A_593 = arith.addi %mul3A_2, %mul3A_592 : i32
      %min3A_594 = arith.constant 49936 : i32
      %min3A_595 = arith.minsi %add3A_593, %min3A_594 : i32
      %jit3A_596 = arith.constant 4 : i32
      %div3A_597 = arith.divsi %min3A_595, %jit3A_596 : i32
      %sign3A_598 = arith.constant 0 : i32
      %sign3A_599 = arith.cmpi sgt, %min3A_595, %sign3A_598 : i32
      %sign3A_600 = arith.extui %sign3A_599 : i1 to i32
      %sign3A_601 = arith.constant 0 : i32
      %sign3A_602 = arith.cmpi slt, %min3A_595, %sign3A_601 : i32
      %sign3A_603 = arith.extui %sign3A_602 : i1 to i32
      %sign3A_604 = arith.subi %sign3A_600, %sign3A_603 : i32
      %sign3A_605 = arith.constant 0 : i32
      %sign3A_606 = arith.cmpi sgt, %jit3A_596, %sign3A_605 : i32
      %sign3A_607 = arith.extui %sign3A_606 : i1 to i32
      %sign3A_608 = arith.constant 0 : i32
      %sign3A_609 = arith.cmpi slt, %jit3A_596, %sign3A_608 : i32
      %sign3A_610 = arith.extui %sign3A_609 : i1 to i32
      %sign3A_611 = arith.subi %sign3A_607, %sign3A_610 : i32
      %ne3A_612 = arith.cmpi ne, %sign3A_604, %sign3A_611 : i32
      %rem3A_613 = arith.remsi %min3A_595, %jit3A_596 : i32
      %ne3A_614 = arith.constant 0 : i32
      %ne3A_615 = arith.cmpi ne, %rem3A_613, %ne3A_614 : i32
      %and3A_616 = arith.andi %ne3A_612, %ne3A_615 : i1
      %sub3A_617 = arith.constant 1 : i32
      %sub3A_618 = arith.subi %div3A_597, %sub3A_617 : i32
      %select_n3A_619 = arith.select %and3A_616, %sub3A_618, %div3A_597 : i32
      %dma_start3A_620 = arith.constant 1 : i32
      %dma_start3A_621 = arith.constant 0 : i32
      %dma_start3A_622 = arith.constant 0 : i32
      %dma_start3A_623 = tpu.memref_slice %arg8[%dma_start3A_620, %dma_start3A_621, %dma_start3A_622] : memref<2x16x128xf32, #tpu.memory_space<vmem>> -> memref<1x16x128xf32, #tpu.memory_space<vmem>>
      %dma_start3A_624 = tpu.memref_squeeze %dma_start3A_623 : memref<1x16x128xf32, #tpu.memory_space<vmem>> -> memref<16x128xf32, #tpu.memory_space<vmem>>
      %dma_start3A_625 = arith.constant 0 : i32
      %dma_start3A_626 = tpu.memref_slice %arg4[%select_n3A_619, %dma_start3A_625] : memref<12500x128xf32, #tpu.memory_space<hbm>> -> memref<16x128xf32, #tpu.memory_space<hbm>>
      %dma_start3A_627 = arith.constant 0 : i32
      %dma_start3A_628 = tpu.memref_slice %arg4[%select_n3A_619, %dma_start3A_627] : memref<12500x128xf32, #tpu.memory_space<hbm>> -> memref<16x128xf32, #tpu.memory_space<hbm>>
      %dma_start3A_629 = arith.constant 0 : i32
      %dma_start3A_630 = arith.constant 0 : i32
      %dma_start3A_631 = tpu.memref_slice %arg8[%dma_start3A_620, %dma_start3A_629, %dma_start3A_630] : memref<2x16x128xf32, #tpu.memory_space<vmem>> -> memref<1x16x128xf32, #tpu.memory_space<vmem>>
      %dma_start3A_632 = tpu.memref_squeeze %dma_start3A_631 : memref<1x16x128xf32, #tpu.memory_space<vmem>> -> memref<16x128xf32, #tpu.memory_space<vmem>>
      tpu.enqueue_dma source(%dma_start3A_632 : memref<16x128xf32, #tpu.memory_space<vmem>>) target(%dma_start3A_628 : memref<16x128xf32, #tpu.memory_space<hbm>>) target_semaphore(%arg14 : memref<!tpu.dma_semaphore, #tpu.memory_space<semaphore_mem>>)
    }
    %scan3A_147 = arith.constant 12 : i32
    %dma_wait3A_148 = arith.constant 0 : i32
    %dma_wait3A_149 = arith.constant 0 : i32
    %dma_wait3A_150 = arith.constant 0 : i32
    %dma_wait3A_151 = tpu.memref_slice %arg7[%dma_wait3A_148, %dma_wait3A_149, %dma_wait3A_150] : memref<2x1024x16xi32, #tpu.memory_space<vmem>> -> memref<1x1024x16xi32, #tpu.memory_space<vmem>>
    %dma_wait3A_152 = tpu.memref_squeeze %dma_wait3A_151 : memref<1x1024x16xi32, #tpu.memory_space<vmem>> -> memref<1024x16xi32, #tpu.memory_space<vmem>>
    %dma_wait3A_153 = arith.constant 0 : i32
    %dma_wait3A_154 = arith.constant 0 : i32
    %dma_wait3A_155 = tpu.memref_slice %arg2[%dma_wait3A_153, %dma_wait3A_154] : memref<1600000x16xi32, #tpu.memory_space<hbm>> -> memref<1024x16xi32, #tpu.memory_space<hbm>>
    %dma_wait3A_156 = arith.constant 0 : i32
    %dma_wait3A_157 = arith.constant 0 : i32
    %dma_wait3A_158 = tpu.memref_slice %arg7[%dma_wait3A_148, %dma_wait3A_156, %dma_wait3A_157] : memref<2x1024x16xi32, #tpu.memory_space<vmem>> -> memref<1x1024x16xi32, #tpu.memory_space<vmem>>
    %dma_wait3A_159 = tpu.memref_squeeze %dma_wait3A_158 : memref<1x1024x16xi32, #tpu.memory_space<vmem>> -> memref<1024x16xi32, #tpu.memory_space<vmem>>
    %dma_wait3A_160 = arith.constant 0 : i32
    %dma_wait3A_161 = arith.constant 0 : i32
    %dma_wait3A_162 = tpu.memref_slice %arg2[%dma_wait3A_160, %dma_wait3A_161] : memref<1600000x16xi32, #tpu.memory_space<hbm>> -> memref<1024x16xi32, #tpu.memory_space<hbm>>
    tpu.wait_dma2 semaphore(%arg11 : memref<!tpu.dma_semaphore, #tpu.memory_space<semaphore_mem>>) src(%dma_wait3A_162 : memref<1024x16xi32, #tpu.memory_space<hbm>>) dst(%dma_wait3A_159 : memref<1024x16xi32, #tpu.memory_space<vmem>>)
    %dma_wait3A_163 = arith.constant 0 : i32
    %dma_wait3A_164 = arith.constant 0 : i32
    %dma_wait3A_165 = arith.constant 0 : i32
    %dma_wait3A_166 = tpu.memref_slice %arg8[%dma_wait3A_163, %dma_wait3A_164, %dma_wait3A_165] : memref<2x16x128xf32, #tpu.memory_space<vmem>> -> memref<1x16x128xf32, #tpu.memory_space<vmem>>
    %dma_wait3A_167 = tpu.memref_squeeze %dma_wait3A_166 : memref<1x16x128xf32, #tpu.memory_space<vmem>> -> memref<16x128xf32, #tpu.memory_space<vmem>>
    %dma_wait3A_168 = arith.constant 0 : i32
    %dma_wait3A_169 = arith.constant 0 : i32
    %dma_wait3A_170 = tpu.memref_slice %arg4[%dma_wait3A_168, %dma_wait3A_169] : memref<12500x128xf32, #tpu.memory_space<hbm>> -> memref<16x128xf32, #tpu.memory_space<hbm>>
    %dma_wait3A_171 = arith.constant 0 : i32
    %dma_wait3A_172 = arith.constant 0 : i32
    %dma_wait3A_173 = tpu.memref_slice %arg4[%dma_wait3A_171, %dma_wait3A_172] : memref<12500x128xf32, #tpu.memory_space<hbm>> -> memref<16x128xf32, #tpu.memory_space<hbm>>
    %dma_wait3A_174 = arith.constant 0 : i32
    %dma_wait3A_175 = arith.constant 0 : i32
    %dma_wait3A_176 = tpu.memref_slice %arg8[%dma_wait3A_163, %dma_wait3A_174, %dma_wait3A_175] : memref<2x16x128xf32, #tpu.memory_space<vmem>> -> memref<1x16x128xf32, #tpu.memory_space<vmem>>
    %dma_wait3A_177 = tpu.memref_squeeze %dma_wait3A_176 : memref<1x16x128xf32, #tpu.memory_space<vmem>> -> memref<16x128xf32, #tpu.memory_space<vmem>>
    tpu.wait_dma2 semaphore(%arg13 : memref<!tpu.dma_semaphore, #tpu.memory_space<semaphore_mem>>) src(%dma_wait3A_177 : memref<16x128xf32, #tpu.memory_space<vmem>>) dst(%dma_wait3A_173 : memref<16x128xf32, #tpu.memory_space<hbm>>)
    %scan3A_178 = arith.constant 0 : i32
    %scan3A_179 = arith.constant 0 : i32
    %scan3A_180 = arith.constant 64 : i32
    %scan3A_181 = arith.addi %scan3A_179, %scan3A_180 : i32
    %scan3A_182 = arith.constant 2 : i32
    scf.for %scan3A_247 = %scan3A_179 to %scan3A_181 step %scan3A_182  : i32 {
      %mul3A_248 = arith.constant 16 : i32
      %mul3A_249 = arith.muli %scan3A_247, %mul3A_248 : i32
      %add3A_250 = arith.constant 0 : i32
      %add3A_251 = arith.addi %mul3A_249, %add3A_250 : i32
      %get3A = arith.constant 0 : i32
      %get3A_252 = arith.index_cast %get3A : i32 to index
      %get3A_253 = arith.index_cast %add3A_251 : i32 to index
      %get3A_254 = arith.constant 0 : index
      %get3A_255 = tpu.vector_load %arg7[%get3A_252, %get3A_253, %get3A_254] {strides = array<i32>} : memref<2x1024x16xi32, #tpu.memory_space<vmem>>, vector<16xi32>,
      %bitcast3A = vector.bitcast %get3A_255 : vector<16xi32> to vector<32xbf16>
      %unpack3A = tpu.unpack_subelements %bitcast3A, 0 {pack_format = #tpu.pack_format<interleaved>} : vector<32xbf16> -> vector<16xf32>
      %unpack3A_256 = tpu.unpack_subelements %bitcast3A, 1 {pack_format = #tpu.pack_format<interleaved>} : vector<32xbf16> -> vector<16xf32>
      %add3A_257 = arith.constant 1 : i32
      %add3A_258 = arith.addi %mul3A_249, %add3A_257 : i32
      %get3A_259 = arith.constant 0 : i32
      %get3A_260 = arith.index_cast %get3A_259 : i32 to index
      %get3A_261 = arith.index_cast %add3A_258 : i32 to index
      %get3A_262 = arith.constant 0 : index
      %get3A_263 = tpu.vector_load %arg7[%get3A_260, %get3A_261, %get3A_262] {strides = array<i32>} : memref<2x1024x16xi32, #tpu.memory_space<vmem>>, vector<16xi32>,
      %bitcast3A_264 = vector.bitcast %get3A_263 : vector<16xi32> to vector<32xbf16>
      %unpack3A_265 = tpu.unpack_subelements %bitcast3A_264, 0 {pack_format = #tpu.pack_format<interleaved>} : vector<32xbf16> -> vector<16xf32>
      %unpack3A_266 = tpu.unpack_subelements %bitcast3A_264, 1 {pack_format = #tpu.pack_format<interleaved>} : vector<32xbf16> -> vector<16xf32>
      %add3A_267 = arith.addf %unpack3A, %unpack3A_265 : vector<16xf32>
      %add3A_268 = arith.addf %unpack3A_256, %unpack3A_266 : vector<16xf32>
      %add3A_269 = arith.constant 2 : i32
      %add3A_270 = arith.addi %mul3A_249, %add3A_269 : i32
      %get3A_271 = arith.constant 0 : i32
      %get3A_272 = arith.index_cast %get3A_271 : i32 to index
      %get3A_273 = arith.index_cast %add3A_270 : i32 to index
      %get3A_274 = arith.constant 0 : index
      %get3A_275 = tpu.vector_load %arg7[%get3A_272, %get3A_273, %get3A_274] {strides = array<i32>} : memref<2x1024x16xi32, #tpu.memory_space<vmem>>, vector<16xi32>,
      %bitcast3A_276 = vector.bitcast %get3A_275 : vector<16xi32> to vector<32xbf16>
      %unpack3A_277 = tpu.unpack_subelements %bitcast3A_276, 0 {pack_format = #tpu.pack_format<interleaved>} : vector<32xbf16> -> vector<16xf32>
      %unpack3A_278 = tpu.unpack_subelements %bitcast3A_276, 1 {pack_format = #tpu.pack_format<interleaved>} : vector<32xbf16> -> vector<16xf32>
      %add3A_279 = arith.addf %add3A_267, %unpack3A_277 : vector<16xf32>
      %add3A_280 = arith.addf %add3A_268, %unpack3A_278 : vector<16xf32>
      %add3A_281 = arith.constant 3 : i32
      %add3A_282 = arith.addi %mul3A_249, %add3A_281 : i32
      %get3A_283 = arith.constant 0 : i32
      %get3A_284 = arith.index_cast %get3A_283 : i32 to index
      %get3A_285 = arith.index_cast %add3A_282 : i32 to index
      %get3A_286 = arith.constant 0 : index
      %get3A_287 = tpu.vector_load %arg7[%get3A_284, %get3A_285, %get3A_286] {strides = array<i32>} : memref<2x1024x16xi32, #tpu.memory_space<vmem>>, vector<16xi32>,
      %bitcast3A_288 = vector.bitcast %get3A_287 : vector<16xi32> to vector<32xbf16>
      %unpack3A_289 = tpu.unpack_subelements %bitcast3A_288, 0 {pack_format = #tpu.pack_format<interleaved>} : vector<32xbf16> -> vector<16xf32>
      %unpack3A_290 = tpu.unpack_subelements %bitcast3A_288, 1 {pack_format = #tpu.pack_format<interleaved>} : vector<32xbf16> -> vector<16xf32>
      %add3A_291 = arith.addf %add3A_279, %unpack3A_289 : vector<16xf32>
      %add3A_292 = arith.addf %add3A_280, %unpack3A_290 : vector<16xf32>
      %add3A_293 = arith.constant 4 : i32
      %add3A_294 = arith.addi %mul3A_249, %add3A_293 : i32
      %get3A_295 = arith.constant 0 : i32
      %get3A_296 = arith.index_cast %get3A_295 : i32 to index
      %get3A_297 = arith.index_cast %add3A_294 : i32 to index
      %get3A_298 = arith.constant 0 : index
      %get3A_299 = tpu.vector_load %arg7[%get3A_296, %get3A_297, %get3A_298] {strides = array<i32>} : memref<2x1024x16xi32, #tpu.memory_space<vmem>>, vector<16xi32>,
      %bitcast3A_300 = vector.bitcast %get3A_299 : vector<16xi32> to vector<32xbf16>
      %unpack3A_301 = tpu.unpack_subelements %bitcast3A_300, 0 {pack_format = #tpu.pack_format<interleaved>} : vector<32xbf16> -> vector<16xf32>
      %unpack3A_302 = tpu.unpack_subelements %bitcast3A_300, 1 {pack_format = #tpu.pack_format<interleaved>} : vector<32xbf16> -> vector<16xf32>
      %add3A_303 = arith.addf %add3A_291, %unpack3A_301 : vector<16xf32>
      %add3A_304 = arith.addf %add3A_292, %unpack3A_302 : vector<16xf32>
      %add3A_305 = arith.constant 5 : i32
      %add3A_306 = arith.addi %mul3A_249, %add3A_305 : i32
      %get3A_307 = arith.constant 0 : i32
      %get3A_308 = arith.index_cast %get3A_307 : i32 to index
      %get3A_309 = arith.index_cast %add3A_306 : i32 to index
      %get3A_310 = arith.constant 0 : index
      %get3A_311 = tpu.vector_load %arg7[%get3A_308, %get3A_309, %get3A_310] {strides = array<i32>} : memref<2x1024x16xi32, #tpu.memory_space<vmem>>, vector<16xi32>,
      %bitcast3A_312 = vector.bitcast %get3A_311 : vector<16xi32> to vector<32xbf16>
      %unpack3A_313 = tpu.unpack_subelements %bitcast3A_312, 0 {pack_format = #tpu.pack_format<interleaved>} : vector<32xbf16> -> vector<16xf32>
      %unpack3A_314 = tpu.unpack_subelements %bitcast3A_312, 1 {pack_format = #tpu.pack_format<interleaved>} : vector<32xbf16> -> vector<16xf32>
      %add3A_315 = arith.addf %add3A_303, %unpack3A_313 : vector<16xf32>
      %add3A_316 = arith.addf %add3A_304, %unpack3A_314 : vector<16xf32>
      %add3A_317 = arith.constant 6 : i32
      %add3A_318 = arith.addi %mul3A_249, %add3A_317 : i32
      %get3A_319 = arith.constant 0 : i32
      %get3A_320 = arith.index_cast %get3A_319 : i32 to index
      %get3A_321 = arith.index_cast %add3A_318 : i32 to index
      %get3A_322 = arith.constant 0 : index
      %get3A_323 = tpu.vector_load %arg7[%get3A_320, %get3A_321, %get3A_322] {strides = array<i32>} : memref<2x1024x16xi32, #tpu.memory_space<vmem>>, vector<16xi32>,
      %bitcast3A_324 = vector.bitcast %get3A_323 : vector<16xi32> to vector<32xbf16>
      %unpack3A_325 = tpu.unpack_subelements %bitcast3A_324, 0 {pack_format = #tpu.pack_format<interleaved>} : vector<32xbf16> -> vector<16xf32>
      %unpack3A_326 = tpu.unpack_subelements %bitcast3A_324, 1 {pack_format = #tpu.pack_format<interleaved>} : vector<32xbf16> -> vector<16xf32>
      %add3A_327 = arith.addf %add3A_315, %unpack3A_325 : vector<16xf32>
      %add3A_328 = arith.addf %add3A_316, %unpack3A_326 : vector<16xf32>
      %add3A_329 = arith.constant 7 : i32
      %add3A_330 = arith.addi %mul3A_249, %add3A_329 : i32
      %get3A_331 = arith.constant 0 : i32
      %get3A_332 = arith.index_cast %get3A_331 : i32 to index
      %get3A_333 = arith.index_cast %add3A_330 : i32 to index
      %get3A_334 = arith.constant 0 : index
      %get3A_335 = tpu.vector_load %arg7[%get3A_332, %get3A_333, %get3A_334] {strides = array<i32>} : memref<2x1024x16xi32, #tpu.memory_space<vmem>>, vector<16xi32>,
      %bitcast3A_336 = vector.bitcast %get3A_335 : vector<16xi32> to vector<32xbf16>
      %unpack3A_337 = tpu.unpack_subelements %bitcast3A_336, 0 {pack_format = #tpu.pack_format<interleaved>} : vector<32xbf16> -> vector<16xf32>
      %unpack3A_338 = tpu.unpack_subelements %bitcast3A_336, 1 {pack_format = #tpu.pack_format<interleaved>} : vector<32xbf16> -> vector<16xf32>
      %add3A_339 = arith.addf %add3A_327, %unpack3A_337 : vector<16xf32>
      %add3A_340 = arith.addf %add3A_328, %unpack3A_338 : vector<16xf32>
      %add3A_341 = arith.constant 8 : i32
      %add3A_342 = arith.addi %mul3A_249, %add3A_341 : i32
      %get3A_343 = arith.constant 0 : i32
      %get3A_344 = arith.index_cast %get3A_343 : i32 to index
      %get3A_345 = arith.index_cast %add3A_342 : i32 to index
      %get3A_346 = arith.constant 0 : index
      %get3A_347 = tpu.vector_load %arg7[%get3A_344, %get3A_345, %get3A_346] {strides = array<i32>} : memref<2x1024x16xi32, #tpu.memory_space<vmem>>, vector<16xi32>,
      %bitcast3A_348 = vector.bitcast %get3A_347 : vector<16xi32> to vector<32xbf16>
      %unpack3A_349 = tpu.unpack_subelements %bitcast3A_348, 0 {pack_format = #tpu.pack_format<interleaved>} : vector<32xbf16> -> vector<16xf32>
      %unpack3A_350 = tpu.unpack_subelements %bitcast3A_348, 1 {pack_format = #tpu.pack_format<interleaved>} : vector<32xbf16> -> vector<16xf32>
      %add3A_351 = arith.addf %add3A_339, %unpack3A_349 : vector<16xf32>
      %add3A_352 = arith.addf %add3A_340, %unpack3A_350 : vector<16xf32>
      %add3A_353 = arith.constant 9 : i32
      %add3A_354 = arith.addi %mul3A_249, %add3A_353 : i32
      %get3A_355 = arith.constant 0 : i32
      %get3A_356 = arith.index_cast %get3A_355 : i32 to index
      %get3A_357 = arith.index_cast %add3A_354 : i32 to index
      %get3A_358 = arith.constant 0 : index
      %get3A_359 = tpu.vector_load %arg7[%get3A_356, %get3A_357, %get3A_358] {strides = array<i32>} : memref<2x1024x16xi32, #tpu.memory_space<vmem>>, vector<16xi32>,
      %bitcast3A_360 = vector.bitcast %get3A_359 : vector<16xi32> to vector<32xbf16>
      %unpack3A_361 = tpu.unpack_subelements %bitcast3A_360, 0 {pack_format = #tpu.pack_format<interleaved>} : vector<32xbf16> -> vector<16xf32>
      %unpack3A_362 = tpu.unpack_subelements %bitcast3A_360, 1 {pack_format = #tpu.pack_format<interleaved>} : vector<32xbf16> -> vector<16xf32>
      %add3A_363 = arith.addf %add3A_351, %unpack3A_361 : vector<16xf32>
      %add3A_364 = arith.addf %add3A_352, %unpack3A_362 : vector<16xf32>
      %add3A_365 = arith.constant 10 : i32
      %add3A_366 = arith.addi %mul3A_249, %add3A_365 : i32
      %get3A_367 = arith.constant 0 : i32
      %get3A_368 = arith.index_cast %get3A_367 : i32 to index
      %get3A_369 = arith.index_cast %add3A_366 : i32 to index
      %get3A_370 = arith.constant 0 : index
      %get3A_371 = tpu.vector_load %arg7[%get3A_368, %get3A_369, %get3A_370] {strides = array<i32>} : memref<2x1024x16xi32, #tpu.memory_space<vmem>>, vector<16xi32>,
      %bitcast3A_372 = vector.bitcast %get3A_371 : vector<16xi32> to vector<32xbf16>
      %unpack3A_373 = tpu.unpack_subelements %bitcast3A_372, 0 {pack_format = #tpu.pack_format<interleaved>} : vector<32xbf16> -> vector<16xf32>
      %unpack3A_374 = tpu.unpack_subelements %bitcast3A_372, 1 {pack_format = #tpu.pack_format<interleaved>} : vector<32xbf16> -> vector<16xf32>
      %add3A_375 = arith.addf %add3A_363, %unpack3A_373 : vector<16xf32>
      %add3A_376 = arith.addf %add3A_364, %unpack3A_374 : vector<16xf32>
      %add3A_377 = arith.constant 11 : i32
      %add3A_378 = arith.addi %mul3A_249, %add3A_377 : i32
      %get3A_379 = arith.constant 0 : i32
      %get3A_380 = arith.index_cast %get3A_379 : i32 to index
      %get3A_381 = arith.index_cast %add3A_378 : i32 to index
      %get3A_382 = arith.constant 0 : index
      %get3A_383 = tpu.vector_load %arg7[%get3A_380, %get3A_381, %get3A_382] {strides = array<i32>} : memref<2x1024x16xi32, #tpu.memory_space<vmem>>, vector<16xi32>,
      %bitcast3A_384 = vector.bitcast %get3A_383 : vector<16xi32> to vector<32xbf16>
      %unpack3A_385 = tpu.unpack_subelements %bitcast3A_384, 0 {pack_format = #tpu.pack_format<interleaved>} : vector<32xbf16> -> vector<16xf32>
      %unpack3A_386 = tpu.unpack_subelements %bitcast3A_384, 1 {pack_format = #tpu.pack_format<interleaved>} : vector<32xbf16> -> vector<16xf32>
      %add3A_387 = arith.addf %add3A_375, %unpack3A_385 : vector<16xf32>
      %add3A_388 = arith.addf %add3A_376, %unpack3A_386 : vector<16xf32>
      %add3A_389 = arith.constant 12 : i32
      %add3A_390 = arith.addi %mul3A_249, %add3A_389 : i32
      %get3A_391 = arith.constant 0 : i32
      %get3A_392 = arith.index_cast %get3A_391 : i32 to index
      %get3A_393 = arith.index_cast %add3A_390 : i32 to index
      %get3A_394 = arith.constant 0 : index
      %get3A_395 = tpu.vector_load %arg7[%get3A_392, %get3A_393, %get3A_394] {strides = array<i32>} : memref<2x1024x16xi32, #tpu.memory_space<vmem>>, vector<16xi32>,
      %bitcast3A_396 = vector.bitcast %get3A_395 : vector<16xi32> to vector<32xbf16>
      %unpack3A_397 = tpu.unpack_subelements %bitcast3A_396, 0 {pack_format = #tpu.pack_format<interleaved>} : vector<32xbf16> -> vector<16xf32>
      %unpack3A_398 = tpu.unpack_subelements %bitcast3A_396, 1 {pack_format = #tpu.pack_format<interleaved>} : vector<32xbf16> -> vector<16xf32>
      %add3A_399 = arith.addf %add3A_387, %unpack3A_397 : vector<16xf32>
      %add3A_400 = arith.addf %add3A_388, %unpack3A_398 : vector<16xf32>
      %add3A_401 = arith.constant 13 : i32
      %add3A_402 = arith.addi %mul3A_249, %add3A_401 : i32
      %get3A_403 = arith.constant 0 : i32
      %get3A_404 = arith.index_cast %get3A_403 : i32 to index
      %get3A_405 = arith.index_cast %add3A_402 : i32 to index
      %get3A_406 = arith.constant 0 : index
      %get3A_407 = tpu.vector_load %arg7[%get3A_404, %get3A_405, %get3A_406] {strides = array<i32>} : memref<2x1024x16xi32, #tpu.memory_space<vmem>>, vector<16xi32>,
      %bitcast3A_408 = vector.bitcast %get3A_407 : vector<16xi32> to vector<32xbf16>
      %unpack3A_409 = tpu.unpack_subelements %bitcast3A_408, 0 {pack_format = #tpu.pack_format<interleaved>} : vector<32xbf16> -> vector<16xf32>
      %unpack3A_410 = tpu.unpack_subelements %bitcast3A_408, 1 {pack_format = #tpu.pack_format<interleaved>} : vector<32xbf16> -> vector<16xf32>
      %add3A_411 = arith.addf %add3A_399, %unpack3A_409 : vector<16xf32>
      %add3A_412 = arith.addf %add3A_400, %unpack3A_410 : vector<16xf32>
      %add3A_413 = arith.constant 14 : i32
      %add3A_414 = arith.addi %mul3A_249, %add3A_413 : i32
      %get3A_415 = arith.constant 0 : i32
      %get3A_416 = arith.index_cast %get3A_415 : i32 to index
      %get3A_417 = arith.index_cast %add3A_414 : i32 to index
      %get3A_418 = arith.constant 0 : index
      %get3A_419 = tpu.vector_load %arg7[%get3A_416, %get3A_417, %get3A_418] {strides = array<i32>} : memref<2x1024x16xi32, #tpu.memory_space<vmem>>, vector<16xi32>,
      %bitcast3A_420 = vector.bitcast %get3A_419 : vector<16xi32> to vector<32xbf16>
      %unpack3A_421 = tpu.unpack_subelements %bitcast3A_420, 0 {pack_format = #tpu.pack_format<interleaved>} : vector<32xbf16> -> vector<16xf32>
      %unpack3A_422 = tpu.unpack_subelements %bitcast3A_420, 1 {pack_format = #tpu.pack_format<interleaved>} : vector<32xbf16> -> vector<16xf32>
      %add3A_423 = arith.addf %add3A_411, %unpack3A_421 : vector<16xf32>
      %add3A_424 = arith.addf %add3A_412, %unpack3A_422 : vector<16xf32>
      %add3A_425 = arith.constant 15 : i32
      %add3A_426 = arith.addi %mul3A_249, %add3A_425 : i32
      %get3A_427 = arith.constant 0 : i32
      %get3A_428 = arith.index_cast %get3A_427 : i32 to index
      %get3A_429 = arith.index_cast %add3A_426 : i32 to index
      %get3A_430 = arith.constant 0 : index
      %get3A_431 = tpu.vector_load %arg7[%get3A_428, %get3A_429, %get3A_430] {strides = array<i32>} : memref<2x1024x16xi32, #tpu.memory_space<vmem>>, vector<16xi32>,
      %bitcast3A_432 = vector.bitcast %get3A_431 : vector<16xi32> to vector<32xbf16>
      %unpack3A_433 = tpu.unpack_subelements %bitcast3A_432, 0 {pack_format = #tpu.pack_format<interleaved>} : vector<32xbf16> -> vector<16xf32>
      %unpack3A_434 = tpu.unpack_subelements %bitcast3A_432, 1 {pack_format = #tpu.pack_format<interleaved>} : vector<32xbf16> -> vector<16xf32>
      %add3A_435 = arith.addf %add3A_423, %unpack3A_433 : vector<16xf32>
      %add3A_436 = arith.addf %add3A_424, %unpack3A_434 : vector<16xf32>
      %jit3A_437 = arith.constant 4 : i32
      %eq3A = arith.constant 0 : i32
      %eq3A_438 = arith.cmpi eq, %jit3A_437, %eq3A : i32
      %jit3A_439 = arith.constant 1 : i32
      %select_n3A_440 = arith.select %eq3A_438, %jit3A_439, %jit3A_437 : i32
      %rem3A_441 = arith.remsi %scan3A_247, %select_n3A_440 : i32
      %ne3A_442 = arith.constant 0 : i32
      %ne3A_443 = arith.cmpi ne, %rem3A_441, %ne3A_442 : i32
      %lt3A = arith.constant 0 : i32
      %lt3A_444 = arith.cmpi slt, %rem3A_441, %lt3A : i32
      %lt3A_445 = arith.constant 0 : i32
      %lt3A_446 = arith.cmpi slt, %select_n3A_440, %lt3A_445 : i32
      %ne3A_447 = arith.xori %lt3A_444, %lt3A_446 : i1
      %and3A_448 = arith.andi %ne3A_447, %ne3A_443 : i1
      %add3A_449 = arith.addi %rem3A_441, %select_n3A_440 : i32
      %select_n3A_450 = arith.select %and3A_448, %add3A_449, %rem3A_441 : i32
      %mul3A_451 = arith.constant 32 : i32
      %mul3A_452 = arith.muli %select_n3A_450, %mul3A_451 : i32
      %jit3A_453 = arith.constant 4 : i32
      %div3A_454 = arith.divsi %scan3A_247, %jit3A_453 : i32
      %sign3A_455 = arith.constant 0 : i32
      %sign3A_456 = arith.cmpi sgt, %scan3A_247, %sign3A_455 : i32
      %sign3A_457 = arith.extui %sign3A_456 : i1 to i32
      %sign3A_458 = arith.constant 0 : i32
      %sign3A_459 = arith.cmpi slt, %scan3A_247, %sign3A_458 : i32
      %sign3A_460 = arith.extui %sign3A_459 : i1 to i32
      %sign3A_461 = arith.subi %sign3A_457, %sign3A_460 : i32
      %sign3A_462 = arith.constant 0 : i32
      %sign3A_463 = arith.cmpi sgt, %jit3A_453, %sign3A_462 : i32
      %sign3A_464 = arith.extui %sign3A_463 : i1 to i32
      %sign3A_465 = arith.constant 0 : i32
      %sign3A_466 = arith.cmpi slt, %jit3A_453, %sign3A_465 : i32
      %sign3A_467 = arith.extui %sign3A_466 : i1 to i32
      %sign3A_468 = arith.subi %sign3A_464, %sign3A_467 : i32
      %ne3A_469 = arith.cmpi ne, %sign3A_461, %sign3A_468 : i32
      %rem3A_470 = arith.remsi %scan3A_247, %jit3A_453 : i32
      %ne3A_471 = arith.constant 0 : i32
      %ne3A_472 = arith.cmpi ne, %rem3A_470, %ne3A_471 : i32
      %and3A_473 = arith.andi %ne3A_469, %ne3A_472 : i1
      %sub3A_474 = arith.constant 1 : i32
      %sub3A_475 = arith.subi %div3A_454, %sub3A_474 : i32
      %select_n3A_476 = arith.select %and3A_473, %sub3A_475, %div3A_454 : i32
      %swap3A = arith.constant 0 : i32
      %swap3A_477 = arith.index_cast %swap3A : i32 to index
      %swap3A_478 = arith.index_cast %select_n3A_476 : i32 to index
      %swap3A_479 = arith.index_cast %mul3A_452 : i32 to index
      %swap3A_480 = tpu.vector_load %arg8[%swap3A_477, %swap3A_478, %swap3A_479] {strides = array<i32>} : memref<2x16x128xf32, #tpu.memory_space<vmem>>, vector<16xf32>,
      tpu.vector_store %arg8[%swap3A_477, %swap3A_478, %swap3A_479], %add3A_435 {strides = array<i32>} : memref<2x16x128xf32, #tpu.memory_space<vmem>>, vector<16xf32>,
      %jit3A_481 = arith.constant 4 : i32
      %div3A_482 = arith.divsi %scan3A_247, %jit3A_481 : i32
      %sign3A_483 = arith.constant 0 : i32
      %sign3A_484 = arith.cmpi sgt, %scan3A_247, %sign3A_483 : i32
      %sign3A_485 = arith.extui %sign3A_484 : i1 to i32
      %sign3A_486 = arith.constant 0 : i32
      %sign3A_487 = arith.cmpi slt, %scan3A_247, %sign3A_486 : i32
      %sign3A_488 = arith.extui %sign3A_487 : i1 to i32
      %sign3A_489 = arith.subi %sign3A_485, %sign3A_488 : i32
      %sign3A_490 = arith.constant 0 : i32
      %sign3A_491 = arith.cmpi sgt, %jit3A_481, %sign3A_490 : i32
      %sign3A_492 = arith.extui %sign3A_491 : i1 to i32
      %sign3A_493 = arith.constant 0 : i32
      %sign3A_494 = arith.cmpi slt, %jit3A_481, %sign3A_493 : i32
      %sign3A_495 = arith.extui %sign3A_494 : i1 to i32
      %sign3A_496 = arith.subi %sign3A_492, %sign3A_495 : i32
      %ne3A_497 = arith.cmpi ne, %sign3A_489, %sign3A_496 : i32
      %rem3A_498 = arith.remsi %scan3A_247, %jit3A_481 : i32
      %ne3A_499 = arith.constant 0 : i32
      %ne3A_500 = arith.cmpi ne, %rem3A_498, %ne3A_499 : i32
      %and3A_501 = arith.andi %ne3A_497, %ne3A_500 : i1
      %sub3A_502 = arith.constant 1 : i32
      %sub3A_503 = arith.subi %div3A_482, %sub3A_502 : i32
      %select_n3A_504 = arith.select %and3A_501, %sub3A_503, %div3A_482 : i32
      %add3A_505 = arith.constant 16 : i32
      %add3A_506 = arith.addi %mul3A_452, %add3A_505 : i32
      %swap3A_507 = arith.constant 0 : i32
      %swap3A_508 = arith.index_cast %swap3A_507 : i32 to index
      %swap3A_509 = arith.index_cast %select_n3A_504 : i32 to index
      %swap3A_510 = arith.index_cast %add3A_506 : i32 to index
      %swap3A_511 = tpu.vector_load %arg8[%swap3A_508, %swap3A_509, %swap3A_510] {strides = array<i32>} : memref<2x16x128xf32, #tpu.memory_space<vmem>>, vector<16xf32>,
      tpu.vector_store %arg8[%swap3A_508, %swap3A_509, %swap3A_510], %add3A_436 {strides = array<i32>} : memref<2x16x128xf32, #tpu.memory_space<vmem>>, vector<16xf32>,
      %scan3A_512 = arith.constant 1 : i32
      %scan3A_513 = arith.addi %scan3A_247, %scan3A_512 : i32
      %mul3A_514 = arith.constant 16 : i32
      %mul3A_515 = arith.muli %scan3A_513, %mul3A_514 : i32
      %add3A_516 = arith.constant 0 : i32
      %add3A_517 = arith.addi %mul3A_515, %add3A_516 : i32
      %get3A_518 = arith.constant 0 : i32
      %get3A_519 = arith.index_cast %get3A_518 : i32 to index
      %get3A_520 = arith.index_cast %add3A_517 : i32 to index
      %get3A_521 = arith.constant 0 : index
      %get3A_522 = tpu.vector_load %arg7[%get3A_519, %get3A_520, %get3A_521] {strides = array<i32>} : memref<2x1024x16xi32, #tpu.memory_space<vmem>>, vector<16xi32>,
      %bitcast3A_523 = vector.bitcast %get3A_522 : vector<16xi32> to vector<32xbf16>
      %unpack3A_524 = tpu.unpack_subelements %bitcast3A_523, 0 {pack_format = #tpu.pack_format<interleaved>} : vector<32xbf16> -> vector<16xf32>
      %unpack3A_525 = tpu.unpack_subelements %bitcast3A_523, 1 {pack_format = #tpu.pack_format<interleaved>} : vector<32xbf16> -> vector<16xf32>
      %add3A_526 = arith.constant 1 : i32
      %add3A_527 = arith.addi %mul3A_515, %add3A_526 : i32
      %get3A_528 = arith.constant 0 : i32
      %get3A_529 = arith.index_cast %get3A_528 : i32 to index
      %get3A_530 = arith.index_cast %add3A_527 : i32 to index
      %get3A_531 = arith.constant 0 : index
      %get3A_532 = tpu.vector_load %arg7[%get3A_529, %get3A_530, %get3A_531] {strides = array<i32>} : memref<2x1024x16xi32, #tpu.memory_space<vmem>>, vector<16xi32>,
      %bitcast3A_533 = vector.bitcast %get3A_532 : vector<16xi32> to vector<32xbf16>
      %unpack3A_534 = tpu.unpack_subelements %bitcast3A_533, 0 {pack_format = #tpu.pack_format<interleaved>} : vector<32xbf16> -> vector<16xf32>
      %unpack3A_535 = tpu.unpack_subelements %bitcast3A_533, 1 {pack_format = #tpu.pack_format<interleaved>} : vector<32xbf16> -> vector<16xf32>
      %add3A_536 = arith.addf %unpack3A_524, %unpack3A_534 : vector<16xf32>
      %add3A_537 = arith.addf %unpack3A_525, %unpack3A_535 : vector<16xf32>
      %add3A_538 = arith.constant 2 : i32
      %add3A_539 = arith.addi %mul3A_515, %add3A_538 : i32
      %get3A_540 = arith.constant 0 : i32
      %get3A_541 = arith.index_cast %get3A_540 : i32 to index
      %get3A_542 = arith.index_cast %add3A_539 : i32 to index
      %get3A_543 = arith.constant 0 : index
      %get3A_544 = tpu.vector_load %arg7[%get3A_541, %get3A_542, %get3A_543] {strides = array<i32>} : memref<2x1024x16xi32, #tpu.memory_space<vmem>>, vector<16xi32>,
      %bitcast3A_545 = vector.bitcast %get3A_544 : vector<16xi32> to vector<32xbf16>
      %unpack3A_546 = tpu.unpack_subelements %bitcast3A_545, 0 {pack_format = #tpu.pack_format<interleaved>} : vector<32xbf16> -> vector<16xf32>
      %unpack3A_547 = tpu.unpack_subelements %bitcast3A_545, 1 {pack_format = #tpu.pack_format<interleaved>} : vector<32xbf16> -> vector<16xf32>
      %add3A_548 = arith.addf %add3A_536, %unpack3A_546 : vector<16xf32>
      %add3A_549 = arith.addf %add3A_537, %unpack3A_547 : vector<16xf32>
      %add3A_550 = arith.constant 3 : i32
      %add3A_551 = arith.addi %mul3A_515, %add3A_550 : i32
      %get3A_552 = arith.constant 0 : i32
      %get3A_553 = arith.index_cast %get3A_552 : i32 to index
      %get3A_554 = arith.index_cast %add3A_551 : i32 to index
      %get3A_555 = arith.constant 0 : index
      %get3A_556 = tpu.vector_load %arg7[%get3A_553, %get3A_554, %get3A_555] {strides = array<i32>} : memref<2x1024x16xi32, #tpu.memory_space<vmem>>, vector<16xi32>,
      %bitcast3A_557 = vector.bitcast %get3A_556 : vector<16xi32> to vector<32xbf16>
      %unpack3A_558 = tpu.unpack_subelements %bitcast3A_557, 0 {pack_format = #tpu.pack_format<interleaved>} : vector<32xbf16> -> vector<16xf32>
      %unpack3A_559 = tpu.unpack_subelements %bitcast3A_557, 1 {pack_format = #tpu.pack_format<interleaved>} : vector<32xbf16> -> vector<16xf32>
      %add3A_560 = arith.addf %add3A_548, %unpack3A_558 : vector<16xf32>
      %add3A_561 = arith.addf %add3A_549, %unpack3A_559 : vector<16xf32>
      %add3A_562 = arith.constant 4 : i32
      %add3A_563 = arith.addi %mul3A_515, %add3A_562 : i32
      %get3A_564 = arith.constant 0 : i32
      %get3A_565 = arith.index_cast %get3A_564 : i32 to index
      %get3A_566 = arith.index_cast %add3A_563 : i32 to index
      %get3A_567 = arith.constant 0 : index
      %get3A_568 = tpu.vector_load %arg7[%get3A_565, %get3A_566, %get3A_567] {strides = array<i32>} : memref<2x1024x16xi32, #tpu.memory_space<vmem>>, vector<16xi32>,
      %bitcast3A_569 = vector.bitcast %get3A_568 : vector<16xi32> to vector<32xbf16>
      %unpack3A_570 = tpu.unpack_subelements %bitcast3A_569, 0 {pack_format = #tpu.pack_format<interleaved>} : vector<32xbf16> -> vector<16xf32>
      %unpack3A_571 = tpu.unpack_subelements %bitcast3A_569, 1 {pack_format = #tpu.pack_format<interleaved>} : vector<32xbf16> -> vector<16xf32>
      %add3A_572 = arith.addf %add3A_560, %unpack3A_570 : vector<16xf32>
      %add3A_573 = arith.addf %add3A_561, %unpack3A_571 : vector<16xf32>
      %add3A_574 = arith.constant 5 : i32
      %add3A_575 = arith.addi %mul3A_515, %add3A_574 : i32
      %get3A_576 = arith.constant 0 : i32
      %get3A_577 = arith.index_cast %get3A_576 : i32 to index
      %get3A_578 = arith.index_cast %add3A_575 : i32 to index
      %get3A_579 = arith.constant 0 : index
      %get3A_580 = tpu.vector_load %arg7[%get3A_577, %get3A_578, %get3A_579] {strides = array<i32>} : memref<2x1024x16xi32, #tpu.memory_space<vmem>>, vector<16xi32>,
      %bitcast3A_581 = vector.bitcast %get3A_580 : vector<16xi32> to vector<32xbf16>
      %unpack3A_582 = tpu.unpack_subelements %bitcast3A_581, 0 {pack_format = #tpu.pack_format<interleaved>} : vector<32xbf16> -> vector<16xf32>
      %unpack3A_583 = tpu.unpack_subelements %bitcast3A_581, 1 {pack_format = #tpu.pack_format<interleaved>} : vector<32xbf16> -> vector<16xf32>
      %add3A_584 = arith.addf %add3A_572, %unpack3A_582 : vector<16xf32>
      %add3A_585 = arith.addf %add3A_573, %unpack3A_583 : vector<16xf32>
      %add3A_586 = arith.constant 6 : i32
      %add3A_587 = arith.addi %mul3A_515, %add3A_586 : i32
      %get3A_588 = arith.constant 0 : i32
      %get3A_589 = arith.index_cast %get3A_588 : i32 to index
      %get3A_590 = arith.index_cast %add3A_587 : i32 to index
      %get3A_591 = arith.constant 0 : index
      %get3A_592 = tpu.vector_load %arg7[%get3A_589, %get3A_590, %get3A_591] {strides = array<i32>} : memref<2x1024x16xi32, #tpu.memory_space<vmem>>, vector<16xi32>,
      %bitcast3A_593 = vector.bitcast %get3A_592 : vector<16xi32> to vector<32xbf16>
      %unpack3A_594 = tpu.unpack_subelements %bitcast3A_593, 0 {pack_format = #tpu.pack_format<interleaved>} : vector<32xbf16> -> vector<16xf32>
      %unpack3A_595 = tpu.unpack_subelements %bitcast3A_593, 1 {pack_format = #tpu.pack_format<interleaved>} : vector<32xbf16> -> vector<16xf32>
      %add3A_596 = arith.addf %add3A_584, %unpack3A_594 : vector<16xf32>
      %add3A_597 = arith.addf %add3A_585, %unpack3A_595 : vector<16xf32>
      %add3A_598 = arith.constant 7 : i32
      %add3A_599 = arith.addi %mul3A_515, %add3A_598 : i32
      %get3A_600 = arith.constant 0 : i32
      %get3A_601 = arith.index_cast %get3A_600 : i32 to index
      %get3A_602 = arith.index_cast %add3A_599 : i32 to index
      %get3A_603 = arith.constant 0 : index
      %get3A_604 = tpu.vector_load %arg7[%get3A_601, %get3A_602, %get3A_603] {strides = array<i32>} : memref<2x1024x16xi32, #tpu.memory_space<vmem>>, vector<16xi32>,
      %bitcast3A_605 = vector.bitcast %get3A_604 : vector<16xi32> to vector<32xbf16>
      %unpack3A_606 = tpu.unpack_subelements %bitcast3A_605, 0 {pack_format = #tpu.pack_format<interleaved>} : vector<32xbf16> -> vector<16xf32>
      %unpack3A_607 = tpu.unpack_subelements %bitcast3A_605, 1 {pack_format = #tpu.pack_format<interleaved>} : vector<32xbf16> -> vector<16xf32>
      %add3A_608 = arith.addf %add3A_596, %unpack3A_606 : vector<16xf32>
      %add3A_609 = arith.addf %add3A_597, %unpack3A_607 : vector<16xf32>
      %add3A_610 = arith.constant 8 : i32
      %add3A_611 = arith.addi %mul3A_515, %add3A_610 : i32
      %get3A_612 = arith.constant 0 : i32
      %get3A_613 = arith.index_cast %get3A_612 : i32 to index
      %get3A_614 = arith.index_cast %add3A_611 : i32 to index
      %get3A_615 = arith.constant 0 : index
      %get3A_616 = tpu.vector_load %arg7[%get3A_613, %get3A_614, %get3A_615] {strides = array<i32>} : memref<2x1024x16xi32, #tpu.memory_space<vmem>>, vector<16xi32>,
      %bitcast3A_617 = vector.bitcast %get3A_616 : vector<16xi32> to vector<32xbf16>
      %unpack3A_618 = tpu.unpack_subelements %bitcast3A_617, 0 {pack_format = #tpu.pack_format<interleaved>} : vector<32xbf16> -> vector<16xf32>
      %unpack3A_619 = tpu.unpack_subelements %bitcast3A_617, 1 {pack_format = #tpu.pack_format<interleaved>} : vector<32xbf16> -> vector<16xf32>
      %add3A_620 = arith.addf %add3A_608, %unpack3A_618 : vector<16xf32>
      %add3A_621 = arith.addf %add3A_609, %unpack3A_619 : vector<16xf32>
      %add3A_622 = arith.constant 9 : i32
      %add3A_623 = arith.addi %mul3A_515, %add3A_622 : i32
      %get3A_624 = arith.constant 0 : i32
      %get3A_625 = arith.index_cast %get3A_624 : i32 to index
      %get3A_626 = arith.index_cast %add3A_623 : i32 to index
      %get3A_627 = arith.constant 0 : index
      %get3A_628 = tpu.vector_load %arg7[%get3A_625, %get3A_626, %get3A_627] {strides = array<i32>} : memref<2x1024x16xi32, #tpu.memory_space<vmem>>, vector<16xi32>,
      %bitcast3A_629 = vector.bitcast %get3A_628 : vector<16xi32> to vector<32xbf16>
      %unpack3A_630 = tpu.unpack_subelements %bitcast3A_629, 0 {pack_format = #tpu.pack_format<interleaved>} : vector<32xbf16> -> vector<16xf32>
      %unpack3A_631 = tpu.unpack_subelements %bitcast3A_629, 1 {pack_format = #tpu.pack_format<interleaved>} : vector<32xbf16> -> vector<16xf32>
      %add3A_632 = arith.addf %add3A_620, %unpack3A_630 : vector<16xf32>
      %add3A_633 = arith.addf %add3A_621, %unpack3A_631 : vector<16xf32>
      %add3A_634 = arith.constant 10 : i32
      %add3A_635 = arith.addi %mul3A_515, %add3A_634 : i32
      %get3A_636 = arith.constant 0 : i32
      %get3A_637 = arith.index_cast %get3A_636 : i32 to index
      %get3A_638 = arith.index_cast %add3A_635 : i32 to index
      %get3A_639 = arith.constant 0 : index
      %get3A_640 = tpu.vector_load %arg7[%get3A_637, %get3A_638, %get3A_639] {strides = array<i32>} : memref<2x1024x16xi32, #tpu.memory_space<vmem>>, vector<16xi32>,
      %bitcast3A_641 = vector.bitcast %get3A_640 : vector<16xi32> to vector<32xbf16>
      %unpack3A_642 = tpu.unpack_subelements %bitcast3A_641, 0 {pack_format = #tpu.pack_format<interleaved>} : vector<32xbf16> -> vector<16xf32>
      %unpack3A_643 = tpu.unpack_subelements %bitcast3A_641, 1 {pack_format = #tpu.pack_format<interleaved>} : vector<32xbf16> -> vector<16xf32>
      %add3A_644 = arith.addf %add3A_632, %unpack3A_642 : vector<16xf32>
      %add3A_645 = arith.addf %add3A_633, %unpack3A_643 : vector<16xf32>
      %add3A_646 = arith.constant 11 : i32
      %add3A_647 = arith.addi %mul3A_515, %add3A_646 : i32
      %get3A_648 = arith.constant 0 : i32
      %get3A_649 = arith.index_cast %get3A_648 : i32 to index
      %get3A_650 = arith.index_cast %add3A_647 : i32 to index
      %get3A_651 = arith.constant 0 : index
      %get3A_652 = tpu.vector_load %arg7[%get3A_649, %get3A_650, %get3A_651] {strides = array<i32>} : memref<2x1024x16xi32, #tpu.memory_space<vmem>>, vector<16xi32>,
      %bitcast3A_653 = vector.bitcast %get3A_652 : vector<16xi32> to vector<32xbf16>
      %unpack3A_654 = tpu.unpack_subelements %bitcast3A_653, 0 {pack_format = #tpu.pack_format<interleaved>} : vector<32xbf16> -> vector<16xf32>
      %unpack3A_655 = tpu.unpack_subelements %bitcast3A_653, 1 {pack_format = #tpu.pack_format<interleaved>} : vector<32xbf16> -> vector<16xf32>
      %add3A_656 = arith.addf %add3A_644, %unpack3A_654 : vector<16xf32>
      %add3A_657 = arith.addf %add3A_645, %unpack3A_655 : vector<16xf32>
      %add3A_658 = arith.constant 12 : i32
      %add3A_659 = arith.addi %mul3A_515, %add3A_658 : i32
      %get3A_660 = arith.constant 0 : i32
      %get3A_661 = arith.index_cast %get3A_660 : i32 to index
      %get3A_662 = arith.index_cast %add3A_659 : i32 to index
      %get3A_663 = arith.constant 0 : index
      %get3A_664 = tpu.vector_load %arg7[%get3A_661, %get3A_662, %get3A_663] {strides = array<i32>} : memref<2x1024x16xi32, #tpu.memory_space<vmem>>, vector<16xi32>,
      %bitcast3A_665 = vector.bitcast %get3A_664 : vector<16xi32> to vector<32xbf16>
      %unpack3A_666 = tpu.unpack_subelements %bitcast3A_665, 0 {pack_format = #tpu.pack_format<interleaved>} : vector<32xbf16> -> vector<16xf32>
      %unpack3A_667 = tpu.unpack_subelements %bitcast3A_665, 1 {pack_format = #tpu.pack_format<interleaved>} : vector<32xbf16> -> vector<16xf32>
      %add3A_668 = arith.addf %add3A_656, %unpack3A_666 : vector<16xf32>
      %add3A_669 = arith.addf %add3A_657, %unpack3A_667 : vector<16xf32>
      %add3A_670 = arith.constant 13 : i32
      %add3A_671 = arith.addi %mul3A_515, %add3A_670 : i32
      %get3A_672 = arith.constant 0 : i32
      %get3A_673 = arith.index_cast %get3A_672 : i32 to index
      %get3A_674 = arith.index_cast %add3A_671 : i32 to index
      %get3A_675 = arith.constant 0 : index
      %get3A_676 = tpu.vector_load %arg7[%get3A_673, %get3A_674, %get3A_675] {strides = array<i32>} : memref<2x1024x16xi32, #tpu.memory_space<vmem>>, vector<16xi32>,
      %bitcast3A_677 = vector.bitcast %get3A_676 : vector<16xi32> to vector<32xbf16>
      %unpack3A_678 = tpu.unpack_subelements %bitcast3A_677, 0 {pack_format = #tpu.pack_format<interleaved>} : vector<32xbf16> -> vector<16xf32>
      %unpack3A_679 = tpu.unpack_subelements %bitcast3A_677, 1 {pack_format = #tpu.pack_format<interleaved>} : vector<32xbf16> -> vector<16xf32>
      %add3A_680 = arith.addf %add3A_668, %unpack3A_678 : vector<16xf32>
      %add3A_681 = arith.addf %add3A_669, %unpack3A_679 : vector<16xf32>
      %add3A_682 = arith.constant 14 : i32
      %add3A_683 = arith.addi %mul3A_515, %add3A_682 : i32
      %get3A_684 = arith.constant 0 : i32
      %get3A_685 = arith.index_cast %get3A_684 : i32 to index
      %get3A_686 = arith.index_cast %add3A_683 : i32 to index
      %get3A_687 = arith.constant 0 : index
      %get3A_688 = tpu.vector_load %arg7[%get3A_685, %get3A_686, %get3A_687] {strides = array<i32>} : memref<2x1024x16xi32, #tpu.memory_space<vmem>>, vector<16xi32>,
      %bitcast3A_689 = vector.bitcast %get3A_688 : vector<16xi32> to vector<32xbf16>
      %unpack3A_690 = tpu.unpack_subelements %bitcast3A_689, 0 {pack_format = #tpu.pack_format<interleaved>} : vector<32xbf16> -> vector<16xf32>
      %unpack3A_691 = tpu.unpack_subelements %bitcast3A_689, 1 {pack_format = #tpu.pack_format<interleaved>} : vector<32xbf16> -> vector<16xf32>
      %add3A_692 = arith.addf %add3A_680, %unpack3A_690 : vector<16xf32>
      %add3A_693 = arith.addf %add3A_681, %unpack3A_691 : vector<16xf32>
      %add3A_694 = arith.constant 15 : i32
      %add3A_695 = arith.addi %mul3A_515, %add3A_694 : i32
      %get3A_696 = arith.constant 0 : i32
      %get3A_697 = arith.index_cast %get3A_696 : i32 to index
      %get3A_698 = arith.index_cast %add3A_695 : i32 to index
      %get3A_699 = arith.constant 0 : index
      %get3A_700 = tpu.vector_load %arg7[%get3A_697, %get3A_698, %get3A_699] {strides = array<i32>} : memref<2x1024x16xi32, #tpu.memory_space<vmem>>, vector<16xi32>,
      %bitcast3A_701 = vector.bitcast %get3A_700 : vector<16xi32> to vector<32xbf16>
      %unpack3A_702 = tpu.unpack_subelements %bitcast3A_701, 0 {pack_format = #tpu.pack_format<interleaved>} : vector<32xbf16> -> vector<16xf32>
      %unpack3A_703 = tpu.unpack_subelements %bitcast3A_701, 1 {pack_format = #tpu.pack_format<interleaved>} : vector<32xbf16> -> vector<16xf32>
      %add3A_704 = arith.addf %add3A_692, %unpack3A_702 : vector<16xf32>
      %add3A_705 = arith.addf %add3A_693, %unpack3A_703 : vector<16xf32>
      %jit3A_706 = arith.constant 4 : i32
      %eq3A_707 = arith.constant 0 : i32
      %eq3A_708 = arith.cmpi eq, %jit3A_706, %eq3A_707 : i32
      %jit3A_709 = arith.constant 1 : i32
      %select_n3A_710 = arith.select %eq3A_708, %jit3A_709, %jit3A_706 : i32
      %rem3A_711 = arith.remsi %scan3A_513, %select_n3A_710 : i32
      %ne3A_712 = arith.constant 0 : i32
      %ne3A_713 = arith.cmpi ne, %rem3A_711, %ne3A_712 : i32
      %lt3A_714 = arith.constant 0 : i32
      %lt3A_715 = arith.cmpi slt, %rem3A_711, %lt3A_714 : i32
      %lt3A_716 = arith.constant 0 : i32
      %lt3A_717 = arith.cmpi slt, %select_n3A_710, %lt3A_716 : i32
      %ne3A_718 = arith.xori %lt3A_715, %lt3A_717 : i1
      %and3A_719 = arith.andi %ne3A_718, %ne3A_713 : i1
      %add3A_720 = arith.addi %rem3A_711, %select_n3A_710 : i32
      %select_n3A_721 = arith.select %and3A_719, %add3A_720, %rem3A_711 : i32
      %mul3A_722 = arith.constant 32 : i32
      %mul3A_723 = arith.muli %select_n3A_721, %mul3A_722 : i32
      %jit3A_724 = arith.constant 4 : i32
      %div3A_725 = arith.divsi %scan3A_513, %jit3A_724 : i32
      %sign3A_726 = arith.constant 0 : i32
      %sign3A_727 = arith.cmpi sgt, %scan3A_513, %sign3A_726 : i32
      %sign3A_728 = arith.extui %sign3A_727 : i1 to i32
      %sign3A_729 = arith.constant 0 : i32
      %sign3A_730 = arith.cmpi slt, %scan3A_513, %sign3A_729 : i32
      %sign3A_731 = arith.extui %sign3A_730 : i1 to i32
      %sign3A_732 = arith.subi %sign3A_728, %sign3A_731 : i32
      %sign3A_733 = arith.constant 0 : i32
      %sign3A_734 = arith.cmpi sgt, %jit3A_724, %sign3A_733 : i32
      %sign3A_735 = arith.extui %sign3A_734 : i1 to i32
      %sign3A_736 = arith.constant 0 : i32
      %sign3A_737 = arith.cmpi slt, %jit3A_724, %sign3A_736 : i32
      %sign3A_738 = arith.extui %sign3A_737 : i1 to i32
      %sign3A_739 = arith.subi %sign3A_735, %sign3A_738 : i32
      %ne3A_740 = arith.cmpi ne, %sign3A_732, %sign3A_739 : i32
      %rem3A_741 = arith.remsi %scan3A_513, %jit3A_724 : i32
      %ne3A_742 = arith.constant 0 : i32
      %ne3A_743 = arith.cmpi ne, %rem3A_741, %ne3A_742 : i32
      %and3A_744 = arith.andi %ne3A_740, %ne3A_743 : i1
      %sub3A_745 = arith.constant 1 : i32
      %sub3A_746 = arith.subi %div3A_725, %sub3A_745 : i32
      %select_n3A_747 = arith.select %and3A_744, %sub3A_746, %div3A_725 : i32
      %swap3A_748 = arith.constant 0 : i32
      %swap3A_749 = arith.index_cast %swap3A_748 : i32 to index
      %swap3A_750 = arith.index_cast %select_n3A_747 : i32 to index
      %swap3A_751 = arith.index_cast %mul3A_723 : i32 to index
      %swap3A_752 = tpu.vector_load %arg8[%swap3A_749, %swap3A_750, %swap3A_751] {strides = array<i32>} : memref<2x16x128xf32, #tpu.memory_space<vmem>>, vector<16xf32>,
      tpu.vector_store %arg8[%swap3A_749, %swap3A_750, %swap3A_751], %add3A_704 {strides = array<i32>} : memref<2x16x128xf32, #tpu.memory_space<vmem>>, vector<16xf32>,
      %jit3A_753 = arith.constant 4 : i32
      %div3A_754 = arith.divsi %scan3A_513, %jit3A_753 : i32
      %sign3A_755 = arith.constant 0 : i32
      %sign3A_756 = arith.cmpi sgt, %scan3A_513, %sign3A_755 : i32
      %sign3A_757 = arith.extui %sign3A_756 : i1 to i32
      %sign3A_758 = arith.constant 0 : i32
      %sign3A_759 = arith.cmpi slt, %scan3A_513, %sign3A_758 : i32
      %sign3A_760 = arith.extui %sign3A_759 : i1 to i32
      %sign3A_761 = arith.subi %sign3A_757, %sign3A_760 : i32
      %sign3A_762 = arith.constant 0 : i32
      %sign3A_763 = arith.cmpi sgt, %jit3A_753, %sign3A_762 : i32
      %sign3A_764 = arith.extui %sign3A_763 : i1 to i32
      %sign3A_765 = arith.constant 0 : i32
      %sign3A_766 = arith.cmpi slt, %jit3A_753, %sign3A_765 : i32
      %sign3A_767 = arith.extui %sign3A_766 : i1 to i32
      %sign3A_768 = arith.subi %sign3A_764, %sign3A_767 : i32
      %ne3A_769 = arith.cmpi ne, %sign3A_761, %sign3A_768 : i32
      %rem3A_770 = arith.remsi %scan3A_513, %jit3A_753 : i32
      %ne3A_771 = arith.constant 0 : i32
      %ne3A_772 = arith.cmpi ne, %rem3A_770, %ne3A_771 : i32
      %and3A_773 = arith.andi %ne3A_769, %ne3A_772 : i1
      %sub3A_774 = arith.constant 1 : i32
      %sub3A_775 = arith.subi %div3A_754, %sub3A_774 : i32
      %select_n3A_776 = arith.select %and3A_773, %sub3A_775, %div3A_754 : i32
      %add3A_777 = arith.constant 16 : i32
      %add3A_778 = arith.addi %mul3A_723, %add3A_777 : i32
      %swap3A_779 = arith.constant 0 : i32
      %swap3A_780 = arith.index_cast %swap3A_779 : i32 to index
      %swap3A_781 = arith.index_cast %select_n3A_776 : i32 to index
      %swap3A_782 = arith.index_cast %add3A_778 : i32 to index
      %swap3A_783 = tpu.vector_load %arg8[%swap3A_780, %swap3A_781, %swap3A_782] {strides = array<i32>} : memref<2x16x128xf32, #tpu.memory_space<vmem>>, vector<16xf32>,
      tpu.vector_store %arg8[%swap3A_780, %swap3A_781, %swap3A_782], %add3A_705 {strides = array<i32>} : memref<2x16x128xf32, #tpu.memory_space<vmem>>, vector<16xf32>,
    }
    %scan3A_183 = arith.constant 64 : i32
    %add3A_184 = arith.constant 1536 : i32
    %add3A_185 = arith.addi %mul3A_2, %add3A_184 : i32
    %min3A_186 = arith.constant 49936 : i32
    %min3A_187 = arith.minsi %add3A_185, %min3A_186 : i32
    %jit3A = arith.constant 4 : i32
    %div3A = arith.divsi %min3A_187, %jit3A : i32
    %sign3A = arith.constant 0 : i32
    %sign3A_188 = arith.cmpi sgt, %min3A_187, %sign3A : i32
    %sign3A_189 = arith.extui %sign3A_188 : i1 to i32
    %sign3A_190 = arith.constant 0 : i32
    %sign3A_191 = arith.cmpi slt, %min3A_187, %sign3A_190 : i32
    %sign3A_192 = arith.extui %sign3A_191 : i1 to i32
    %sign3A_193 = arith.subi %sign3A_189, %sign3A_192 : i32
    %sign3A_194 = arith.constant 0 : i32
    %sign3A_195 = arith.cmpi sgt, %jit3A, %sign3A_194 : i32
    %sign3A_196 = arith.extui %sign3A_195 : i1 to i32
    %sign3A_197 = arith.constant 0 : i32
    %sign3A_198 = arith.cmpi slt, %jit3A, %sign3A_197 : i32
    %sign3A_199 = arith.extui %sign3A_198 : i1 to i32
    %sign3A_200 = arith.subi %sign3A_196, %sign3A_199 : i32
    %ne3A = arith.cmpi ne, %sign3A_193, %sign3A_200 : i32
    %rem3A = arith.remsi %min3A_187, %jit3A : i32
    %ne3A_201 = arith.constant 0 : i32
    %ne3A_202 = arith.cmpi ne, %rem3A, %ne3A_201 : i32
    %and3A = arith.andi %ne3A, %ne3A_202 : i1
    %sub3A = arith.constant 1 : i32
    %sub3A_203 = arith.subi %div3A, %sub3A : i32
    %select_n3A = arith.select %and3A, %sub3A_203, %div3A : i32
    %dma_start3A_204 = arith.constant 0 : i32
    %dma_start3A_205 = arith.constant 0 : i32
    %dma_start3A_206 = arith.constant 0 : i32
    %dma_start3A_207 = tpu.memref_slice %arg8[%dma_start3A_204, %dma_start3A_205, %dma_start3A_206] : memref<2x16x128xf32, #tpu.memory_space<vmem>> -> memref<1x16x128xf32, #tpu.memory_space<vmem>>
    %dma_start3A_208 = tpu.memref_squeeze %dma_start3A_207 : memref<1x16x128xf32, #tpu.memory_space<vmem>> -> memref<16x128xf32, #tpu.memory_space<vmem>>
    %dma_start3A_209 = arith.constant 0 : i32
    %dma_start3A_210 = tpu.memref_slice %arg4[%select_n3A, %dma_start3A_209] : memref<12500x128xf32, #tpu.memory_space<hbm>> -> memref<16x128xf32, #tpu.memory_space<hbm>>
    %dma_start3A_211 = arith.constant 0 : i32
    %dma_start3A_212 = tpu.memref_slice %arg4[%select_n3A, %dma_start3A_211] : memref<12500x128xf32, #tpu.memory_space<hbm>> -> memref<16x128xf32, #tpu.memory_space<hbm>>
    %dma_start3A_213 = arith.constant 0 : i32
    %dma_start3A_214 = arith.constant 0 : i32
    %dma_start3A_215 = tpu.memref_slice %arg8[%dma_start3A_204, %dma_start3A_213, %dma_start3A_214] : memref<2x16x128xf32, #tpu.memory_space<vmem>> -> memref<1x16x128xf32, #tpu.memory_space<vmem>>
    %dma_start3A_216 = tpu.memref_squeeze %dma_start3A_215 : memref<1x16x128xf32, #tpu.memory_space<vmem>> -> memref<16x128xf32, #tpu.memory_space<vmem>>
    tpu.enqueue_dma source(%dma_start3A_216 : memref<16x128xf32, #tpu.memory_space<vmem>>) target(%dma_start3A_212 : memref<16x128xf32, #tpu.memory_space<hbm>>) target_semaphore(%arg13 : memref<!tpu.dma_semaphore, #tpu.memory_space<semaphore_mem>>)
    %dma_wait3A_217 = arith.constant 0 : i32
    %dma_wait3A_218 = arith.constant 0 : i32
    %dma_wait3A_219 = arith.constant 0 : i32
    %dma_wait3A_220 = tpu.memref_slice %arg8[%dma_wait3A_217, %dma_wait3A_218, %dma_wait3A_219] : memref<2x16x128xf32, #tpu.memory_space<vmem>> -> memref<1x16x128xf32, #tpu.memory_space<vmem>>
    %dma_wait3A_221 = tpu.memref_squeeze %dma_wait3A_220 : memref<1x16x128xf32, #tpu.memory_space<vmem>> -> memref<16x128xf32, #tpu.memory_space<vmem>>
    %dma_wait3A_222 = arith.constant 0 : i32
    %dma_wait3A_223 = arith.constant 0 : i32
    %dma_wait3A_224 = tpu.memref_slice %arg4[%dma_wait3A_222, %dma_wait3A_223] : memref<12500x128xf32, #tpu.memory_space<hbm>> -> memref<16x128xf32, #tpu.memory_space<hbm>>
    %dma_wait3A_225 = arith.constant 0 : i32
    %dma_wait3A_226 = arith.constant 0 : i32
    %dma_wait3A_227 = tpu.memref_slice %arg4[%dma_wait3A_225, %dma_wait3A_226] : memref<12500x128xf32, #tpu.memory_space<hbm>> -> memref<16x128xf32, #tpu.memory_space<hbm>>
    %dma_wait3A_228 = arith.constant 0 : i32
    %dma_wait3A_229 = arith.constant 0 : i32
    %dma_wait3A_230 = tpu.memref_slice %arg8[%dma_wait3A_217, %dma_wait3A_228, %dma_wait3A_229] : memref<2x16x128xf32, #tpu.memory_space<vmem>> -> memref<1x16x128xf32, #tpu.memory_space<vmem>>
    %dma_wait3A_231 = tpu.memref_squeeze %dma_wait3A_230 : memref<1x16x128xf32, #tpu.memory_space<vmem>> -> memref<16x128xf32, #tpu.memory_space<vmem>>
    tpu.wait_dma2 semaphore(%arg13 : memref<!tpu.dma_semaphore, #tpu.memory_space<semaphore_mem>>) src(%dma_wait3A_231 : memref<16x128xf32, #tpu.memory_space<vmem>>) dst(%dma_wait3A_227 : memref<16x128xf32, #tpu.memory_space<hbm>>)
    %dma_wait3A_232 = arith.constant 1 : i32
    %dma_wait3A_233 = arith.constant 0 : i32
    %dma_wait3A_234 = arith.constant 0 : i32
    %dma_wait3A_235 = tpu.memref_slice %arg8[%dma_wait3A_232, %dma_wait3A_233, %dma_wait3A_234] : memref<2x16x128xf32, #tpu.memory_space<vmem>> -> memref<1x16x128xf32, #tpu.memory_space<vmem>>
    %dma_wait3A_236 = tpu.memref_squeeze %dma_wait3A_235 : memref<1x16x128xf32, #tpu.memory_space<vmem>> -> memref<16x128xf32, #tpu.memory_space<vmem>>
    %dma_wait3A_237 = arith.constant 0 : i32
    %dma_wait3A_238 = arith.constant 0 : i32
    %dma_wait3A_239 = tpu.memref_slice %arg4[%dma_wait3A_237, %dma_wait3A_238] : memref<12500x128xf32, #tpu.memory_space<hbm>> -> memref<16x128xf32, #tpu.memory_space<hbm>>
    %dma_wait3A_240 = arith.constant 0 : i32
    %dma_wait3A_241 = arith.constant 0 : i32
    %dma_wait3A_242 = tpu.memref_slice %arg4[%dma_wait3A_240, %dma_wait3A_241] : memref<12500x128xf32, #tpu.memory_space<hbm>> -> memref<16x128xf32, #tpu.memory_space<hbm>>
    %dma_wait3A_243 = arith.constant 0 : i32
    %dma_wait3A_244 = arith.constant 0 : i32
    %dma_wait3A_245 = tpu.memref_slice %arg8[%dma_wait3A_232, %dma_wait3A_243, %dma_wait3A_244] : memref<2x16x128xf32, #tpu.memory_space<vmem>> -> memref<1x16x128xf32, #tpu.memory_space<vmem>>
    %dma_wait3A_246 = tpu.memref_squeeze %dma_wait3A_245 : memref<1x16x128xf32, #tpu.memory_space<vmem>> -> memref<16x128xf32, #tpu.memory_space<vmem>>
    tpu.wait_dma2 semaphore(%arg14 : memref<!tpu.dma_semaphore, #tpu.memory_space<semaphore_mem>>) src(%dma_wait3A_246 : memref<16x128xf32, #tpu.memory_space<vmem>>) dst(%dma_wait3A_242 : memref<16x128xf32, #tpu.memory_space<hbm>>)
    return
  }
}

module attributes {stable_mosaic.version = 14 : i64} {
  func.func @_xw_body(%arg0: i32, %arg1: memref<1x10000x128xf32, #tpu.memory_space<vmem>>, %arg2: memref<128x512xbf16, #tpu.memory_space<vmem>>, %arg3: memref<2560000xi32, #tpu.memory_space<vmem>>) attributes {dimension_semantics = [#tpu.dimension_semantics<arbitrary>], iteration_bounds = array<i64: 10>, scalar_prefetch = 0 : i64, scratch_operands = 0 : i64, tpu.core_type = #tpu.core_type<tc>, window_params = [{transform_indices = @transform_0, window_bounds = array<i64: 1, 10000, 128>}, {pipeline_mode = #tpu.pipeline_mode<synchronous>, transform_indices = @transform_1, window_bounds = array<i64: 128, 512>}, {transform_indices = @transform_2, window_bounds = array<i64: 2560000>}]} {
    %get3A = arith.constant 0 : index
    %get3A_0 = arith.constant 0 : index
    %get3A_1 = arith.constant 0 : index
    %get3A_2 = vector.load %arg1[%get3A, %get3A_0, %get3A_1] : memref<1x10000x128xf32, #tpu.memory_space<vmem>>, vector<1x10000x128xf32>
    %get3A_3 = vector.shape_cast %get3A_2 : vector<1x10000x128xf32> to vector<10000x128xf32>
    %convert_element_type3A = arith.truncf %get3A_3 : vector<10000x128xf32> to vector<10000x128xbf16>
    %get3A_4 = arith.constant 0 : index
    %get3A_5 = arith.constant 0 : index
    %get3A_6 = vector.load %arg2[%get3A_4, %get3A_5] : memref<128x512xbf16, #tpu.memory_space<vmem>>, vector<128x512xbf16>
    %dot_general3A = arith.constant dense<0.000000e+00> : vector<10000x512xf32>
    %dot_general3A_7 = tpu.matmul %convert_element_type3A, %get3A_6, %dot_general3A {dimension_numbers = #tpu.dot_dimension_numbers<[1], [0], [0], [1], [0, 0, 1, 1], [], []>, transpose_lhs_hint = false} : vector<10000x128xbf16>, vector<128x512xbf16>, vector<10000x512xf32> -> vector<10000x512xf32>
    %slice3A = vector.extract_strided_slice %dot_general3A_7 {offsets = [0, 0], sizes = [10000, 256], strides = [1, 1]} : vector<10000x512xf32> to vector<10000x256xf32>
    %convert_element_type3A_8 = arith.truncf %slice3A : vector<10000x256xf32> to vector<10000x256xbf16>
    %convert_element_type3A_9 = arith.extf %convert_element_type3A_8 : vector<10000x256xbf16> to vector<10000x256xf32>
    %bitcast_convert_type3A = tpu.bitcast %convert_element_type3A_9 : vector<10000x256xf32> -> vector<10000x256xi32>
    %slice3A_10 = vector.extract_strided_slice %dot_general3A_7 {offsets = [0, 256], sizes = [10000, 256], strides = [1, 1]} : vector<10000x512xf32> to vector<10000x256xf32>
    %convert_element_type3A_11 = arith.truncf %slice3A_10 : vector<10000x256xf32> to vector<10000x256xbf16>
    %convert_element_type3A_12 = arith.extf %convert_element_type3A_11 : vector<10000x256xbf16> to vector<10000x256xf32>
    %bitcast_convert_type3A_13 = tpu.bitcast %convert_element_type3A_12 : vector<10000x256xf32> -> vector<10000x256xi32>
    %shift_right_logical3A = arith.constant 16 : i32
    %shift_right_logical3A_14 = vector.broadcast %shift_right_logical3A : i32 to vector<10000x256xi32>
    %shift_right_logical3A_15 = arith.shrui %bitcast_convert_type3A, %shift_right_logical3A_14 : vector<10000x256xi32>
    %and3A = arith.constant -65536 : i32
    %and3A_16 = vector.broadcast %and3A : i32 to vector<10000x256xi32>
    %and3A_17 = arith.andi %bitcast_convert_type3A_13, %and3A_16 : vector<10000x256xi32>
    %or3A = arith.ori %shift_right_logical3A_15, %and3A_17 : vector<10000x256xi32>
    %reshape3A = vector.shape_cast %or3A : vector<10000x256xi32> to vector<2560000xi32>
    %swap3A = arith.constant 0 : index
    %swap3A_18 = vector.load %arg3[%swap3A] : memref<2560000xi32, #tpu.memory_space<vmem>>, vector<2560000xi32>
    tpu.vector_store %arg3[%swap3A], %reshape3A {strides = array<i32>} : memref<2560000xi32, #tpu.memory_space<vmem>>, vector<2560000xi32>,
    return
  }
  func.func @transform_0(%arg0: i32) -> (i32, i32, i32) {
    %c0_i32 = arith.constant 0 : i32
    %c0_i32_0 = arith.constant 0 : i32
    %c0_i32_1 = arith.constant 0 : i32
    return %c0_i32, %arg0, %c0_i32_0 : i32, i32, i32
  }
  func.func @transform_1(%arg0: i32) -> (i32, i32) {
    %c0_i32 = arith.constant 0 : i32
    %c0_i32_0 = arith.constant 0 : i32
    %c0_i32_1 = arith.constant 0 : i32
    return %c0_i32, %c0_i32_0 : i32, i32
  }
  func.func @transform_2(%arg0: i32) -> i32 {
    %c0_i32 = arith.constant 0 : i32
    return %arg0 : i32
  }
}

module attributes {stable_mosaic.version = 14 : i64} {
  func.func @_mlp_body(%arg0: i32, %arg1: memref<512x128xf32, #tpu.memory_space<vmem>>, %arg2: memref<1x128xf32, #tpu.memory_space<vmem>>, %arg3: memref<128x128xf32, #tpu.memory_space<vmem>>, %arg4: memref<1x128xf32, #tpu.memory_space<vmem>>, %arg5: memref<128x128xf32, #tpu.memory_space<vmem>>, %arg6: memref<1x128xf32, #tpu.memory_space<vmem>>, %arg7: memref<512x128xf32, #tpu.memory_space<vmem>>) attributes {dimension_semantics = [#tpu.dimension_semantics<arbitrary>], iteration_bounds = array<i64: 25>, scalar_prefetch = 0 : i64, scratch_operands = 0 : i64, tpu.core_type = #tpu.core_type<tc>, window_params = [{transform_indices = @transform_0, window_bounds = array<i64: 512, 128>}, {pipeline_mode = #tpu.pipeline_mode<synchronous>, transform_indices = @transform_1, window_bounds = array<i64: 1, 128>}, {pipeline_mode = #tpu.pipeline_mode<synchronous>, transform_indices = @transform_2, window_bounds = array<i64: 128, 128>}, {pipeline_mode = #tpu.pipeline_mode<synchronous>, transform_indices = @transform_3, window_bounds = array<i64: 1, 128>}, {pipeline_mode = #tpu.pipeline_mode<synchronous>, transform_indices = @transform_4, window_bounds = array<i64: 128, 128>}, {pipeline_mode = #tpu.pipeline_mode<synchronous>, transform_indices = @transform_5, window_bounds = array<i64: 1, 128>}, {transform_indices = @transform_6, window_bounds = array<i64: 512, 128>}]} {
    %get3A = arith.constant 0 : index
    %get3A_0 = arith.constant 0 : index
    %get3A_1 = vector.load %arg1[%get3A, %get3A_0] : memref<512x128xf32, #tpu.memory_space<vmem>>, vector<512x128xf32>
    %get3A_2 = arith.constant 0 : index
    %get3A_3 = arith.constant 0 : index
    %get3A_4 = vector.load %arg2[%get3A_2, %get3A_3] : memref<1x128xf32, #tpu.memory_space<vmem>>, vector<1x128xf32>
    %add3A = vector.broadcast %get3A_4 : vector<1x128xf32> to vector<512x128xf32>
    %add3A_5 = arith.addf %get3A_1, %add3A : vector<512x128xf32>
    %mul3A = arith.constant 5.000000e-01 : f32
    %mul3A_6 = vector.broadcast %mul3A : f32 to vector<512x128xf32>
    %mul3A_7 = arith.mulf %mul3A_6, %add3A_5 : vector<512x128xf32>
    %mul3A_8 = arith.constant 0.707106769 : f32
    %mul3A_9 = vector.broadcast %mul3A_8 : f32 to vector<512x128xf32>
    %mul3A_10 = arith.mulf %add3A_5, %mul3A_9 : vector<512x128xf32>
    %erf3A = math.erf %mul3A_10 : vector<512x128xf32>
    %add3A_11 = arith.constant 1.000000e+00 : f32
    %add3A_12 = vector.broadcast %add3A_11 : f32 to vector<512x128xf32>
    %add3A_13 = arith.addf %add3A_12, %erf3A : vector<512x128xf32>
    %mul3A_14 = arith.mulf %mul3A_7, %add3A_13 : vector<512x128xf32>
    %get3A_15 = arith.constant 0 : index
    %get3A_16 = arith.constant 0 : index
    %get3A_17 = vector.load %arg3[%get3A_15, %get3A_16] : memref<128x128xf32, #tpu.memory_space<vmem>>, vector<128x128xf32>
    %dot_general3A = arith.constant dense<0.000000e+00> : vector<512x128xf32>
    %dot_general3A_18 = tpu.matmul %mul3A_14, %get3A_17, %dot_general3A {dimension_numbers = #tpu.dot_dimension_numbers<[1], [0], [0], [1], [0, 0, 1, 1], [], []>, transpose_lhs_hint = false} : vector<512x128xf32>, vector<128x128xf32>, vector<512x128xf32> -> vector<512x128xf32>
    %get3A_19 = arith.constant 0 : index
    %get3A_20 = arith.constant 0 : index
    %get3A_21 = vector.load %arg4[%get3A_19, %get3A_20] : memref<1x128xf32, #tpu.memory_space<vmem>>, vector<1x128xf32>
    %add3A_22 = vector.broadcast %get3A_21 : vector<1x128xf32> to vector<512x128xf32>
    %add3A_23 = arith.addf %dot_general3A_18, %add3A_22 : vector<512x128xf32>
    %mul3A_24 = arith.constant 5.000000e-01 : f32
    %mul3A_25 = vector.broadcast %mul3A_24 : f32 to vector<512x128xf32>
    %mul3A_26 = arith.mulf %mul3A_25, %add3A_23 : vector<512x128xf32>
    %mul3A_27 = arith.constant 0.707106769 : f32
    %mul3A_28 = vector.broadcast %mul3A_27 : f32 to vector<512x128xf32>
    %mul3A_29 = arith.mulf %add3A_23, %mul3A_28 : vector<512x128xf32>
    %erf3A_30 = math.erf %mul3A_29 : vector<512x128xf32>
    %add3A_31 = arith.constant 1.000000e+00 : f32
    %add3A_32 = vector.broadcast %add3A_31 : f32 to vector<512x128xf32>
    %add3A_33 = arith.addf %add3A_32, %erf3A_30 : vector<512x128xf32>
    %mul3A_34 = arith.mulf %mul3A_26, %add3A_33 : vector<512x128xf32>
    %get3A_35 = arith.constant 0 : index
    %get3A_36 = arith.constant 0 : index
    %get3A_37 = vector.load %arg5[%get3A_35, %get3A_36] : memref<128x128xf32, #tpu.memory_space<vmem>>, vector<128x128xf32>
    %dot_general3A_38 = arith.constant dense<0.000000e+00> : vector<512x128xf32>
    %dot_general3A_39 = tpu.matmul %mul3A_34, %get3A_37, %dot_general3A_38 {dimension_numbers = #tpu.dot_dimension_numbers<[1], [0], [0], [1], [0, 0, 1, 1], [], []>, transpose_lhs_hint = false} : vector<512x128xf32>, vector<128x128xf32>, vector<512x128xf32> -> vector<512x128xf32>
    %get3A_40 = arith.constant 0 : index
    %get3A_41 = arith.constant 0 : index
    %get3A_42 = vector.load %arg6[%get3A_40, %get3A_41] : memref<1x128xf32, #tpu.memory_space<vmem>>, vector<1x128xf32>
    %add3A_43 = vector.broadcast %get3A_42 : vector<1x128xf32> to vector<512x128xf32>
    %add3A_44 = arith.addf %dot_general3A_39, %add3A_43 : vector<512x128xf32>
    %swap3A = arith.constant 0 : index
    %swap3A_45 = arith.constant 0 : index
    %swap3A_46 = vector.load %arg7[%swap3A, %swap3A_45] : memref<512x128xf32, #tpu.memory_space<vmem>>, vector<512x128xf32>
    tpu.vector_store %arg7[%swap3A, %swap3A_45], %add3A_44 {strides = array<i32>} : memref<512x128xf32, #tpu.memory_space<vmem>>, vector<512x128xf32>,
    return
  }
  func.func @transform_0(%arg0: i32) -> (i32, i32) {
    %c0_i32 = arith.constant 0 : i32
    %c0_i32_0 = arith.constant 0 : i32
    return %arg0, %c0_i32 : i32, i32
  }
  func.func @transform_1(%arg0: i32) -> (i32, i32) {
    %c0_i32 = arith.constant 0 : i32
    %c0_i32_0 = arith.constant 0 : i32
    %c0_i32_1 = arith.constant 0 : i32
    return %c0_i32, %c0_i32_0 : i32, i32
  }
  func.func @transform_2(%arg0: i32) -> (i32, i32) {
    %c0_i32 = arith.constant 0 : i32
    %c0_i32_0 = arith.constant 0 : i32
    %c0_i32_1 = arith.constant 0 : i32
    return %c0_i32, %c0_i32_0 : i32, i32
  }
  func.func @transform_3(%arg0: i32) -> (i32, i32) {
    %c0_i32 = arith.constant 0 : i32
    %c0_i32_0 = arith.constant 0 : i32
    %c0_i32_1 = arith.constant 0 : i32
    return %c0_i32, %c0_i32_0 : i32, i32
  }
  func.func @transform_4(%arg0: i32) -> (i32, i32) {
    %c0_i32 = arith.constant 0 : i32
    %c0_i32_0 = arith.constant 0 : i32
    %c0_i32_1 = arith.constant 0 : i32
    return %c0_i32, %c0_i32_0 : i32, i32
  }
  func.func @transform_5(%arg0: i32) -> (i32, i32) {
    %c0_i32 = arith.constant 0 : i32
    %c0_i32_0 = arith.constant 0 : i32
    %c0_i32_1 = arith.constant 0 : i32
    return %c0_i32, %c0_i32_0 : i32, i32
  }
  func.func @transform_6(%arg0: i32) -> (i32, i32) {
    %c0_i32 = arith.constant 0 : i32
    %c0_i32_0 = arith.constant 0 : i32
    return %arg0, %c0_i32 : i32, i32
  }
}

</mosaic_0001>

<sc_bundles>
// kernel: kernel.5.cloned.1.call-start
scs
__scs_entry_jumppad:
0x0: {  	(pc) =	sbr.rel $0x88, $3  }
0x1: {  	(tag) =	ssettag $0x0;
	lr =	simm.s32 $0x1  }
0x2: {  	[smem:$0x3F99] =	sst lr;
	_ =	strace $0xD0000000  }
0x3: {  	_ = 	snop  }
0x4: {  	_ = 	snop  }
0x5: {  	_ = 	snop  }
0x6: {  	_ = 	snop  }
0x7: {  	_ = 	snop  }
__scs_overlays_trampoline_lowered:
0x8: {  	[smem:$0x3FA8] =	sst s0  }
0x9: {  	[smem:$0x3FA9] =	sst s1  }
0xa: {  	[smem:$0x3FAA] =	sst s2  }
0xb: {  	[smem:$0x3FAB] =	sst s3  }
0xc: {  	[smem:$0x3FAC] =	sst s4  }
0xd: {  	[smem:$0x3FAD] =	sst s5  }
0xe: {  	[smem:$0x3FAE] =	sst s6  }
0xf: {  	[smem:$0x3FAF] =	sst s7  }
0x10: {  	[smem:$0x3FB0] =	sst s8  }
0x11: {  	[smem:$0x3FB1] =	sst s9;
	s0 =	simm.s32 @!p0 $0x0  }
0x12: {  	s1 =	sld [smem:$0x3F97];
	s0 =	simm.s32 @p0 $0x1  }
0x13: {  	[smem:$0x3FB2] =	sst s0;
	s0 =	simm.s32 @!p1 $0x0  }
0x14: {  	s2 =	sld [smem:$0x3F96];
	s0 =	simm.s32 @p1 $0x1  }
0x15: {  	[smem:$0x3FB3] =	sst s0;
	s0 =	simm.s32 @!p2 $0x0  }
0x16: {  	s3 =	sld [smem:$0x3FDB];
	s0 =	simm.s32 @p2 $0x1  }
0x17: {  	s4 =	simm.s32 $0x1BF5;
	[smem:$0x3FB5] =	sst s0  }
0x18: {  	s0 =	sld [smem:$0x3F98];
	_ =	swait.ge [sflag:s4], $0x0  }
0x19: {  	s7 =	sld [smem:$0x3F99]  }
0x1a: {  	s8 =	sadd.s32 $0xFFFFE003, lr  }
0x1b: {  	s9 =	sadd.s32 $0xFFFFFEF7, lr;
	s5 =	simm.s32 $0xFFFFFFFF;
	p2 =	slt.u32 s8, $0xFFFFF086  }
0x1c: {  	p1 =	slt.u32 s9, $0xF7A;
	s5 =	simm.s32 @!p2 $0x0  }
0x1d: {  	s5 =	simm.s32 @p1 $0x1;
	p0 =	seq.s32 s7, s2  }
0x1e: {  	s7 =	smul.u32 @!p0 $0xF7A, s2;
	p2 =	seq.s32 @!p0 s5, $0x0  }
0x1f: {  	s9 =	smul.u32 $0xF7A, s1;
	s8 =	simm.s32 @!p0 $0x1BF5;
	p2 =	por !p2, p0  }
0x20: {  	[sflag:s8] =	ssyncset.s32 @!p0 $0xFFFFF086;
	s6 =	sadd.s32 @!p0 s3, s7;
	s7 =	simm.s32 @!p0 $0x108  }
0x21: {  	s3 =	sadd.s32 s3, s9;
	s6 =	sadd.s32 @!p0 $0x88, s6;
	s7 =	simm.s32 @p2 $0x1082  }
0x22: {  	[simem:s7], [sflag:s8] =	dma.local @!p0 [hbm:s6], $0xF7A  }
0x23: {  	s9 =	sor.u32 $0xD0000000, s2;
	s6 =	simm.s32 $0x108;
	_ =	swait.ge @!p0 [sflag:s8], $0x0  }
0x24: {  	s3 =	sadd.s32 $0x88, s3;
	s6 =	simm.s32 @!p1 $0x1082;
	[sflag:s4] =	ssyncset.s32 $0xFFFFF086  }
0x25: {  	[simem:s6], [sflag:s4] =	dma.local [hbm:s3], $0xF7A  }
0x26: {  	[smem:$0x3F99] =	sst s1;
	(tag) =	ssettag s2;
	_ =	strace s9  }
0x27: {  	s1 =	sld [smem:$0x3FA9]  }
0x28: {  	s2 =	sld [smem:$0x3FAA]  }
0x29: {  	s4 =	sld [smem:$0x3FAC]  }
0x2a: {  	p0 =	seq.s32 s5, $0x0;
	s5 =	sld [smem:$0x3FAD]  }
0x2b: {  	s6 =	sld [smem:$0x3FAE]  }
0x2c: {  	s7 =	sld [smem:$0x3FAF]  }
0x2d: {  	s3 =	simm.s32 $0x108;
	s8 =	sld [smem:$0x3FB0]  }
0x2e: {  	s3 =	simm.s32 @!p0 $0x1082;
	s9 =	sld [smem:$0x3FB1]  }
0x2f: {  	lr =	sadd.s32 s0, s3;
	s0 =	sld [smem:$0x3FA8]  }
0x30: {  	s3 =	sld [smem:$0x3FAB]  }
0x31: {  	[smem:$0x3FB4] =	sst s10  }
0x32: {  	s10 =	sld [smem:$0x3FB2];
	_ =	sdelay $0x3  }
0x33: {  	p0 =	seq.s32 s10, $0x1;
	s10 =	sld [smem:$0x3FB4];
	_ =	sdelay $0x3  }
0x34: {  	[smem:$0x3FB4] =	sst s10  }
0x35: {  	s10 =	sld [smem:$0x3FB3];
	_ =	sdelay $0x3  }
0x36: {  	p1 =	seq.s32 s10, $0x1;
	s10 =	sld [smem:$0x3FB4];
	_ =	sdelay $0x3  }
0x37: {  	[smem:$0x3FB4] =	sst s10  }
0x38: {  	s10 =	sld [smem:$0x3FB5]  }
0x39: {  	_ = 	snop;
	(pc) =	sbr.ind lr, $3  }
0x3a: {  	_ = 	snop  }
0x3b: {  	_ = 	snop  }
0x3c: {  	p2 =	seq.s32 s10, $0x1;
	s10 =	sld [smem:$0x3FB4]  }
0x3d: {  	_ =	shalt  }
0x3e: {  	_ =	shalt  }
0x3f: {  	_ =	shalt  }
0x40: {  	_ =	shalt  }
0x41: {  	_ =	shalt  }
0x42: {  	_ =	shalt  }
0x43: {  	_ =	shalt  }
0x44: {  	_ =	shalt  }
0x45: {  	_ =	shalt  }
0x46: {  	_ =	shalt  }
0x47: {  	_ =	shalt  }
0x48: {  	_ =	shalt  }
0x49: {  	_ =	shalt  }
0x4a: {  	_ =	shalt  }
0x4b: {  	_ =	shalt  }
0x4c: {  	_ =	shalt  }
0x4d: {  	_ =	shalt  }
0x4e: {  	_ =	shalt  }
0x4f: {  	_ =	shalt  }
0x50: {  	_ =	shalt  }
0x51: {  	_ =	shalt  }
0x52: {  	_ =	shalt  }
0x53: {  	_ =	shalt  }
0x54: {  	_ =	shalt  }
0x55: {  	_ =	shalt  }
0x56: {  	_ =	shalt  }
0x57: {  	_ =	shalt  }
0x58: {  	_ =	shalt  }
0x59: {  	_ =	shalt  }
0x5a: {  	_ =	shalt  }
0x5b: {  	_ =	shalt  }
0x5c: {  	_ =	shalt  }
0x5d: {  	_ =	shalt  }
0x5e: {  	_ =	shalt  }
0x5f: {  	_ =	shalt  }
0x60: {  	_ =	shalt  }
0x61: {  	_ =	shalt  }
0x62: {  	_ =	shalt  }
0x63: {  	_ =	shalt  }
0x64: {  	_ =	shalt  }
0x65: {  	_ =	shalt  }
0x66: {  	_ =	shalt  }
0x67: {  	_ =	shalt  }
0x68: {  	_ =	shalt  }
0x69: {  	_ =	shalt  }
0x6a: {  	_ =	shalt  }
0x6b: {  	_ =	shalt  }
0x6c: {  	_ =	shalt  }
0x6d: {  	_ =	shalt  }
0x6e: {  	_ =	shalt  }
0x6f: {  	_ =	shalt  }
0x70: {  	_ =	shalt  }
0x71: {  	_ =	shalt  }
0x72: {  	_ =	shalt  }
0x73: {  	_ =	shalt  }
0x74: {  	_ =	shalt  }
0x75: {  	_ =	shalt  }
0x76: {  	_ =	shalt  }
0x77: {  	_ =	shalt  }
0x78: {  	_ =	shalt  }
0x79: {  	_ =	shalt  }
0x7a: {  	_ =	shalt  }
0x7b: {  	_ =	shalt  }
0x7c: {  	_ =	shalt  }
0x7d: {  	_ =	shalt  }
0x7e: {  	_ =	shalt  }
0x7f: {  	_ =	shalt  }
0x80: {  	_ =	shalt  }
0x81: {  	_ =	shalt  }
0x82: {  	_ =	shalt  }
0x83: {  	_ =	shalt  }
0x84: {  	_ =	shalt  }
0x85: {  	_ =	shalt  }
0x86: {  	_ =	shalt  }
0x87: {  	_ =	shalt  }
.Lfunc_end0:
.L_simem_size_0:
called_computation_lowered:
.L_overlay_start_0:
0x88: {  	s2 =	sld [smem:$0x3FD9]  }
0x89: {  	s3 =	sld [smem:$0x3FFE];
	_ =	sdelay $0x1  }
0x8a: {  	s1 =	srdreg.scid  }
0x8b: {  	s0 =	sand.u32 $0x1, s1  }
0x8c: {  	s17 =	sshll.u32 s0, $0xA;
	s2 =	sadd.s32 s3, s2  }
0x8d: {  	s2 =	sadd.s32 s2, s17  }
0x8e: {  	[smem:$0x3FC0] =	sst s2  }
0x8f: {  	_ = 	snop  }
0x90: {  	s2 =	sld [smem:$0x3FD0];
	(tm) =	ssettm $0x1  }
0x91: {  	s18 =	sld [smem:$0x3FFB];
	_ =	sdelay $0x3  }
0x92: {  	_ =	strace s18  }
0x93: {  	s3 =	sld [smem:$0x3FFC];
	_ =	sdelay $0x3  }
0x94: {  	_ =	strace s3  }
0x95: {  	s3 =	sld [smem:$0x3FFD];
	_ =	sdelay $0x3  }
0x96: {  	_ =	strace s3  }
0x97: {  	_ =	strace $0x8FFFFFFF  }
0x98: {  	s19 =	sld [smem:$0x3FDB];
	_ =	sdelay $0x1  }
0x99: {  	s4 =	simm.s32 $_scs_section_size  }
0x9a: {  	s5 =	simm.s32 $_size__tile_overlayer_lowered;
	s6 =	simm.s32 $_tile_overlayer_lowered  }
0x9b: {  	s22 =	simm.s32 $0x1BFF;
	s21 =	sshll.u32 s6, $0x1;
	s3 =	sadd.s32 s4, s19  }
0x9c: {  	s7 =	simm.s32 $0x0;
	s20 =	sshll.u32 s5, $0x1;
	s5 =	sadd.s32 s21, s3  }
0x9d: {  	[timem:s7], [sflag:s22] =	dma.local [hbm:s5], s20  }
0x9e: {  	_ =	swait.ge [sflag:s22], s20  }
0x9f: {  	s4 =	ssub.s32 $0x0, s20;
	[sflag:s22] =	ssyncset.done $0x0  }
0xa0: {  	[sflag:s22] =	ssyncadd.s32 s4;
	_ =	sdelay $0x1  }
0xa1: {  	s23 =	simm.s32 $0x1B8B  }
0xa2: {  	_ =	swait.ge [sflag:s23], $0x1  }
0xa3: {  	[sflag:s23] =	ssyncset.done $0x0  }
0xa4: {  	s25 =	simm.s32 $0x1B8E;
	s24 =	sld [smem:$0x3FFE];
	[sflag:s23] =	ssyncadd.s32 $0xFFFFFFFF  }
0xa5: {  	s26 =	simm.s32 $execute0_lowered;
	[smem:$0x3FD2] =	sst s25  }
0xa6: {  	s5 =	sshll.u32 s26, $0x1;
	_ =	strace $0x80000046;
	[dreg:$0x1] =	wrdreg $0xFFFFFFFF  }
0xa7: {  	s28 =	simm.s32 $_size_execute0_lowered;
	s3 =	sadd.s32 s3, s5;
	[dreg:$0x0] =	wrdreg $0x0  }
0xa8: {  	s5 =	sshll.u32 s28, $0x1;
	[dreg:$0x2] =	wrdreg s3  }
0xa9: {  	[dreg:$0x3] =	wrdreg s5  }
0xaa: {  	[dreg:$0x4] =	wrdreg $0xC0  }
0xab: {  	_ =	task [dreg:s7], $0x5FFFF  }
0xac: {  	[dreg:$0x1] =	wrdreg $0xFFFFFFFF  }
0xad: {  	[dreg:$0x0] =	wrdreg $0x60  }
0xae: {  	[dreg:$0x2] =	wrdreg s24  }
0xaf: {  	[dreg:$0x3] =	wrdreg s2  }
0xb0: {  	[dreg:$0x4] =	wrdreg $0x9  }
0xb1: {  	_ =	task.clear_ibuf [dreg:s7], $0x5FFFF;
	_ =	strace $0x90000046  }
0xb2: {  	s29 =	simm.s32 $0x9;
	_ =	strace $0x80000048  }
0xb3: {  	_ =	swait.ge [sflag:s29], $0x1  }
0xb4: {  	[sflag:s29] =	ssyncadd.s32 $0xFFFFFFFF  }
0xb5: {  	_ =	strace $0x90000048  }
0xb6: {  	_ =	sfence  }
0xb7: {  	s30 =	sld [smem:$0x0];
	_ =	sdelay $0x2  }
0xb8: {  	s31 =	sshll.u32 s1, $0xD;
	s1 =	sshrl.u32 s1, $0x2  }
0xb9: {  	s3 =	sand.u32 $0x4000, s31;
	s1 =	sadd.s32 s1, s30  }
0xba: {  	s0 =	sor.u32 s3, s0;
	s1 =	sshll.u32 s1, $0x11  }
0xbb: {  	s0 =	sor.u32 s1, s0  }
0xbc: {  	s0 =	sadd.s32 $0x8F2B, s0  }
0xbd: {  	[sflag:s0] =	ssyncadd.remote.s32 $0x1  }
0xbe: {  	_ =	sfence.sel $0xFFFF  }
0xbf: {  	[dreg:$0x0] =	wrdreg $0xFFFFFFFF;
	(pc) =	sbr.abs _section_cstart, $3  }
0xc0: {  	[dreg:$0x1] =	wrdreg $0xFFFFFFFF  }
0xc1: {  	_ =	task.clear_ibuf [dreg:s7], $0x2FFFF;
	_ =	strace $0x9FFFFFFF  }
0xc2: {  	(tm) =	ssettm $0x7FFFFFFF  }
0xc3: {  	_ =	shalt  }
tec
execute0_lowered:
.L_overlay_start_1:
0x0: {  	(tag) =	ssettag $0x1  }
0x1: {  	s0 =	rddreg [dreg:$0x0]  }
0x2: {  	s1 =	srdreg.scid;
	s3 =	stileid.u32  }
0x3: {  	s2 =	rddreg [dreg:$0x1];
	s14 =	simm.s32 $0x1;
	s15 =	simm.s32 $0x80  }
0x4: {  	s28 =	simm.s32 $0x3800;
	s29 =	simm.s32 $0xB00;
	s30 =	simm.s32 $0x4000  }
0x5: {  	s31 =	simm.s32 $0xB80;
	s8 =	simm.s32 $0x2;
	s13 =	simm.s32 $0x3  }
0x6: {  	s10 =	simm.s32 $0x6;
	s1 =	sand.u32 $0x1, s1;
	s4 =	sshll.u32 s3, $0x1  }
0x7: {  	s16 =	simm.s32 $0x0;
	s3 =	simm.s32 $0x0;
	s5 =	sor.u32 s1, s4  }
0x8: {  	s6 =	sadd.s32 $0x1400, s0;
	s1 =	ssub.s32 $0x2, s1;
	s4 =	smul.u32 $0x640, s5  }
0x9: {  	[smem:$0x7FF] =	sst s3;
	s7 =	smul.u32 $0xC80, s5;
	s24 =	sshrl.u32 s1, $0x1  }
0xa: {  	_ =	strace $0x80000047;
	s5 =	sadd.s32 $0x19C00, s0;
	s0 =	ssub.s32 s1, s24  }
0xb: {  	s24 =	simm.s32 $0xA00;
	s7 =	sadd.s32 s6, s7;
	s25 =	smin.u32 s4, $0xBD10  }
0xc: {  	s9 =	sadd.s32 $0x80, s4;
	s26 =	sadd.s32 $0xC0, s4;
	[dreg:$0x3] =	wrdreg s7  }
0xd: {  	s11 =	sadd.s32 $0x40, s4;
	s0 =	smax.u32 s0, $0x1;
	[dreg:$0x5] =	wrdreg s26  }
0xe: {  	s7 =	sadd.s32 $0x80, s7;
	s1 =	sshll.u32 s25, $0x2;
	[dreg:$0x7] =	wrdreg s0  }
0xf: {  	s25 =	simm.s32 $0x3000;
	s26 =	simm.s32 $0xA80;
	s1 =	sadd.s32 s1, s2  }
0x10: {  	s0 =	simm.s32 $0x4;
	[dreg:$0x4] =	wrdreg s7;
	s1 =	sadd.s32 $0x1800, s1  }
0x11: {  	v0 =	vlaneseq.u32;
	s7 =	simm.s32 $0x9000;
	[dreg:$0x6] =	wrdreg s1;
	s1 =	simm.s32 $0x4800  }
.LBB2_1:
0x12: {  	[dreg:$0x8] =	wrdreg s16  }
0x13: {  	s12 =	rddreg [dreg:$0x3]  }
0x14: {  	[tilespmem:s3], [sflag:$0x1] =	stream.linear.gather [hbm4b:s12+s3], $0x400, $0x38;
	[tilespmem:$0xA000] =	vst v63  }
0x15: {  	_ =	swait.ge [sflag:s14], $0x400  }
0x16: {  	[sflag:s14] =	ssyncset.done $0x0  }
0x17: {  	s23 =	simm.s32 $0x20;
	[sflag:s14] =	ssyncadd.s32 $0xFFFFFC00  }
0x18: {  	v1 =	vld [tilespmem:s23+$0xFFFFFFE0];
	_ =	sdelay $0x4  }
0x19: {  	v1 =	vshll.u32 v1, $0x4  }
0x1a: {  	s12 =	simm.s32 $0x820;
	v1 =	vor.u32 v0, v1  }
0x1b: {  	[tilespmem:s12+$0xFFFFFFE0] =	vst v1  }
0x1c: {  	v1 =	vld [tilespmem:s23+$0xFFFFFFF0];
	_ =	sdelay $0x4  }
0x1d: {  	v1 =	vshll.u32 v1, $0x4  }
0x1e: {  	v1 =	vor.u32 v0, v1  }
0x1f: {  	[tilespmem:s12+$0xFFFFFFF0] =	vst v1  }
0x20: {  	v1 =	vld [tilespmem:s23+$0x0];
	_ =	sdelay $0x4  }
0x21: {  	v1 =	vshll.u32 v1, $0x4  }
0x22: {  	v1 =	vor.u32 v0, v1  }
0x23: {  	[tilespmem:s12+$0x0] =	vst v1  }
0x24: {  	v1 =	vld [tilespmem:s23+$0x10];
	_ =	sdelay $0x4  }
0x25: {  	v1 =	vshll.u32 v1, $0x4  }
0x26: {  	v1 =	vor.u32 v0, v1  }
0x27: {  	s16 =	simm.s32 $0x0;
	s17 =	simm.s32 $0x60;
	[tilespmem:s12+$0x10] =	vst v1  }
.LBB2_2:
0x28: {  	v1 =	vld [tilespmem:s17+$0xFFFFFFE0];
	s16 =	sadd.s32 $0x4, s16  }
0x29: {  	p0 =	slt.u32 s16, $0x3C;
	_ =	sdelay $0x3  }
0x2a: {  	v1 =	vshll.u32 v1, $0x4  }
0x2b: {  	s12 =	sadd.s32 $0x40, s12;
	v1 =	vor.u32 v0, v1  }
0x2c: {  	[tilespmem:s12+$0xFFFFFFE0] =	vst v1  }
0x2d: {  	v1 =	vld [tilespmem:s17+$0xFFFFFFF0];
	_ =	sdelay $0x4  }
0x2e: {  	v1 =	vshll.u32 v1, $0x4  }
0x2f: {  	v1 =	vor.u32 v0, v1  }
0x30: {  	[tilespmem:s12+$0xFFFFFFF0] =	vst v1  }
0x31: {  	v1 =	vld [tilespmem:s17+$0x0];
	_ =	sdelay $0x4  }
0x32: {  	v1 =	vshll.u32 v1, $0x4  }
0x33: {  	v1 =	vor.u32 v0, v1  }
0x34: {  	[tilespmem:s12+$0x0] =	vst v1  }
0x35: {  	v1 =	vld [tilespmem:s17+$0x10];
	_ =	sdelay $0x2  }
.Ltmp0:
0x36: {  	(pc) =	sbr.rel @p0 .LBB2_2-.Ltmp0, $4  }
0x37: {  	_ = 	snop  }
0x38: {  	v1 =	vshll.u32 v1, $0x4  }
0x39: {  	v1 =	vor.u32 v0, v1  }
0x3a: {  	s17 =	sadd.s32 $0x40, s17;
	[tilespmem:s12+$0x10] =	vst v1  }
0x3b: {  	s12 =	simm.s32 $0x800;
	s16 =	simm.s32 $0x1000  }
0x3c: {  	[tilespmem:s16], [sflag:$0x3] =	stream.indirect.gather [hbm4b:s5+s15], $0x10, s12, s15, $0xb8;
	[tilespmem:$0xA000] =	vst v63  }
0x3d: {  	s17 =	simm.s32 $0x880;
	s18 =	simm.s32 $0x1800  }
0x3e: {  	[tilespmem:s18], [sflag:$0x3] =	stream.indirect.gather [hbm4b:s5+s15], $0x10, s17, s15, $0xb8;
	[tilespmem:$0xA000] =	vst v63  }
0x3f: {  	s19 =	simm.s32 $0x900;
	s20 =	simm.s32 $0x2000  }
0x40: {  	[tilespmem:s20], [sflag:$0x3] =	stream.indirect.gather [hbm4b:s5+s15], $0x10, s19, s15, $0xb8;
	[tilespmem:$0xA000] =	vst v63  }
0x41: {  	s21 =	simm.s32 $0x980;
	s22 =	simm.s32 $0x2800  }
0x42: {  	[tilespmem:s22], [sflag:$0x3] =	stream.indirect.gather [hbm4b:s5+s15], $0x10, s21, s15, $0xb8;
	[tilespmem:$0xA000] =	vst v63  }
0x43: {  	_ = 	snop  }
0x44: {  	[tilespmem:s25], [sflag:$0x3] =	stream.indirect.gather [hbm4b:s5+s15], $0x10, s24, s15, $0xb8;
	[tilespmem:$0xA000] =	vst v63  }
0x45: {  	_ = 	snop  }
0x46: {  	[tilespmem:s28], [sflag:$0x3] =	stream.indirect.gather [hbm4b:s5+s15], $0x10, s26, s15, $0xb8;
	[tilespmem:$0xA000] =	vst v63  }
0x47: {  	_ = 	snop  }
0x48: {  	[tilespmem:s30], [sflag:$0x3] =	stream.indirect.gather [hbm4b:s5+s15], $0x10, s29, s15, $0xb8;
	[tilespmem:$0xA000] =	vst v63  }
0x49: {  	_ = 	snop  }
0x4a: {  	[tilespmem:s1], [sflag:$0x3] =	stream.indirect.gather [hbm4b:s5+s15], $0x10, s31, s15, $0xb8;
	[tilespmem:$0xA000] =	vst v63  }
0x4b: {  	s23 =	rddreg [dreg:$0x4];
	s12 =	simm.s32 $0x0;
	s17 =	simm.s32 $0x400  }
0x4c: {  	[tilespmem:s17], [sflag:$0x2] =	stream.linear.gather [hbm4b:s23+s12], $0x400, $0x38;
	[tilespmem:$0xA000] =	vst v63  }
.LBB2_4:
0x4d: {  	_ =	swait.ge [sflag:s8], $0x400  }
0x4e: {  	[sflag:s8] =	ssyncset.done $0x0  }
0x4f: {  	s17 =	simm.s32 $0x430;
	[sflag:s8] =	ssyncadd.s32 $0xFFFFFC00  }
0x50: {  	v1 =	vld [tilespmem:s17+$0xFFFFFFD0];
	_ =	sdelay $0x4  }
0x51: {  	v1 =	vshll.u32 v1, $0x4  }
0x52: {  	s16 =	simm.s32 $0xC30;
	v1 =	vor.u32 v0, v1  }
0x53: {  	[tilespmem:s16+$0xFFFFFFD0] =	vst v1  }
0x54: {  	v1 =	vld [tilespmem:s17+$0xFFFFFFE0];
	_ =	sdelay $0x4  }
0x55: {  	v1 =	vshll.u32 v1, $0x4  }
0x56: {  	v1 =	vor.u32 v0, v1  }
0x57: {  	[tilespmem:s16+$0xFFFFFFE0] =	vst v1  }
0x58: {  	v1 =	vld [tilespmem:s17+$0xFFFFFFF0];
	_ =	sdelay $0x4  }
0x59: {  	v1 =	vshll.u32 v1, $0x4  }
0x5a: {  	v1 =	vor.u32 v0, v1  }
0x5b: {  	[tilespmem:s16+$0xFFFFFFF0] =	vst v1  }
0x5c: {  	v1 =	vld [tilespmem:s17+$0x0];
	_ =	sdelay $0x4  }
0x5d: {  	v1 =	vshll.u32 v1, $0x4  }
0x5e: {  	v1 =	vor.u32 v0, v1  }
0x5f: {  	s18 =	simm.s32 $0x470;
	s17 =	simm.s32 $0x0;
	[tilespmem:s16+$0x0] =	vst v1  }
.LBB2_5:
0x60: {  	v1 =	vld [tilespmem:s18+$0xFFFFFFD0];
	s17 =	sadd.s32 $0x4, s17  }
0x61: {  	p0 =	slt.u32 s17, $0x3C;
	_ =	sdelay $0x3  }
0x62: {  	v1 =	vshll.u32 v1, $0x4  }
0x63: {  	s16 =	sadd.s32 $0x40, s16;
	v1 =	vor.u32 v0, v1  }
0x64: {  	[tilespmem:s16+$0xFFFFFFD0] =	vst v1  }
0x65: {  	v1 =	vld [tilespmem:s18+$0xFFFFFFE0];
	_ =	sdelay $0x4  }
0x66: {  	v1 =	vshll.u32 v1, $0x4  }
0x67: {  	v1 =	vor.u32 v0, v1  }
0x68: {  	[tilespmem:s16+$0xFFFFFFE0] =	vst v1  }
0x69: {  	v1 =	vld [tilespmem:s18+$0xFFFFFFF0];
	_ =	sdelay $0x4  }
0x6a: {  	v1 =	vshll.u32 v1, $0x4  }
0x6b: {  	v1 =	vor.u32 v0, v1  }
0x6c: {  	[tilespmem:s16+$0xFFFFFFF0] =	vst v1  }
0x6d: {  	v1 =	vld [tilespmem:s18+$0x0];
	_ =	sdelay $0x2  }
.Ltmp1:
0x6e: {  	(pc) =	sbr.rel @p0 .LBB2_5-.Ltmp1, $4  }
0x6f: {  	_ = 	snop  }
0x70: {  	v1 =	vshll.u32 v1, $0x4  }
0x71: {  	v1 =	vor.u32 v0, v1  }
0x72: {  	s18 =	sadd.s32 $0x40, s18;
	[tilespmem:s16+$0x0] =	vst v1  }
0x73: {  	s16 =	simm.s32 $0xC00;
	s17 =	simm.s32 $0x5000  }
0x74: {  	[tilespmem:s17], [sflag:$0x4] =	stream.indirect.gather [hbm4b:s5+s15], $0x10, s16, s15, $0xb8;
	[tilespmem:$0xA000] =	vst v63  }
0x75: {  	s22 =	simm.s32 $0xC80;
	s23 =	simm.s32 $0x5800  }
0x76: {  	[tilespmem:s23], [sflag:$0x4] =	stream.indirect.gather [hbm4b:s5+s15], $0x10, s22, s15, $0xb8;
	[tilespmem:$0xA000] =	vst v63  }
0x77: {  	s18 =	simm.s32 $0xD00;
	s19 =	simm.s32 $0x6000  }
0x78: {  	[tilespmem:s19], [sflag:$0x4] =	stream.indirect.gather [hbm4b:s5+s15], $0x10, s18, s15, $0xb8;
	[tilespmem:$0xA000] =	vst v63  }
0x79: {  	s20 =	simm.s32 $0xD80;
	s21 =	simm.s32 $0x6800  }
0x7a: {  	[tilespmem:s21], [sflag:$0x4] =	stream.indirect.gather [hbm4b:s5+s15], $0x10, s20, s15, $0xb8;
	[tilespmem:$0xA000] =	vst v63  }
0x7b: {  	s16 =	sshll.u32 s12, $0x7;
	s22 =	simm.s32 $0xE00;
	s23 =	simm.s32 $0x7000  }
0x7c: {  	[tilespmem:s23], [sflag:$0x4] =	stream.indirect.gather [hbm4b:s5+s15], $0x10, s22, s15, $0xb8;
	[tilespmem:$0xA000] =	vst v63  }
0x7d: {  	s17 =	simm.s32 $0xE80;
	s18 =	simm.s32 $0x7800;
	s22 =	sadd.s32 s16, s9  }
0x7e: {  	[tilespmem:s18], [sflag:$0x4] =	stream.indirect.gather [hbm4b:s5+s15], $0x10, s17, s15, $0xb8;
	[tilespmem:$0xA000] =	vst v63  }
0x7f: {  	s19 =	simm.s32 $0xF00;
	s20 =	simm.s32 $0x8000;
	s17 =	smin.u32 s22, $0xC310  }
0x80: {  	[tilespmem:s20], [sflag:$0x4] =	stream.indirect.gather [hbm4b:s5+s15], $0x10, s19, s15, $0xb8;
	[tilespmem:$0xA000] =	vst v63  }
0x81: {  	s21 =	simm.s32 $0xF80;
	s18 =	simm.s32 $0x8800;
	s17 =	sshll.u32 s17, $0x1  }
0x82: {  	[tilespmem:s18], [sflag:$0x4] =	stream.indirect.gather [hbm4b:s5+s15], $0x10, s21, s15, $0xb8;
	[tilespmem:$0xA000] =	vst v63  }
0x83: {  	s17 =	sadd.s32 s6, s17  }
0x84: {  	[tilespmem:s3], [sflag:$0x1] =	stream.linear.gather [hbm4b:s17+s3], $0x400, $0x38;
	[tilespmem:$0xA000] =	vst v63  }
0x85: {  	_ =	swait.ge [sflag:s13], $0x4000  }
0x86: {  	p0 =	seq.s32 s12, $0x0;
	[sflag:s13] =	ssyncset.done $0x0  }
0x87: {  	s17 =	simm.s32 @!p0 $0x5;
	[sflag:s13] =	ssyncadd.s32 $0xFFFFC000  }
0x88: {  	_ =	swait.ge @!p0 [sflag:s17], $0x800  }
0x89: {  	[sflag:s17] =	ssyncset.done @!p0 $0x0  }
0x8a: {  	[sflag:s17] =	ssyncadd.s32 @!p0 $0xFFFFF800;
	s17 =	simm.s32 $0x1100  }
0x8b: {  	v1 =	vld [tilespmem:s17+$0xFFFFFF10]  }
0x8c: {  	v2 =	vld [tilespmem:s17+$0xFFFFFF00];
	_ =	sdelay $0x1  }
0x8d: {  	v3 =	vld [tilespmem:s17+$0xFFFFFF20];
	_ =	sdelay $0x1  }
0x8e: {  	v4 =	vld [tilespmem:s17+$0xFFFFFF30]  }
0x8f: {  	v5 =	vunpack.i.l.bf16.f32 v1;
	v6 =	vunpack.i.l.bf16.f32 v2  }
0x90: {  	v46 =	vld [tilespmem:s17+$0xFFFFFF40];
	v2 =	vunpack.i.u.bf16.f32 v2;
	v1 =	vunpack.i.u.bf16.f32 v1;
	v5 =	vadd.f32 v5, v6  }
0x91: {  	v1 =	vadd.f32 v1, v2;
	v2 =	vunpack.i.l.bf16.f32 v3  }
0x92: {  	v3 =	vunpack.i.u.bf16.f32 v3;
	v2 =	vadd.f32 v2, v5;
	v5 =	vld [tilespmem:s17+$0xFFFFFF50]  }
0x93: {  	v1 =	vadd.f32 v3, v1;
	v3 =	vunpack.i.l.bf16.f32 v4  }
0x94: {  	v4 =	vunpack.i.u.bf16.f32 v4;
	v2 =	vadd.f32 v3, v2;
	v3 =	vld [tilespmem:s17+$0xFFFFFF60]  }
0x95: {  	v1 =	vadd.f32 v4, v1;
	v4 =	vunpack.i.l.bf16.f32 v46  }
0x96: {  	v6 =	vunpack.i.u.bf16.f32 v46;
	v2 =	vadd.f32 v4, v2;
	v4 =	vld [tilespmem:s17+$0xFFFFFF70]  }
0x97: {  	v1 =	vadd.f32 v6, v1;
	v47 =	vunpack.i.l.bf16.f32 v5  }
0x98: {  	v48 =	vld [tilespmem:s17+$0xFFFFFF80];
	v5 =	vunpack.i.u.bf16.f32 v5;
	v2 =	vadd.f32 v47, v2  }
0x99: {  	v1 =	vadd.f32 v5, v1;
	v5 =	vunpack.i.l.bf16.f32 v3  }
0x9a: {  	v3 =	vunpack.i.u.bf16.f32 v3;
	v2 =	vadd.f32 v5, v2;
	v5 =	vld [tilespmem:s17+$0xFFFFFF90]  }
0x9b: {  	v1 =	vadd.f32 v3, v1;
	v3 =	vunpack.i.l.bf16.f32 v4  }
0x9c: {  	v4 =	vunpack.i.u.bf16.f32 v4;
	v2 =	vadd.f32 v3, v2;
	v3 =	vld [tilespmem:s17+$0xFFFFFFA0]  }
0x9d: {  	v1 =	vadd.f32 v4, v1;
	v4 =	vunpack.i.l.bf16.f32 v48  }
0x9e: {  	v6 =	vunpack.i.u.bf16.f32 v48;
	v2 =	vadd.f32 v4, v2;
	v4 =	vld [tilespmem:s17+$0xFFFFFFB0]  }
0x9f: {  	v1 =	vadd.f32 v6, v1;
	v49 =	vunpack.i.l.bf16.f32 v5  }
0xa0: {  	v50 =	vld [tilespmem:s17+$0xFFFFFFC0];
	v5 =	vunpack.i.u.bf16.f32 v5;
	v2 =	vadd.f32 v49, v2  }
0xa1: {  	v1 =	vadd.f32 v5, v1;
	v5 =	vunpack.i.l.bf16.f32 v3  }
0xa2: {  	v3 =	vunpack.i.u.bf16.f32 v3;
	v2 =	vadd.f32 v5, v2;
	v5 =	vld [tilespmem:s17+$0xFFFFFFD0]  }
0xa3: {  	v1 =	vadd.f32 v3, v1;
	v3 =	vunpack.i.l.bf16.f32 v4  }
0xa4: {  	v4 =	vunpack.i.u.bf16.f32 v4;
	v2 =	vadd.f32 v3, v2;
	v3 =	vld [tilespmem:s17+$0xFFFFFFE0]  }
0xa5: {  	v1 =	vadd.f32 v4, v1;
	v4 =	vunpack.i.l.bf16.f32 v50  }
0xa6: {  	v6 =	vunpack.i.u.bf16.f32 v50;
	v2 =	vadd.f32 v4, v2;
	v4 =	vld [tilespmem:s17+$0xFFFFFFF0]  }
0xa7: {  	v1 =	vadd.f32 v6, v1;
	v51 =	vunpack.i.l.bf16.f32 v5  }
0xa8: {  	v5 =	vunpack.i.u.bf16.f32 v5;
	v2 =	vadd.f32 v51, v2  }
0xa9: {  	v1 =	vadd.f32 v5, v1;
	v5 =	vunpack.i.l.bf16.f32 v3  }
0xaa: {  	s23 =	simm.s32 $0x0;
	v3 =	vunpack.i.u.bf16.f32 v3;
	v2 =	vadd.f32 v5, v2  }
0xab: {  	s19 =	sand.u32 $0x780, s23;
	v1 =	vadd.f32 v3, v1;
	v3 =	vunpack.i.l.bf16.f32 v4  }
0xac: {  	s18 =	sand.u32 $0x40, s23;
	s21 =	sor.u32 $0x9000, s19;
	v4 =	vunpack.i.u.bf16.f32 v4;
	v2 =	vadd.f32 v3, v2  }
0xad: {  	s18 =	sor.u32 s18, s21;
	v1 =	vadd.f32 v4, v1  }
0xae: {  	[tilespmem:s18+$0x0] =	vst v2  }
0xaf: {  	[tilespmem:s18+$0x10] =	vst v1  }
0xb0: {  	v1 =	vld [tilespmem:s17+$0x0]  }
0xb1: {  	v2 =	vld [tilespmem:s17+$0x10];
	_ =	sdelay $0x1  }
0xb2: {  	v3 =	vld [tilespmem:s17+$0x20];
	_ =	sdelay $0x1  }
0xb3: {  	v5 =	vld [tilespmem:s17+$0x30];
	v4 =	vunpack.i.u.bf16.f32 v1  }
0xb4: {  	v1 =	vunpack.i.l.bf16.f32 v1;
	v52 =	vunpack.i.u.bf16.f32 v2;
	v2 =	vunpack.i.l.bf16.f32 v2  }
0xb5: {  	v1 =	vadd.f32 v2, v1;
	v2 =	vadd.f32 v52, v4;
	v4 =	vld [tilespmem:s17+$0x40]  }
0xb6: {  	v53 =	vunpack.i.u.bf16.f32 v3;
	v3 =	vunpack.i.l.bf16.f32 v3  }
0xb7: {  	v1 =	vadd.f32 v3, v1;
	v3 =	vld [tilespmem:s17+$0x50]  }
0xb8: {  	v54 =	vunpack.i.u.bf16.f32 v5;
	v5 =	vunpack.i.l.bf16.f32 v5  }
0xb9: {  	v2 =	vadd.f32 v53, v2;
	v1 =	vadd.f32 v5, v1;
	v5 =	vld [tilespmem:s17+$0x60]  }
0xba: {  	v55 =	vunpack.i.u.bf16.f32 v4;
	v4 =	vunpack.i.l.bf16.f32 v4  }
0xbb: {  	v2 =	vadd.f32 v54, v2;
	v1 =	vadd.f32 v4, v1;
	v4 =	vld [tilespmem:s17+$0x70]  }
0xbc: {  	v56 =	vunpack.i.u.bf16.f32 v3;
	v3 =	vunpack.i.l.bf16.f32 v3  }
0xbd: {  	v2 =	vadd.f32 v55, v2;
	v1 =	vadd.f32 v3, v1;
	v3 =	vld [tilespmem:s17+$0x80]  }
0xbe: {  	v57 =	vunpack.i.u.bf16.f32 v5;
	v5 =	vunpack.i.l.bf16.f32 v5  }
0xbf: {  	v2 =	vadd.f32 v56, v2;
	v1 =	vadd.f32 v5, v1;
	v5 =	vld [tilespmem:s17+$0x90]  }
0xc0: {  	v58 =	vunpack.i.u.bf16.f32 v4;
	v4 =	vunpack.i.l.bf16.f32 v4  }
0xc1: {  	v2 =	vadd.f32 v57, v2;
	v1 =	vadd.f32 v4, v1;
	v4 =	vld [tilespmem:s17+$0xA0]  }
0xc2: {  	v59 =	vunpack.i.u.bf16.f32 v3;
	v3 =	vunpack.i.l.bf16.f32 v3  }
0xc3: {  	v2 =	vadd.f32 v58, v2;
	v1 =	vadd.f32 v3, v1;
	v3 =	vld [tilespmem:s17+$0xB0]  }
0xc4: {  	v60 =	vunpack.i.u.bf16.f32 v5;
	v5 =	vunpack.i.l.bf16.f32 v5  }
0xc5: {  	v2 =	vadd.f32 v59, v2;
	v1 =	vadd.f32 v5, v1;
	v5 =	vld [tilespmem:s17+$0xC0]  }
0xc6: {  	v61 =	vunpack.i.u.bf16.f32 v4;
	v4 =	vunpack.i.l.bf16.f32 v4  }
0xc7: {  	v2 =	vadd.f32 v60, v2;
	v1 =	vadd.f32 v4, v1;
	v4 =	vld [tilespmem:s17+$0xD0]  }
0xc8: {  	v62 =	vunpack.i.u.bf16.f32 v3;
	v3 =	vunpack.i.l.bf16.f32 v3  }
0xc9: {  	v2 =	vadd.f32 v61, v2;
	v1 =	vadd.f32 v3, v1  }
0xca: {  	v63 =	vunpack.i.u.bf16.f32 v5;
	v5 =	vunpack.i.l.bf16.f32 v5  }
0xcb: {  	v2 =	vadd.f32 v62, v2;
	v3 =	vld [tilespmem:s17+$0xE0];
	v1 =	vadd.f32 v5, v1  }
0xcc: {  	v5 =	vunpack.i.u.bf16.f32 v4;
	v4 =	vunpack.i.l.bf16.f32 v4  }
0xcd: {  	v2 =	vadd.f32 v63, v2;
	v4 =	vadd.f32 v4, v1;
	v1 =	vld [tilespmem:s17+$0xF0];
	_ =	sdelay $0x1  }
0xce: {  	v2 =	vadd.f32 v5, v2  }
0xcf: {  	v5 =	vunpack.i.u.bf16.f32 v3;
	v3 =	vunpack.i.l.bf16.f32 v3  }
0xd0: {  	s20 =	simm.s32 $0x20;
	s19 =	simm.s32 $0x0;
	s18 =	simm.s32 $0x20;
	v3 =	vadd.f32 v3, v4;
	v2 =	vadd.f32 v5, v2  }
.LBB2_7:
0xd1: {  	s19 =	sadd.s32 $0x2, s19;
	v4 =	vunpack.i.u.bf16.f32 v1;
	v1 =	vunpack.i.l.bf16.f32 v1;
	s18 =	sadd.s32 $0x40, s18;
	s17 =	sadd.s32 $0x200, s17  }
0xd2: {  	s22 =	sand.u32 $0x60, s20;
	p1 =	slt.u32 s19, $0x3E;
	v1 =	vadd.f32 v1, v3;
	v2 =	vadd.f32 v4, v2;
	s20 =	smov.u32 s18  }
0xd3: {  	s21 =	sor.u32 s22, s21  }
0xd4: {  	[tilespmem:s21+$0x0] =	vst v1  }
0xd5: {  	[tilespmem:s21+$0x10] =	vst v2  }
0xd6: {  	v1 =	vld [tilespmem:s17+$0xFFFFFF10]  }
0xd7: {  	v2 =	vld [tilespmem:s17+$0xFFFFFF00]  }
0xd8: {  	v3 =	vld [tilespmem:s17+$0xFFFFFF20];
	_ =	sdelay $0x2  }
0xd9: {  	v4 =	vunpack.i.l.bf16.f32 v1;
	v5 =	vld [tilespmem:s17+$0xFFFFFF30]  }
0xda: {  	v1 =	vunpack.i.u.bf16.f32 v1;
	v6 =	vunpack.i.u.bf16.f32 v2;
	v2 =	vunpack.i.l.bf16.f32 v2  }
0xdb: {  	v2 =	vadd.f32 v4, v2;
	v1 =	vadd.f32 v1, v6;
	v4 =	vld [tilespmem:s17+$0xFFFFFF40]  }
0xdc: {  	v6 =	vunpack.i.u.bf16.f32 v3;
	v3 =	vunpack.i.l.bf16.f32 v3  }
0xdd: {  	v2 =	vadd.f32 v3, v2;
	v1 =	vadd.f32 v6, v1;
	v3 =	vld [tilespmem:s17+$0xFFFFFF50]  }
0xde: {  	v6 =	vunpack.i.u.bf16.f32 v5;
	v5 =	vunpack.i.l.bf16.f32 v5  }
0xdf: {  	v2 =	vadd.f32 v5, v2;
	v1 =	vadd.f32 v6, v1;
	v5 =	vld [tilespmem:s17+$0xFFFFFF60]  }
0xe0: {  	v6 =	vunpack.i.u.bf16.f32 v4;
	v4 =	vunpack.i.l.bf16.f32 v4  }
0xe1: {  	v2 =	vadd.f32 v4, v2;
	v1 =	vadd.f32 v6, v1;
	v4 =	vld [tilespmem:s17+$0xFFFFFF70]  }
0xe2: {  	v6 =	vunpack.i.u.bf16.f32 v3;
	v3 =	vunpack.i.l.bf16.f32 v3  }
0xe3: {  	v2 =	vadd.f32 v3, v2;
	v1 =	vadd.f32 v6, v1;
	v3 =	vld [tilespmem:s17+$0xFFFFFF80]  }
0xe4: {  	v6 =	vunpack.i.u.bf16.f32 v5;
	v5 =	vunpack.i.l.bf16.f32 v5  }
0xe5: {  	v2 =	vadd.f32 v5, v2;
	v1 =	vadd.f32 v6, v1;
	v5 =	vld [tilespmem:s17+$0xFFFFFF90]  }
0xe6: {  	v6 =	vunpack.i.u.bf16.f32 v4;
	v4 =	vunpack.i.l.bf16.f32 v4  }
0xe7: {  	v2 =	vadd.f32 v4, v2;
	v1 =	vadd.f32 v6, v1;
	v4 =	vld [tilespmem:s17+$0xFFFFFFA0]  }
0xe8: {  	v6 =	vunpack.i.u.bf16.f32 v3;
	v3 =	vunpack.i.l.bf16.f32 v3  }
0xe9: {  	v2 =	vadd.f32 v3, v2;
	v1 =	vadd.f32 v6, v1;
	v3 =	vld [tilespmem:s17+$0xFFFFFFB0]  }
0xea: {  	v6 =	vunpack.i.u.bf16.f32 v5;
	v5 =	vunpack.i.l.bf16.f32 v5  }
0xeb: {  	v2 =	vadd.f32 v5, v2;
	v1 =	vadd.f32 v6, v1;
	v5 =	vld [tilespmem:s17+$0xFFFFFFC0]  }
0xec: {  	v6 =	vunpack.i.u.bf16.f32 v4;
	v4 =	vunpack.i.l.bf16.f32 v4  }
0xed: {  	v2 =	vadd.f32 v4, v2;
	v1 =	vadd.f32 v6, v1;
	v4 =	vld [tilespmem:s17+$0xFFFFFFD0]  }
0xee: {  	v6 =	vunpack.i.u.bf16.f32 v3;
	v3 =	vunpack.i.l.bf16.f32 v3  }
0xef: {  	v2 =	vadd.f32 v3, v2;
	v1 =	vadd.f32 v6, v1;
	v3 =	vld [tilespmem:s17+$0xFFFFFFE0]  }
0xf0: {  	v6 =	vunpack.i.u.bf16.f32 v5;
	v5 =	vunpack.i.l.bf16.f32 v5  }
0xf1: {  	v2 =	vadd.f32 v5, v2;
	v1 =	vadd.f32 v6, v1;
	v5 =	vld [tilespmem:s17+$0xFFFFFFF0]  }
0xf2: {  	v6 =	vunpack.i.u.bf16.f32 v4;
	v4 =	vunpack.i.l.bf16.f32 v4  }
0xf3: {  	v2 =	vadd.f32 v4, v2;
	v1 =	vadd.f32 v6, v1  }
0xf4: {  	v4 =	vunpack.i.u.bf16.f32 v3;
	v3 =	vunpack.i.l.bf16.f32 v3  }
0xf5: {  	s21 =	sadd.s32 $0xFFFFFFE0, s18;
	v2 =	vadd.f32 v3, v2;
	v1 =	vadd.f32 v4, v1  }
0xf6: {  	s22 =	sand.u32 $0x780, s21;
	v3 =	vunpack.i.u.bf16.f32 v5;
	v4 =	vunpack.i.l.bf16.f32 v5  }
0xf7: {  	s23 =	sand.u32 $0x40, s21;
	s21 =	sor.u32 $0x9000, s22;
	v2 =	vadd.f32 v4, v2;
	v1 =	vadd.f32 v3, v1  }
0xf8: {  	s22 =	sor.u32 s23, s21  }
0xf9: {  	[tilespmem:s22+$0x0] =	vst v2  }
0xfa: {  	[tilespmem:s22+$0x10] =	vst v1  }
0xfb: {  	v1 =	vld [tilespmem:s17+$0x0]  }
0xfc: {  	v2 =	vld [tilespmem:s17+$0x10];
	_ =	sdelay $0x1  }
0xfd: {  	v3 =	vld [tilespmem:s17+$0x20];
	_ =	sdelay $0x1  }
0xfe: {  	v4 =	vunpack.i.u.bf16.f32 v1;
	v1 =	vunpack.i.l.bf16.f32 v1;
	v5 =	vld [tilespmem:s17+$0x30]  }
0xff: {  	v6 =	vunpack.i.u.bf16.f32 v2;
	v2 =	vunpack.i.l.bf16.f32 v2  }
0x100: {  	v1 =	vadd.f32 v2, v1;
	v2 =	vadd.f32 v6, v4;
	v4 =	vld [tilespmem:s17+$0x40]  }
0x101: {  	v6 =	vunpack.i.u.bf16.f32 v3;
	v3 =	vunpack.i.l.bf16.f32 v3  }
0x102: {  	v1 =	vadd.f32 v3, v1;
	v2 =	vadd.f32 v6, v2;
	v3 =	vld [tilespmem:s17+$0x50]  }
0x103: {  	v6 =	vunpack.i.u.bf16.f32 v5;
	v5 =	vunpack.i.l.bf16.f32 v5  }
0x104: {  	v1 =	vadd.f32 v5, v1;
	v2 =	vadd.f32 v6, v2;
	v5 =	vld [tilespmem:s17+$0x60]  }
0x105: {  	v6 =	vunpack.i.u.bf16.f32 v4;
	v4 =	vunpack.i.l.bf16.f32 v4  }
0x106: {  	v1 =	vadd.f32 v4, v1;
	v2 =	vadd.f32 v6, v2;
	v4 =	vld [tilespmem:s17+$0x70]  }
0x107: {  	v6 =	vunpack.i.u.bf16.f32 v3;
	v3 =	vunpack.i.l.bf16.f32 v3  }
0x108: {  	v1 =	vadd.f32 v3, v1;
	v2 =	vadd.f32 v6, v2;
	v3 =	vld [tilespmem:s17+$0x80]  }
0x109: {  	v6 =	vunpack.i.u.bf16.f32 v5;
	v5 =	vunpack.i.l.bf16.f32 v5  }
0x10a: {  	v1 =	vadd.f32 v5, v1;
	v2 =	vadd.f32 v6, v2;
	v5 =	vld [tilespmem:s17+$0x90]  }
0x10b: {  	v6 =	vunpack.i.u.bf16.f32 v4;
	v4 =	vunpack.i.l.bf16.f32 v4  }
0x10c: {  	v1 =	vadd.f32 v4, v1;
	v2 =	vadd.f32 v6, v2;
	v4 =	vld [tilespmem:s17+$0xA0]  }
0x10d: {  	v6 =	vunpack.i.u.bf16.f32 v3;
	v3 =	vunpack.i.l.bf16.f32 v3  }
0x10e: {  	v1 =	vadd.f32 v3, v1;
	v2 =	vadd.f32 v6, v2;
	v3 =	vld [tilespmem:s17+$0xB0]  }
0x10f: {  	v6 =	vunpack.i.u.bf16.f32 v5;
	v5 =	vunpack.i.l.bf16.f32 v5  }
0x110: {  	v1 =	vadd.f32 v5, v1;
	v2 =	vadd.f32 v6, v2;
	v5 =	vld [tilespmem:s17+$0xC0]  }
0x111: {  	v6 =	vunpack.i.u.bf16.f32 v4;
	v4 =	vunpack.i.l.bf16.f32 v4  }
0x112: {  	v1 =	vadd.f32 v4, v1;
	v2 =	vadd.f32 v6, v2;
	v4 =	vld [tilespmem:s17+$0xD0]  }
0x113: {  	v6 =	vunpack.i.u.bf16.f32 v3;
	v3 =	vunpack.i.l.bf16.f32 v3  }
0x114: {  	v1 =	vadd.f32 v3, v1;
	v2 =	vadd.f32 v6, v2;
	v3 =	vld [tilespmem:s17+$0xE0]  }
0x115: {  	v6 =	vunpack.i.u.bf16.f32 v5;
	v5 =	vunpack.i.l.bf16.f32 v5  }
.Ltmp2:
0x116: {  	v5 =	vadd.f32 v5, v1;
	v2 =	vadd.f32 v6, v2;
	v1 =	vld [tilespmem:s17+$0xF0];
	(pc) =	sbr.rel @p1 .LBB2_7-.Ltmp2, $4  }
0x117: {  	v6 =	vunpack.i.u.bf16.f32 v4;
	v4 =	vunpack.i.l.bf16.f32 v4  }
0x118: {  	v4 =	vadd.f32 v4, v5;
	v2 =	vadd.f32 v6, v2  }
0x119: {  	v5 =	vunpack.i.u.bf16.f32 v3;
	v3 =	vunpack.i.l.bf16.f32 v3  }
0x11a: {  	v3 =	vadd.f32 v3, v4;
	v2 =	vadd.f32 v5, v2  }
0x11b: {  	v4 =	vunpack.i.l.bf16.f32 v1  }
0x11c: {  	v1 =	vunpack.i.u.bf16.f32 v1;
	s17 =	sand.u32 $0x60, s20;
	s18 =	sadd.s32 s4, s16;
	v3 =	vadd.f32 v4, v3  }
0x11d: {  	v1 =	vadd.f32 v1, v2;
	s17 =	sor.u32 s17, s21;
	s18 =	smin.u32 s18, $0xC310  }
0x11e: {  	s18 =	sshll.u32 s18, $0x2;
	[tilespmem:s17+$0x0] =	vst v3  }
0x11f: {  	[tilespmem:s17+$0x10] =	vst v1;
	s22 =	sadd.s32 s2, s18  }
0x120: {  	[hbm4b:s22+s3] =	stream.linear.scatter [tilespmem:s7], [sflag:$0x5], $0x800, $0x38;
	[tilespmem:$0xA000] =	vst v63  }
0x121: {  	_ =	swait.ge [sflag:s14], $0x400  }
0x122: {  	[sflag:s14] =	ssyncset.done $0x0  }
0x123: {  	s23 =	simm.s32 $0x20;
	[sflag:s14] =	ssyncadd.s32 $0xFFFFFC00  }
0x124: {  	v1 =	vld [tilespmem:s23+$0xFFFFFFE0];
	_ =	sdelay $0x4  }
0x125: {  	v1 =	vshll.u32 v1, $0x4  }
0x126: {  	s17 =	simm.s32 $0x820;
	v1 =	vor.u32 v0, v1  }
0x127: {  	[tilespmem:s17+$0xFFFFFFE0] =	vst v1  }
0x128: {  	v1 =	vld [tilespmem:s23+$0xFFFFFFF0];
	_ =	sdelay $0x4  }
0x129: {  	v1 =	vshll.u32 v1, $0x4  }
0x12a: {  	v1 =	vor.u32 v0, v1  }
0x12b: {  	[tilespmem:s17+$0xFFFFFFF0] =	vst v1  }
0x12c: {  	v1 =	vld [tilespmem:s23+$0x0];
	_ =	sdelay $0x4  }
0x12d: {  	v1 =	vshll.u32 v1, $0x4  }
0x12e: {  	v1 =	vor.u32 v0, v1  }
0x12f: {  	[tilespmem:s17+$0x0] =	vst v1  }
0x130: {  	v1 =	vld [tilespmem:s23+$0x10];
	_ =	sdelay $0x4  }
0x131: {  	v1 =	vshll.u32 v1, $0x4  }
0x132: {  	v1 =	vor.u32 v0, v1  }
0x133: {  	s19 =	simm.s32 $0x60;
	s18 =	simm.s32 $0x0;
	[tilespmem:s17+$0x10] =	vst v1  }
.LBB2_9:
0x134: {  	v1 =	vld [tilespmem:s19+$0xFFFFFFE0];
	s18 =	sadd.s32 $0x4, s18  }
0x135: {  	p1 =	slt.u32 s18, $0x3C;
	_ =	sdelay $0x3  }
0x136: {  	v1 =	vshll.u32 v1, $0x4  }
0x137: {  	s17 =	sadd.s32 $0x40, s17;
	v1 =	vor.u32 v0, v1  }
0x138: {  	[tilespmem:s17+$0xFFFFFFE0] =	vst v1  }
0x139: {  	v1 =	vld [tilespmem:s19+$0xFFFFFFF0];
	_ =	sdelay $0x4  }
0x13a: {  	v1 =	vshll.u32 v1, $0x4  }
0x13b: {  	v1 =	vor.u32 v0, v1  }
0x13c: {  	[tilespmem:s17+$0xFFFFFFF0] =	vst v1  }
0x13d: {  	v1 =	vld [tilespmem:s19+$0x0];
	_ =	sdelay $0x4  }
0x13e: {  	v1 =	vshll.u32 v1, $0x4  }
0x13f: {  	v1 =	vor.u32 v0, v1  }
0x140: {  	[tilespmem:s17+$0x0] =	vst v1  }
0x141: {  	v1 =	vld [tilespmem:s19+$0x10];
	_ =	sdelay $0x2  }
.Ltmp3:
0x142: {  	(pc) =	sbr.rel @p1 .LBB2_9-.Ltmp3, $4  }
0x143: {  	_ = 	snop  }
0x144: {  	v1 =	vshll.u32 v1, $0x4  }
0x145: {  	v1 =	vor.u32 v0, v1  }
0x146: {  	s19 =	sadd.s32 $0x40, s19;
	[tilespmem:s17+$0x10] =	vst v1  }
0x147: {  	s17 =	simm.s32 $0x800;
	s18 =	simm.s32 $0x1000  }
0x148: {  	[tilespmem:s18], [sflag:$0x3] =	stream.indirect.gather [hbm4b:s5+s15], $0x10, s17, s15, $0xb8;
	[tilespmem:$0xA000] =	vst v63  }
0x149: {  	s19 =	simm.s32 $0x1800;
	s18 =	simm.s32 $0x880  }
0x14a: {  	[tilespmem:s19], [sflag:$0x3] =	stream.indirect.gather [hbm4b:s5+s15], $0x10, s18, s15, $0xb8;
	[tilespmem:$0xA000] =	vst v63  }
0x14b: {  	s20 =	simm.s32 $0x900;
	s21 =	simm.s32 $0x2000  }
0x14c: {  	[tilespmem:s21], [sflag:$0x3] =	stream.indirect.gather [hbm4b:s5+s15], $0x10, s20, s15, $0xb8;
	[tilespmem:$0xA000] =	vst v63  }
0x14d: {  	s22 =	simm.s32 $0x980;
	s23 =	simm.s32 $0x2800  }
0x14e: {  	[tilespmem:s23], [sflag:$0x3] =	stream.indirect.gather [hbm4b:s5+s15], $0x10, s22, s15, $0xb8;
	[tilespmem:$0xA000] =	vst v63  }
0x14f: {  	_ = 	snop  }
0x150: {  	[tilespmem:s25], [sflag:$0x3] =	stream.indirect.gather [hbm4b:s5+s15], $0x10, s24, s15, $0xb8;
	[tilespmem:$0xA000] =	vst v63  }
0x151: {  	p1 =	sne.s32 s12, $0xB  }
0x152: {  	[tilespmem:s28], [sflag:$0x3] =	stream.indirect.gather [hbm4b:s5+s15], $0x10, s26, s15, $0xb8;
	[tilespmem:$0xA000] =	vst v63  }
.Ltmp4:
0x153: {  	_ = 	snop;
	(pc) =	sbr.rel @p1 .LBB2_12-.Ltmp4, $4  }
0x154: {  	_ = 	snop  }
0x155: {  	[tilespmem:s30], [sflag:$0x3] =	stream.indirect.gather [hbm4b:s5+s15], $0x10, s29, s15, $0xb8;
	[tilespmem:$0xA000] =	vst v63  }
0x156: {  	_ = 	snop  }
0x157: {  	[tilespmem:s1], [sflag:$0x3] =	stream.indirect.gather [hbm4b:s5+s15], $0x10, s31, s15, $0xb8;
	[tilespmem:$0xA000] =	vst v63  }
.Ltmp5:
0x158: {  	(pc) =	sbr.rel .LBB2_13-.Ltmp5, $4  }
0x159: {  	_ = 	snop  }
0x15a: {  	_ =	swait.ge [sflag:s0], $0x4000  }
0x15b: {  	[sflag:s0] =	ssyncset.done $0x0  }
0x15c: {  	[sflag:s0] =	ssyncadd.s32 $0xFFFFC000  }
.LBB2_12:
0x15d: {  	s17 =	rddreg [dreg:$0x5]  }
0x15e: {  	s17 =	sadd.s32 s16, s17  }
0x15f: {  	s17 =	smin.u32 s17, $0xC310  }
0x160: {  	s17 =	sshll.u32 s17, $0x1  }
.Ltmp6:
0x161: {  	s18 =	simm.s32 $0x400;
	s17 =	sadd.s32 s6, s17;
	(pc) =	sbr.rel @p0 .LBB2_14-.Ltmp6, $4  }
0x162: {  	[tilespmem:s18], [sflag:$0x2] =	stream.linear.gather [hbm4b:s17+s3], $0x400, $0x38;
	[tilespmem:$0xA000] =	vst v63  }
0x163: {  	_ =	swait.ge [sflag:s0], $0x4000  }
0x164: {  	[sflag:s0] =	ssyncset.done $0x0  }
0x165: {  	[sflag:s0] =	ssyncadd.s32 $0xFFFFC000  }
.LBB2_13:
0x166: {  	_ =	swait.ge [sflag:s10], $0x800  }
0x167: {  	[sflag:s10] =	ssyncset.done $0x0  }
0x168: {  	[sflag:s10] =	ssyncadd.s32 $0xFFFFF800  }
.LBB2_14:
0x169: {  	s17 =	simm.s32 $0x51F0  }
0x16a: {  	v1 =	vld [tilespmem:s17+$0xFFFFFE20]  }
0x16b: {  	v2 =	vld [tilespmem:s17+$0xFFFFFE10];
	_ =	sdelay $0x1  }
0x16c: {  	v3 =	vld [tilespmem:s17+$0xFFFFFE30];
	_ =	sdelay $0x1  }
0x16d: {  	v4 =	vld [tilespmem:s17+$0xFFFFFE40]  }
0x16e: {  	v5 =	vunpack.i.l.bf16.f32 v1;
	v6 =	vunpack.i.l.bf16.f32 v2  }
0x16f: {  	v46 =	vld [tilespmem:s17+$0xFFFFFE50];
	v2 =	vunpack.i.u.bf16.f32 v2;
	v1 =	vunpack.i.u.bf16.f32 v1;
	v5 =	vadd.f32 v5, v6  }
0x170: {  	v1 =	vadd.f32 v1, v2;
	v2 =	vunpack.i.l.bf16.f32 v3  }
0x171: {  	v3 =	vunpack.i.u.bf16.f32 v3;
	v2 =	vadd.f32 v2, v5;
	v5 =	vld [tilespmem:s17+$0xFFFFFE60]  }
0x172: {  	v1 =	vadd.f32 v3, v1;
	v3 =	vunpack.i.l.bf16.f32 v4  }
0x173: {  	v4 =	vunpack.i.u.bf16.f32 v4;
	v2 =	vadd.f32 v3, v2;
	v3 =	vld [tilespmem:s17+$0xFFFFFE70]  }
0x174: {  	v1 =	vadd.f32 v4, v1;
	v4 =	vunpack.i.l.bf16.f32 v46  }
0x175: {  	v6 =	vunpack.i.u.bf16.f32 v46;
	v2 =	vadd.f32 v4, v2;
	v4 =	vld [tilespmem:s17+$0xFFFFFE80]  }
0x176: {  	v1 =	vadd.f32 v6, v1;
	v47 =	vunpack.i.l.bf16.f32 v5  }
0x177: {  	v48 =	vld [tilespmem:s17+$0xFFFFFE90];
	v5 =	vunpack.i.u.bf16.f32 v5;
	v2 =	vadd.f32 v47, v2  }
0x178: {  	v1 =	vadd.f32 v5, v1;
	v5 =	vunpack.i.l.bf16.f32 v3  }
0x179: {  	v3 =	vunpack.i.u.bf16.f32 v3;
	v2 =	vadd.f32 v5, v2;
	v5 =	vld [tilespmem:s17+$0xFFFFFEA0]  }
0x17a: {  	v1 =	vadd.f32 v3, v1;
	v3 =	vunpack.i.l.bf16.f32 v4  }
0x17b: {  	v4 =	vunpack.i.u.bf16.f32 v4;
	v2 =	vadd.f32 v3, v2;
	v3 =	vld [tilespmem:s17+$0xFFFFFEB0]  }
0x17c: {  	v1 =	vadd.f32 v4, v1;
	v4 =	vunpack.i.l.bf16.f32 v48  }
0x17d: {  	v6 =	vunpack.i.u.bf16.f32 v48;
	v2 =	vadd.f32 v4, v2;
	v4 =	vld [tilespmem:s17+$0xFFFFFEC0]  }
0x17e: {  	v1 =	vadd.f32 v6, v1;
	v49 =	vunpack.i.l.bf16.f32 v5  }
0x17f: {  	v50 =	vld [tilespmem:s17+$0xFFFFFED0];
	v5 =	vunpack.i.u.bf16.f32 v5;
	v2 =	vadd.f32 v49, v2  }
0x180: {  	v1 =	vadd.f32 v5, v1;
	v5 =	vunpack.i.l.bf16.f32 v3  }
0x181: {  	v3 =	vunpack.i.u.bf16.f32 v3;
	v2 =	vadd.f32 v5, v2;
	v5 =	vld [tilespmem:s17+$0xFFFFFEE0]  }
0x182: {  	v1 =	vadd.f32 v3, v1;
	v3 =	vunpack.i.l.bf16.f32 v4  }
0x183: {  	v4 =	vunpack.i.u.bf16.f32 v4;
	v2 =	vadd.f32 v3, v2;
	v3 =	vld [tilespmem:s17+$0xFFFFFEF0]  }
0x184: {  	v1 =	vadd.f32 v4, v1;
	v4 =	vunpack.i.l.bf16.f32 v50  }
0x185: {  	v6 =	vunpack.i.u.bf16.f32 v50;
	v2 =	vadd.f32 v4, v2;
	v4 =	vld [tilespmem:s17+$0xFFFFFF00]  }
0x186: {  	v1 =	vadd.f32 v6, v1;
	v51 =	vunpack.i.l.bf16.f32 v5  }
0x187: {  	v5 =	vunpack.i.u.bf16.f32 v5;
	v2 =	vadd.f32 v51, v2  }
0x188: {  	v1 =	vadd.f32 v5, v1;
	v5 =	vunpack.i.l.bf16.f32 v3  }
0x189: {  	s18 =	simm.s32 $0x0;
	v3 =	vunpack.i.u.bf16.f32 v3;
	v2 =	vadd.f32 v5, v2  }
0x18a: {  	s19 =	sand.u32 $0x780, s18;
	v1 =	vadd.f32 v3, v1;
	v3 =	vunpack.i.l.bf16.f32 v4  }
0x18b: {  	s18 =	sand.u32 $0x40, s18;
	s21 =	sor.u32 $0x9800, s19;
	v4 =	vunpack.i.u.bf16.f32 v4;
	v2 =	vadd.f32 v3, v2  }
0x18c: {  	s18 =	sor.u32 s18, s21;
	v1 =	vadd.f32 v4, v1  }
0x18d: {  	[tilespmem:s18+$0x0] =	vst v2  }
0x18e: {  	[tilespmem:s18+$0x10] =	vst v1  }
0x18f: {  	v1 =	vld [tilespmem:s17+$0xFFFFFF10]  }
0x190: {  	v2 =	vld [tilespmem:s17+$0xFFFFFF20];
	_ =	sdelay $0x1  }
0x191: {  	v3 =	vld [tilespmem:s17+$0xFFFFFF30];
	_ =	sdelay $0x1  }
0x192: {  	v5 =	vld [tilespmem:s17+$0xFFFFFF40];
	v4 =	vunpack.i.u.bf16.f32 v1  }
0x193: {  	v1 =	vunpack.i.l.bf16.f32 v1;
	v52 =	vunpack.i.u.bf16.f32 v2;
	v2 =	vunpack.i.l.bf16.f32 v2  }
0x194: {  	v1 =	vadd.f32 v2, v1;
	v2 =	vadd.f32 v52, v4;
	v4 =	vld [tilespmem:s17+$0xFFFFFF50]  }
0x195: {  	v53 =	vunpack.i.u.bf16.f32 v3;
	v3 =	vunpack.i.l.bf16.f32 v3  }
0x196: {  	v1 =	vadd.f32 v3, v1;
	v3 =	vld [tilespmem:s17+$0xFFFFFF60]  }
0x197: {  	v54 =	vunpack.i.u.bf16.f32 v5;
	v5 =	vunpack.i.l.bf16.f32 v5  }
0x198: {  	v2 =	vadd.f32 v53, v2;
	v1 =	vadd.f32 v5, v1;
	v5 =	vld [tilespmem:s17+$0xFFFFFF70]  }
0x199: {  	v55 =	vunpack.i.u.bf16.f32 v4;
	v4 =	vunpack.i.l.bf16.f32 v4  }
0x19a: {  	v2 =	vadd.f32 v54, v2;
	v1 =	vadd.f32 v4, v1;
	v4 =	vld [tilespmem:s17+$0xFFFFFF80]  }
0x19b: {  	v56 =	vunpack.i.u.bf16.f32 v3;
	v3 =	vunpack.i.l.bf16.f32 v3  }
0x19c: {  	v2 =	vadd.f32 v55, v2;
	v1 =	vadd.f32 v3, v1;
	v3 =	vld [tilespmem:s17+$0xFFFFFF90]  }
0x19d: {  	v57 =	vunpack.i.u.bf16.f32 v5;
	v5 =	vunpack.i.l.bf16.f32 v5  }
0x19e: {  	v2 =	vadd.f32 v56, v2;
	v1 =	vadd.f32 v5, v1;
	v5 =	vld [tilespmem:s17+$0xFFFFFFA0]  }
0x19f: {  	v58 =	vunpack.i.u.bf16.f32 v4;
	v4 =	vunpack.i.l.bf16.f32 v4  }
0x1a0: {  	v2 =	vadd.f32 v57, v2;
	v1 =	vadd.f32 v4, v1;
	v4 =	vld [tilespmem:s17+$0xFFFFFFB0]  }
0x1a1: {  	v59 =	vunpack.i.u.bf16.f32 v3;
	v3 =	vunpack.i.l.bf16.f32 v3  }
0x1a2: {  	v2 =	vadd.f32 v58, v2;
	v1 =	vadd.f32 v3, v1;
	v3 =	vld [tilespmem:s17+$0xFFFFFFC0]  }
0x1a3: {  	v60 =	vunpack.i.u.bf16.f32 v5;
	v5 =	vunpack.i.l.bf16.f32 v5  }
0x1a4: {  	v2 =	vadd.f32 v59, v2;
	v1 =	vadd.f32 v5, v1;
	v5 =	vld [tilespmem:s17+$0xFFFFFFD0]  }
0x1a5: {  	v61 =	vunpack.i.u.bf16.f32 v4;
	v4 =	vunpack.i.l.bf16.f32 v4  }
0x1a6: {  	v2 =	vadd.f32 v60, v2;
	v1 =	vadd.f32 v4, v1;
	v4 =	vld [tilespmem:s17+$0xFFFFFFE0]  }
0x1a7: {  	v62 =	vunpack.i.u.bf16.f32 v3;
	v3 =	vunpack.i.l.bf16.f32 v3  }
0x1a8: {  	v2 =	vadd.f32 v61, v2;
	v1 =	vadd.f32 v3, v1  }
0x1a9: {  	v63 =	vunpack.i.u.bf16.f32 v5;
	v5 =	vunpack.i.l.bf16.f32 v5  }
0x1aa: {  	v2 =	vadd.f32 v62, v2;
	v3 =	vld [tilespmem:s17+$0xFFFFFFF0];
	v1 =	vadd.f32 v5, v1  }
0x1ab: {  	v5 =	vunpack.i.u.bf16.f32 v4;
	v4 =	vunpack.i.l.bf16.f32 v4  }
0x1ac: {  	v2 =	vadd.f32 v63, v2;
	v4 =	vadd.f32 v4, v1;
	v1 =	vld [tilespmem:s17+$0x0];
	_ =	sdelay $0x1  }
0x1ad: {  	v2 =	vadd.f32 v5, v2  }
0x1ae: {  	v5 =	vunpack.i.u.bf16.f32 v3;
	v3 =	vunpack.i.l.bf16.f32 v3  }
0x1af: {  	s20 =	simm.s32 $0x20;
	s19 =	simm.s32 $0x0;
	s18 =	simm.s32 $0x20;
	v3 =	vadd.f32 v3, v4;
	v2 =	vadd.f32 v5, v2  }
.LBB2_15:
0x1b0: {  	s19 =	sadd.s32 $0x2, s19;
	v4 =	vunpack.i.u.bf16.f32 v1;
	v1 =	vunpack.i.l.bf16.f32 v1;
	s18 =	sadd.s32 $0x40, s18;
	s17 =	sadd.s32 $0x200, s17  }
0x1b1: {  	s22 =	sand.u32 $0x60, s20;
	p0 =	slt.u32 s19, $0x3E;
	v1 =	vadd.f32 v1, v3;
	v2 =	vadd.f32 v4, v2;
	s20 =	smov.u32 s18  }
0x1b2: {  	s21 =	sor.u32 s22, s21  }
0x1b3: {  	[tilespmem:s21+$0x0] =	vst v1  }
0x1b4: {  	[tilespmem:s21+$0x10] =	vst v2  }
0x1b5: {  	v1 =	vld [tilespmem:s17+$0xFFFFFE20]  }
0x1b6: {  	v2 =	vld [tilespmem:s17+$0xFFFFFE10]  }
0x1b7: {  	v3 =	vld [tilespmem:s17+$0xFFFFFE30];
	_ =	sdelay $0x2  }
0x1b8: {  	v4 =	vunpack.i.l.bf16.f32 v1;
	v5 =	vld [tilespmem:s17+$0xFFFFFE40]  }
0x1b9: {  	v1 =	vunpack.i.u.bf16.f32 v1;
	v6 =	vunpack.i.u.bf16.f32 v2;
	v2 =	vunpack.i.l.bf16.f32 v2  }
0x1ba: {  	v2 =	vadd.f32 v4, v2;
	v1 =	vadd.f32 v1, v6;
	v4 =	vld [tilespmem:s17+$0xFFFFFE50]  }
0x1bb: {  	v6 =	vunpack.i.u.bf16.f32 v3;
	v3 =	vunpack.i.l.bf16.f32 v3  }
0x1bc: {  	v2 =	vadd.f32 v3, v2;
	v1 =	vadd.f32 v6, v1;
	v3 =	vld [tilespmem:s17+$0xFFFFFE60]  }
0x1bd: {  	v6 =	vunpack.i.u.bf16.f32 v5;
	v5 =	vunpack.i.l.bf16.f32 v5  }
0x1be: {  	v2 =	vadd.f32 v5, v2;
	v1 =	vadd.f32 v6, v1;
	v5 =	vld [tilespmem:s17+$0xFFFFFE70]  }
0x1bf: {  	v6 =	vunpack.i.u.bf16.f32 v4;
	v4 =	vunpack.i.l.bf16.f32 v4  }
0x1c0: {  	v2 =	vadd.f32 v4, v2;
	v1 =	vadd.f32 v6, v1;
	v4 =	vld [tilespmem:s17+$0xFFFFFE80]  }
0x1c1: {  	v6 =	vunpack.i.u.bf16.f32 v3;
	v3 =	vunpack.i.l.bf16.f32 v3  }
0x1c2: {  	v2 =	vadd.f32 v3, v2;
	v1 =	vadd.f32 v6, v1;
	v3 =	vld [tilespmem:s17+$0xFFFFFE90]  }
0x1c3: {  	v6 =	vunpack.i.u.bf16.f32 v5;
	v5 =	vunpack.i.l.bf16.f32 v5  }
0x1c4: {  	v2 =	vadd.f32 v5, v2;
	v1 =	vadd.f32 v6, v1;
	v5 =	vld [tilespmem:s17+$0xFFFFFEA0]  }
0x1c5: {  	v6 =	vunpack.i.u.bf16.f32 v4;
	v4 =	vunpack.i.l.bf16.f32 v4  }
0x1c6: {  	v2 =	vadd.f32 v4, v2;
	v1 =	vadd.f32 v6, v1;
	v4 =	vld [tilespmem:s17+$0xFFFFFEB0]  }
0x1c7: {  	v6 =	vunpack.i.u.bf16.f32 v3;
	v3 =	vunpack.i.l.bf16.f32 v3  }
0x1c8: {  	v2 =	vadd.f32 v3, v2;
	v1 =	vadd.f32 v6, v1;
	v3 =	vld [tilespmem:s17+$0xFFFFFEC0]  }
0x1c9: {  	v6 =	vunpack.i.u.bf16.f32 v5;
	v5 =	vunpack.i.l.bf16.f32 v5  }
0x1ca: {  	v2 =	vadd.f32 v5, v2;
	v1 =	vadd.f32 v6, v1;
	v5 =	vld [tilespmem:s17+$0xFFFFFED0]  }
0x1cb: {  	v6 =	vunpack.i.u.bf16.f32 v4;
	v4 =	vunpack.i.l.bf16.f32 v4  }
0x1cc: {  	v2 =	vadd.f32 v4, v2;
	v1 =	vadd.f32 v6, v1;
	v4 =	vld [tilespmem:s17+$0xFFFFFEE0]  }
0x1cd: {  	v6 =	vunpack.i.u.bf16.f32 v3;
	v3 =	vunpack.i.l.bf16.f32 v3  }
0x1ce: {  	v2 =	vadd.f32 v3, v2;
	v1 =	vadd.f32 v6, v1;
	v3 =	vld [tilespmem:s17+$0xFFFFFEF0]  }
0x1cf: {  	v6 =	vunpack.i.u.bf16.f32 v5;
	v5 =	vunpack.i.l.bf16.f32 v5  }
0x1d0: {  	v2 =	vadd.f32 v5, v2;
	v1 =	vadd.f32 v6, v1;
	v5 =	vld [tilespmem:s17+$0xFFFFFF00]  }
0x1d1: {  	v6 =	vunpack.i.u.bf16.f32 v4;
	v4 =	vunpack.i.l.bf16.f32 v4  }
0x1d2: {  	v2 =	vadd.f32 v4, v2;
	v1 =	vadd.f32 v6, v1  }
0x1d3: {  	v4 =	vunpack.i.u.bf16.f32 v3;
	v3 =	vunpack.i.l.bf16.f32 v3  }
0x1d4: {  	s21 =	sadd.s32 $0xFFFFFFE0, s18;
	v2 =	vadd.f32 v3, v2;
	v1 =	vadd.f32 v4, v1  }
0x1d5: {  	s22 =	sand.u32 $0x780, s21;
	v3 =	vunpack.i.u.bf16.f32 v5;
	v4 =	vunpack.i.l.bf16.f32 v5  }
0x1d6: {  	s23 =	sand.u32 $0x40, s21;
	s21 =	sor.u32 $0x9800, s22;
	v2 =	vadd.f32 v4, v2;
	v1 =	vadd.f32 v3, v1  }
0x1d7: {  	s22 =	sor.u32 s23, s21  }
0x1d8: {  	[tilespmem:s22+$0x0] =	vst v2  }
0x1d9: {  	[tilespmem:s22+$0x10] =	vst v1  }
0x1da: {  	v1 =	vld [tilespmem:s17+$0xFFFFFF10]  }
0x1db: {  	v2 =	vld [tilespmem:s17+$0xFFFFFF20];
	_ =	sdelay $0x1  }
0x1dc: {  	v3 =	vld [tilespmem:s17+$0xFFFFFF30];
	_ =	sdelay $0x1  }
0x1dd: {  	v4 =	vunpack.i.u.bf16.f32 v1;
	v1 =	vunpack.i.l.bf16.f32 v1;
	v5 =	vld [tilespmem:s17+$0xFFFFFF40]  }
0x1de: {  	v6 =	vunpack.i.u.bf16.f32 v2;
	v2 =	vunpack.i.l.bf16.f32 v2  }
0x1df: {  	v1 =	vadd.f32 v2, v1;
	v2 =	vadd.f32 v6, v4;
	v4 =	vld [tilespmem:s17+$0xFFFFFF50]  }
0x1e0: {  	v6 =	vunpack.i.u.bf16.f32 v3;
	v3 =	vunpack.i.l.bf16.f32 v3  }
0x1e1: {  	v1 =	vadd.f32 v3, v1;
	v2 =	vadd.f32 v6, v2;
	v3 =	vld [tilespmem:s17+$0xFFFFFF60]  }
0x1e2: {  	v6 =	vunpack.i.u.bf16.f32 v5;
	v5 =	vunpack.i.l.bf16.f32 v5  }
0x1e3: {  	v1 =	vadd.f32 v5, v1;
	v2 =	vadd.f32 v6, v2;
	v5 =	vld [tilespmem:s17+$0xFFFFFF70]  }
0x1e4: {  	v6 =	vunpack.i.u.bf16.f32 v4;
	v4 =	vunpack.i.l.bf16.f32 v4  }
0x1e5: {  	v1 =	vadd.f32 v4, v1;
	v2 =	vadd.f32 v6, v2;
	v4 =	vld [tilespmem:s17+$0xFFFFFF80]  }
0x1e6: {  	v6 =	vunpack.i.u.bf16.f32 v3;
	v3 =	vunpack.i.l.bf16.f32 v3  }
0x1e7: {  	v1 =	vadd.f32 v3, v1;
	v2 =	vadd.f32 v6, v2;
	v3 =	vld [tilespmem:s17+$0xFFFFFF90]  }
0x1e8: {  	v6 =	vunpack.i.u.bf16.f32 v5;
	v5 =	vunpack.i.l.bf16.f32 v5  }
0x1e9: {  	v1 =	vadd.f32 v5, v1;
	v2 =	vadd.f32 v6, v2;
	v5 =	vld [tilespmem:s17+$0xFFFFFFA0]  }
0x1ea: {  	v6 =	vunpack.i.u.bf16.f32 v4;
	v4 =	vunpack.i.l.bf16.f32 v4  }
0x1eb: {  	v1 =	vadd.f32 v4, v1;
	v2 =	vadd.f32 v6, v2;
	v4 =	vld [tilespmem:s17+$0xFFFFFFB0]  }
0x1ec: {  	v6 =	vunpack.i.u.bf16.f32 v3;
	v3 =	vunpack.i.l.bf16.f32 v3  }
0x1ed: {  	v1 =	vadd.f32 v3, v1;
	v2 =	vadd.f32 v6, v2;
	v3 =	vld [tilespmem:s17+$0xFFFFFFC0]  }
0x1ee: {  	v6 =	vunpack.i.u.bf16.f32 v5;
	v5 =	vunpack.i.l.bf16.f32 v5  }
0x1ef: {  	v1 =	vadd.f32 v5, v1;
	v2 =	vadd.f32 v6, v2;
	v5 =	vld [tilespmem:s17+$0xFFFFFFD0]  }
0x1f0: {  	v6 =	vunpack.i.u.bf16.f32 v4;
	v4 =	vunpack.i.l.bf16.f32 v4  }
0x1f1: {  	v1 =	vadd.f32 v4, v1;
	v2 =	vadd.f32 v6, v2;
	v4 =	vld [tilespmem:s17+$0xFFFFFFE0]  }
0x1f2: {  	v6 =	vunpack.i.u.bf16.f32 v3;
	v3 =	vunpack.i.l.bf16.f32 v3  }
0x1f3: {  	v1 =	vadd.f32 v3, v1;
	v2 =	vadd.f32 v6, v2;
	v3 =	vld [tilespmem:s17+$0xFFFFFFF0]  }
0x1f4: {  	v6 =	vunpack.i.u.bf16.f32 v5;
	v5 =	vunpack.i.l.bf16.f32 v5  }
.Ltmp7:
0x1f5: {  	v5 =	vadd.f32 v5, v1;
	v2 =	vadd.f32 v6, v2;
	v1 =	vld [tilespmem:s17+$0x0];
	(pc) =	sbr.rel @p0 .LBB2_15-.Ltmp7, $4  }
0x1f6: {  	v6 =	vunpack.i.u.bf16.f32 v4;
	v4 =	vunpack.i.l.bf16.f32 v4  }
0x1f7: {  	v4 =	vadd.f32 v4, v5;
	v2 =	vadd.f32 v6, v2  }
0x1f8: {  	v5 =	vunpack.i.u.bf16.f32 v3;
	v3 =	vunpack.i.l.bf16.f32 v3  }
0x1f9: {  	v3 =	vadd.f32 v3, v4;
	v2 =	vadd.f32 v5, v2  }
0x1fa: {  	s12 =	sadd.s32 $0x1, s12  }
0x1fb: {  	v4 =	vunpack.i.l.bf16.f32 v1;
	p0 =	sne.s32 s12, $0xC  }
.Ltmp8:
0x1fc: {  	v1 =	vunpack.i.u.bf16.f32 v1;
	s17 =	sand.u32 $0x60, s20;
	s16 =	sadd.s32 s16, s11;
	v3 =	vadd.f32 v4, v3;
	(pc) =	sbr.rel @p0 .LBB2_4-.Ltmp8, $4  }
0x1fd: {  	v1 =	vadd.f32 v1, v2;
	s17 =	sor.u32 s17, s21;
	s16 =	smin.u32 s16, $0xC310  }
0x1fe: {  	s16 =	sshll.u32 s16, $0x2;
	[tilespmem:s17+$0x0] =	vst v3  }
0x1ff: {  	s23 =	simm.s32 $0x9800;
	[tilespmem:s17+$0x10] =	vst v1;
	s16 =	sadd.s32 s2, s16  }
0x200: {  	[hbm4b:s16+s3] =	stream.linear.scatter [tilespmem:s23], [sflag:$0x6], $0x800, $0x38;
	[tilespmem:$0xA000] =	vst v63  }
0x201: {  	_ =	swait.ge [sflag:s13], $0x4000  }
0x202: {  	[sflag:s13] =	ssyncset.done $0x0  }
0x203: {  	s22 =	simm.s32 $0x5;
	[sflag:s13] =	ssyncadd.s32 $0xFFFFC000  }
0x204: {  	_ =	swait.ge [sflag:s22], $0x800  }
0x205: {  	[sflag:s22] =	ssyncset.done $0x0  }
0x206: {  	s12 =	simm.s32 $0x1100;
	[sflag:s22] =	ssyncadd.s32 $0xFFFFF800  }
0x207: {  	v1 =	vld [tilespmem:s12+$0xFFFFFF10]  }
0x208: {  	v2 =	vld [tilespmem:s12+$0xFFFFFF00];
	_ =	sdelay $0x1  }
0x209: {  	v3 =	vld [tilespmem:s12+$0xFFFFFF20];
	_ =	sdelay $0x1  }
0x20a: {  	v4 =	vld [tilespmem:s12+$0xFFFFFF30]  }
0x20b: {  	v5 =	vunpack.i.l.bf16.f32 v1;
	v6 =	vunpack.i.l.bf16.f32 v2  }
0x20c: {  	v46 =	vld [tilespmem:s12+$0xFFFFFF40];
	v2 =	vunpack.i.u.bf16.f32 v2;
	v1 =	vunpack.i.u.bf16.f32 v1;
	v5 =	vadd.f32 v5, v6  }
0x20d: {  	v1 =	vadd.f32 v1, v2;
	v2 =	vunpack.i.l.bf16.f32 v3  }
0x20e: {  	v3 =	vunpack.i.u.bf16.f32 v3;
	v2 =	vadd.f32 v2, v5;
	v5 =	vld [tilespmem:s12+$0xFFFFFF50]  }
0x20f: {  	v1 =	vadd.f32 v3, v1;
	v3 =	vunpack.i.l.bf16.f32 v4  }
0x210: {  	v4 =	vunpack.i.u.bf16.f32 v4;
	v2 =	vadd.f32 v3, v2;
	v3 =	vld [tilespmem:s12+$0xFFFFFF60]  }
0x211: {  	v1 =	vadd.f32 v4, v1;
	v4 =	vunpack.i.l.bf16.f32 v46  }
0x212: {  	v6 =	vunpack.i.u.bf16.f32 v46;
	v2 =	vadd.f32 v4, v2;
	v4 =	vld [tilespmem:s12+$0xFFFFFF70]  }
0x213: {  	v1 =	vadd.f32 v6, v1;
	v47 =	vunpack.i.l.bf16.f32 v5  }
0x214: {  	v48 =	vld [tilespmem:s12+$0xFFFFFF80];
	v5 =	vunpack.i.u.bf16.f32 v5;
	v2 =	vadd.f32 v47, v2  }
0x215: {  	v1 =	vadd.f32 v5, v1;
	v5 =	vunpack.i.l.bf16.f32 v3  }
0x216: {  	v3 =	vunpack.i.u.bf16.f32 v3;
	v2 =	vadd.f32 v5, v2;
	v5 =	vld [tilespmem:s12+$0xFFFFFF90]  }
0x217: {  	v1 =	vadd.f32 v3, v1;
	v3 =	vunpack.i.l.bf16.f32 v4  }
0x218: {  	v4 =	vunpack.i.u.bf16.f32 v4;
	v2 =	vadd.f32 v3, v2;
	v3 =	vld [tilespmem:s12+$0xFFFFFFA0]  }
0x219: {  	v1 =	vadd.f32 v4, v1;
	v4 =	vunpack.i.l.bf16.f32 v48  }
0x21a: {  	v6 =	vunpack.i.u.bf16.f32 v48;
	v2 =	vadd.f32 v4, v2;
	v4 =	vld [tilespmem:s12+$0xFFFFFFB0]  }
0x21b: {  	v1 =	vadd.f32 v6, v1;
	v49 =	vunpack.i.l.bf16.f32 v5  }
0x21c: {  	v50 =	vld [tilespmem:s12+$0xFFFFFFC0];
	v5 =	vunpack.i.u.bf16.f32 v5;
	v2 =	vadd.f32 v49, v2  }
0x21d: {  	v1 =	vadd.f32 v5, v1;
	v5 =	vunpack.i.l.bf16.f32 v3  }
0x21e: {  	v3 =	vunpack.i.u.bf16.f32 v3;
	v2 =	vadd.f32 v5, v2;
	v5 =	vld [tilespmem:s12+$0xFFFFFFD0]  }
0x21f: {  	v1 =	vadd.f32 v3, v1;
	v3 =	vunpack.i.l.bf16.f32 v4  }
0x220: {  	v4 =	vunpack.i.u.bf16.f32 v4;
	v2 =	vadd.f32 v3, v2;
	v3 =	vld [tilespmem:s12+$0xFFFFFFE0]  }
0x221: {  	v1 =	vadd.f32 v4, v1;
	v4 =	vunpack.i.l.bf16.f32 v50  }
0x222: {  	v6 =	vunpack.i.u.bf16.f32 v50;
	v2 =	vadd.f32 v4, v2;
	v4 =	vld [tilespmem:s12+$0xFFFFFFF0]  }
0x223: {  	v1 =	vadd.f32 v6, v1;
	v51 =	vunpack.i.l.bf16.f32 v5  }
0x224: {  	v5 =	vunpack.i.u.bf16.f32 v5;
	v2 =	vadd.f32 v51, v2  }
0x225: {  	v1 =	vadd.f32 v5, v1;
	v5 =	vunpack.i.l.bf16.f32 v3  }
0x226: {  	s16 =	simm.s32 $0x0;
	v3 =	vunpack.i.u.bf16.f32 v3;
	v2 =	vadd.f32 v5, v2  }
0x227: {  	s17 =	sand.u32 $0x780, s16;
	v1 =	vadd.f32 v3, v1;
	v3 =	vunpack.i.l.bf16.f32 v4  }
0x228: {  	s16 =	sand.u32 $0x40, s16;
	s19 =	sor.u32 $0x9000, s17;
	v4 =	vunpack.i.u.bf16.f32 v4;
	v2 =	vadd.f32 v3, v2  }
0x229: {  	s16 =	sor.u32 s16, s19;
	v1 =	vadd.f32 v4, v1  }
0x22a: {  	[tilespmem:s16+$0x0] =	vst v2  }
0x22b: {  	[tilespmem:s16+$0x10] =	vst v1  }
0x22c: {  	v1 =	vld [tilespmem:s12+$0x0]  }
0x22d: {  	v2 =	vld [tilespmem:s12+$0x10];
	_ =	sdelay $0x1  }
0x22e: {  	v3 =	vld [tilespmem:s12+$0x20];
	_ =	sdelay $0x1  }
0x22f: {  	v5 =	vld [tilespmem:s12+$0x30];
	v4 =	vunpack.i.u.bf16.f32 v1  }
0x230: {  	v1 =	vunpack.i.l.bf16.f32 v1;
	v52 =	vunpack.i.u.bf16.f32 v2;
	v2 =	vunpack.i.l.bf16.f32 v2  }
0x231: {  	v1 =	vadd.f32 v2, v1;
	v2 =	vadd.f32 v52, v4;
	v4 =	vld [tilespmem:s12+$0x40]  }
0x232: {  	v53 =	vunpack.i.u.bf16.f32 v3;
	v3 =	vunpack.i.l.bf16.f32 v3  }
0x233: {  	v1 =	vadd.f32 v3, v1;
	v3 =	vld [tilespmem:s12+$0x50]  }
0x234: {  	v54 =	vunpack.i.u.bf16.f32 v5;
	v5 =	vunpack.i.l.bf16.f32 v5  }
0x235: {  	v2 =	vadd.f32 v53, v2;
	v1 =	vadd.f32 v5, v1;
	v5 =	vld [tilespmem:s12+$0x60]  }
0x236: {  	v55 =	vunpack.i.u.bf16.f32 v4;
	v4 =	vunpack.i.l.bf16.f32 v4  }
0x237: {  	v2 =	vadd.f32 v54, v2;
	v1 =	vadd.f32 v4, v1;
	v4 =	vld [tilespmem:s12+$0x70]  }
0x238: {  	v56 =	vunpack.i.u.bf16.f32 v3;
	v3 =	vunpack.i.l.bf16.f32 v3  }
0x239: {  	v2 =	vadd.f32 v55, v2;
	v1 =	vadd.f32 v3, v1;
	v3 =	vld [tilespmem:s12+$0x80]  }
0x23a: {  	v57 =	vunpack.i.u.bf16.f32 v5;
	v5 =	vunpack.i.l.bf16.f32 v5  }
0x23b: {  	v2 =	vadd.f32 v56, v2;
	v1 =	vadd.f32 v5, v1;
	v5 =	vld [tilespmem:s12+$0x90]  }
0x23c: {  	v58 =	vunpack.i.u.bf16.f32 v4;
	v4 =	vunpack.i.l.bf16.f32 v4  }
0x23d: {  	v2 =	vadd.f32 v57, v2;
	v1 =	vadd.f32 v4, v1;
	v4 =	vld [tilespmem:s12+$0xA0]  }
0x23e: {  	v59 =	vunpack.i.u.bf16.f32 v3;
	v3 =	vunpack.i.l.bf16.f32 v3  }
0x23f: {  	v2 =	vadd.f32 v58, v2;
	v1 =	vadd.f32 v3, v1;
	v3 =	vld [tilespmem:s12+$0xB0]  }
0x240: {  	v60 =	vunpack.i.u.bf16.f32 v5;
	v5 =	vunpack.i.l.bf16.f32 v5  }
0x241: {  	v2 =	vadd.f32 v59, v2;
	v1 =	vadd.f32 v5, v1;
	v5 =	vld [tilespmem:s12+$0xC0]  }
0x242: {  	v61 =	vunpack.i.u.bf16.f32 v4;
	v4 =	vunpack.i.l.bf16.f32 v4  }
0x243: {  	v2 =	vadd.f32 v60, v2;
	v1 =	vadd.f32 v4, v1;
	v4 =	vld [tilespmem:s12+$0xD0]  }
0x244: {  	v62 =	vunpack.i.u.bf16.f32 v3;
	v3 =	vunpack.i.l.bf16.f32 v3  }
0x245: {  	v2 =	vadd.f32 v61, v2;
	v1 =	vadd.f32 v3, v1  }
0x246: {  	v63 =	vunpack.i.u.bf16.f32 v5;
	v5 =	vunpack.i.l.bf16.f32 v5  }
0x247: {  	v2 =	vadd.f32 v62, v2;
	v3 =	vld [tilespmem:s12+$0xE0];
	v1 =	vadd.f32 v5, v1  }
0x248: {  	v5 =	vunpack.i.u.bf16.f32 v4;
	v4 =	vunpack.i.l.bf16.f32 v4  }
0x249: {  	v2 =	vadd.f32 v63, v2;
	v4 =	vadd.f32 v4, v1;
	v1 =	vld [tilespmem:s12+$0xF0];
	_ =	sdelay $0x1  }
0x24a: {  	v2 =	vadd.f32 v5, v2  }
0x24b: {  	v5 =	vunpack.i.u.bf16.f32 v3;
	v3 =	vunpack.i.l.bf16.f32 v3  }
0x24c: {  	s18 =	simm.s32 $0x20;
	s17 =	simm.s32 $0x0;
	s16 =	simm.s32 $0x20;
	v3 =	vadd.f32 v3, v4;
	v2 =	vadd.f32 v5, v2  }
.LBB2_18:
0x24d: {  	s17 =	sadd.s32 $0x2, s17;
	v4 =	vunpack.i.u.bf16.f32 v1;
	v1 =	vunpack.i.l.bf16.f32 v1;
	s16 =	sadd.s32 $0x40, s16;
	s12 =	sadd.s32 $0x200, s12  }
0x24e: {  	s20 =	sand.u32 $0x60, s18;
	p0 =	slt.u32 s17, $0x3E;
	v1 =	vadd.f32 v1, v3;
	v2 =	vadd.f32 v4, v2;
	s18 =	smov.u32 s16  }
0x24f: {  	s19 =	sor.u32 s20, s19  }
0x250: {  	[tilespmem:s19+$0x0] =	vst v1  }
0x251: {  	[tilespmem:s19+$0x10] =	vst v2  }
0x252: {  	v1 =	vld [tilespmem:s12+$0xFFFFFF10]  }
0x253: {  	v2 =	vld [tilespmem:s12+$0xFFFFFF00]  }
0x254: {  	v3 =	vld [tilespmem:s12+$0xFFFFFF20];
	_ =	sdelay $0x2  }
0x255: {  	v4 =	vunpack.i.l.bf16.f32 v1;
	v5 =	vld [tilespmem:s12+$0xFFFFFF30]  }
0x256: {  	v1 =	vunpack.i.u.bf16.f32 v1;
	v6 =	vunpack.i.u.bf16.f32 v2;
	v2 =	vunpack.i.l.bf16.f32 v2  }
0x257: {  	v2 =	vadd.f32 v4, v2;
	v1 =	vadd.f32 v1, v6;
	v4 =	vld [tilespmem:s12+$0xFFFFFF40]  }
0x258: {  	v6 =	vunpack.i.u.bf16.f32 v3;
	v3 =	vunpack.i.l.bf16.f32 v3  }
0x259: {  	v2 =	vadd.f32 v3, v2;
	v1 =	vadd.f32 v6, v1;
	v3 =	vld [tilespmem:s12+$0xFFFFFF50]  }
0x25a: {  	v6 =	vunpack.i.u.bf16.f32 v5;
	v5 =	vunpack.i.l.bf16.f32 v5  }
0x25b: {  	v2 =	vadd.f32 v5, v2;
	v1 =	vadd.f32 v6, v1;
	v5 =	vld [tilespmem:s12+$0xFFFFFF60]  }
0x25c: {  	v6 =	vunpack.i.u.bf16.f32 v4;
	v4 =	vunpack.i.l.bf16.f32 v4  }
0x25d: {  	v2 =	vadd.f32 v4, v2;
	v1 =	vadd.f32 v6, v1;
	v4 =	vld [tilespmem:s12+$0xFFFFFF70]  }
0x25e: {  	v6 =	vunpack.i.u.bf16.f32 v3;
	v3 =	vunpack.i.l.bf16.f32 v3  }
0x25f: {  	v2 =	vadd.f32 v3, v2;
	v1 =	vadd.f32 v6, v1;
	v3 =	vld [tilespmem:s12+$0xFFFFFF80]  }
0x260: {  	v6 =	vunpack.i.u.bf16.f32 v5;
	v5 =	vunpack.i.l.bf16.f32 v5  }
0x261: {  	v2 =	vadd.f32 v5, v2;
	v1 =	vadd.f32 v6, v1;
	v5 =	vld [tilespmem:s12+$0xFFFFFF90]  }
0x262: {  	v6 =	vunpack.i.u.bf16.f32 v4;
	v4 =	vunpack.i.l.bf16.f32 v4  }
0x263: {  	v2 =	vadd.f32 v4, v2;
	v1 =	vadd.f32 v6, v1;
	v4 =	vld [tilespmem:s12+$0xFFFFFFA0]  }
0x264: {  	v6 =	vunpack.i.u.bf16.f32 v3;
	v3 =	vunpack.i.l.bf16.f32 v3  }
0x265: {  	v2 =	vadd.f32 v3, v2;
	v1 =	vadd.f32 v6, v1;
	v3 =	vld [tilespmem:s12+$0xFFFFFFB0]  }
0x266: {  	v6 =	vunpack.i.u.bf16.f32 v5;
	v5 =	vunpack.i.l.bf16.f32 v5  }
0x267: {  	v2 =	vadd.f32 v5, v2;
	v1 =	vadd.f32 v6, v1;
	v5 =	vld [tilespmem:s12+$0xFFFFFFC0]  }
0x268: {  	v6 =	vunpack.i.u.bf16.f32 v4;
	v4 =	vunpack.i.l.bf16.f32 v4  }
0x269: {  	v2 =	vadd.f32 v4, v2;
	v1 =	vadd.f32 v6, v1;
	v4 =	vld [tilespmem:s12+$0xFFFFFFD0]  }
0x26a: {  	v6 =	vunpack.i.u.bf16.f32 v3;
	v3 =	vunpack.i.l.bf16.f32 v3  }
0x26b: {  	v2 =	vadd.f32 v3, v2;
	v1 =	vadd.f32 v6, v1;
	v3 =	vld [tilespmem:s12+$0xFFFFFFE0]  }
0x26c: {  	v6 =	vunpack.i.u.bf16.f32 v5;
	v5 =	vunpack.i.l.bf16.f32 v5  }
0x26d: {  	v2 =	vadd.f32 v5, v2;
	v1 =	vadd.f32 v6, v1;
	v5 =	vld [tilespmem:s12+$0xFFFFFFF0]  }
0x26e: {  	v6 =	vunpack.i.u.bf16.f32 v4;
	v4 =	vunpack.i.l.bf16.f32 v4  }
0x26f: {  	v2 =	vadd.f32 v4, v2;
	v1 =	vadd.f32 v6, v1  }
0x270: {  	v4 =	vunpack.i.u.bf16.f32 v3;
	v3 =	vunpack.i.l.bf16.f32 v3  }
0x271: {  	s19 =	sadd.s32 $0xFFFFFFE0, s16;
	v2 =	vadd.f32 v3, v2;
	v1 =	vadd.f32 v4, v1  }
0x272: {  	s20 =	sand.u32 $0x780, s19;
	v3 =	vunpack.i.u.bf16.f32 v5;
	v4 =	vunpack.i.l.bf16.f32 v5  }
0x273: {  	s21 =	sand.u32 $0x40, s19;
	s19 =	sor.u32 $0x9000, s20;
	v2 =	vadd.f32 v4, v2;
	v1 =	vadd.f32 v3, v1  }
0x274: {  	s20 =	sor.u32 s21, s19  }
0x275: {  	[tilespmem:s20+$0x0] =	vst v2  }
0x276: {  	[tilespmem:s20+$0x10] =	vst v1  }
0x277: {  	v1 =	vld [tilespmem:s12+$0x0]  }
0x278: {  	v2 =	vld [tilespmem:s12+$0x10];
	_ =	sdelay $0x1  }
0x279: {  	v3 =	vld [tilespmem:s12+$0x20];
	_ =	sdelay $0x1  }
0x27a: {  	v4 =	vunpack.i.u.bf16.f32 v1;
	v1 =	vunpack.i.l.bf16.f32 v1;
	v5 =	vld [tilespmem:s12+$0x30]  }
0x27b: {  	v6 =	vunpack.i.u.bf16.f32 v2;
	v2 =	vunpack.i.l.bf16.f32 v2  }
0x27c: {  	v1 =	vadd.f32 v2, v1;
	v2 =	vadd.f32 v6, v4;
	v4 =	vld [tilespmem:s12+$0x40]  }
0x27d: {  	v6 =	vunpack.i.u.bf16.f32 v3;
	v3 =	vunpack.i.l.bf16.f32 v3  }
0x27e: {  	v1 =	vadd.f32 v3, v1;
	v2 =	vadd.f32 v6, v2;
	v3 =	vld [tilespmem:s12+$0x50]  }
0x27f: {  	v6 =	vunpack.i.u.bf16.f32 v5;
	v5 =	vunpack.i.l.bf16.f32 v5  }
0x280: {  	v1 =	vadd.f32 v5, v1;
	v2 =	vadd.f32 v6, v2;
	v5 =	vld [tilespmem:s12+$0x60]  }
0x281: {  	v6 =	vunpack.i.u.bf16.f32 v4;
	v4 =	vunpack.i.l.bf16.f32 v4  }
0x282: {  	v1 =	vadd.f32 v4, v1;
	v2 =	vadd.f32 v6, v2;
	v4 =	vld [tilespmem:s12+$0x70]  }
0x283: {  	v6 =	vunpack.i.u.bf16.f32 v3;
	v3 =	vunpack.i.l.bf16.f32 v3  }
0x284: {  	v1 =	vadd.f32 v3, v1;
	v2 =	vadd.f32 v6, v2;
	v3 =	vld [tilespmem:s12+$0x80]  }
0x285: {  	v6 =	vunpack.i.u.bf16.f32 v5;
	v5 =	vunpack.i.l.bf16.f32 v5  }
0x286: {  	v1 =	vadd.f32 v5, v1;
	v2 =	vadd.f32 v6, v2;
	v5 =	vld [tilespmem:s12+$0x90]  }
0x287: {  	v6 =	vunpack.i.u.bf16.f32 v4;
	v4 =	vunpack.i.l.bf16.f32 v4  }
0x288: {  	v1 =	vadd.f32 v4, v1;
	v2 =	vadd.f32 v6, v2;
	v4 =	vld [tilespmem:s12+$0xA0]  }
0x289: {  	v6 =	vunpack.i.u.bf16.f32 v3;
	v3 =	vunpack.i.l.bf16.f32 v3  }
0x28a: {  	v1 =	vadd.f32 v3, v1;
	v2 =	vadd.f32 v6, v2;
	v3 =	vld [tilespmem:s12+$0xB0]  }
0x28b: {  	v6 =	vunpack.i.u.bf16.f32 v5;
	v5 =	vunpack.i.l.bf16.f32 v5  }
0x28c: {  	v1 =	vadd.f32 v5, v1;
	v2 =	vadd.f32 v6, v2;
	v5 =	vld [tilespmem:s12+$0xC0]  }
0x28d: {  	v6 =	vunpack.i.u.bf16.f32 v4;
	v4 =	vunpack.i.l.bf16.f32 v4  }
0x28e: {  	v1 =	vadd.f32 v4, v1;
	v2 =	vadd.f32 v6, v2;
	v4 =	vld [tilespmem:s12+$0xD0]  }
0x28f: {  	v6 =	vunpack.i.u.bf16.f32 v3;
	v3 =	vunpack.i.l.bf16.f32 v3  }
0x290: {  	v1 =	vadd.f32 v3, v1;
	v2 =	vadd.f32 v6, v2;
	v3 =	vld [tilespmem:s12+$0xE0]  }
0x291: {  	v6 =	vunpack.i.u.bf16.f32 v5;
	v5 =	vunpack.i.l.bf16.f32 v5  }
.Ltmp9:
0x292: {  	v5 =	vadd.f32 v5, v1;
	v2 =	vadd.f32 v6, v2;
	v1 =	vld [tilespmem:s12+$0xF0];
	(pc) =	sbr.rel @p0 .LBB2_18-.Ltmp9, $4  }
0x293: {  	v6 =	vunpack.i.u.bf16.f32 v4;
	v4 =	vunpack.i.l.bf16.f32 v4  }
0x294: {  	v4 =	vadd.f32 v4, v5;
	v2 =	vadd.f32 v6, v2  }
0x295: {  	v5 =	vunpack.i.u.bf16.f32 v3;
	v3 =	vunpack.i.l.bf16.f32 v3  }
0x296: {  	v3 =	vadd.f32 v3, v4;
	v2 =	vadd.f32 v5, v2  }
0x297: {  	v4 =	vunpack.i.l.bf16.f32 v1  }
0x298: {  	v1 =	vunpack.i.u.bf16.f32 v1;
	s12 =	sand.u32 $0x60, s18;
	v3 =	vadd.f32 v4, v3  }
0x299: {  	v1 =	vadd.f32 v1, v2;
	s12 =	sor.u32 s12, s19  }
0x29a: {  	[tilespmem:s12+$0x0] =	vst v3  }
0x29b: {  	s21 =	rddreg [dreg:$0x6];
	[tilespmem:s12+$0x10] =	vst v1  }
0x29c: {  	[hbm4b:s21+s3] =	stream.linear.scatter [tilespmem:s7], [sflag:$0x5], $0x800, $0x38;
	[tilespmem:$0xA000] =	vst v63  }
0x29d: {  	_ =	swait.ge [sflag:s22], $0x800  }
0x29e: {  	[sflag:s22] =	ssyncset.done $0x0  }
0x29f: {  	[sflag:s22] =	ssyncadd.s32 $0xFFFFF800  }
0x2a0: {  	_ =	swait.ge [sflag:s10], $0x800  }
0x2a1: {  	s16 =	rddreg [dreg:$0x8]  }
0x2a2: {  	s23 =	rddreg [dreg:$0x7];
	s16 =	sadd.s32 $0x1, s16  }
0x2a3: {  	p0 =	sne.s32 s16, s23  }
.Ltmp10:
0x2a4: {  	_ = 	snop;
	(pc) =	sbr.rel @p0 .LBB2_1-.Ltmp10, $3  }
0x2a5: {  	_ =	sdelay $0x1  }
0x2a6: {  	[sflag:s10] =	ssyncset.done $0x0  }
0x2a7: {  	[sflag:s10] =	ssyncadd.s32 $0xFFFFF800  }
0x2a8: {  	_ =	sfence.sel $0x180000  }
0x2a9: {  	[bflag:$0x0] =	sbarrier.arrive $0xFFFF  }
0x2aa: {  	_ =	strace $0x90000047  }
0x2ab: {  	s0 =	stileid.u32;
	[bflag:$0x2] =	sbarrier.arrive $0xFFFF  }
0x2ac: {  	p0 =	sne.s32 s0, $0x0;
	s0 =	rddreg [dreg:$0x2]  }
0x2ad: {  	s0 =	sadd.s32 @!p0 $0x100000, s0  }
0x2ae: {  	[sflag:s0] =	ssyncadd.tile.s32 @!p0 $0x1;
	_ =	shalt  }
.Lfunc_end2:
_tile_overlayer_lowered:
.L_overlay_start_2:
0x2af: {  	(tag) =	ssettag $0x2  }
0x2b0: {  	s0 =	rddreg [dreg:$0x0];
	s2 =	stileid.u32  }
0x2b1: {  	s1 =	rddreg [dreg:$0x1];
	p0 =	sne.s32 s2, $0x0  }
0x2b2: {  	s3 =	rddreg [dreg:$0x2];
	[bflag:$0x3] =	sbarrier.arrive $0xFFFF;
	s2 =	simm.s32 @!p0 $0x1C07  }
0x2b3: {  	[timem:s3], [sflag:s2] =	dma.local @!p0 [hbm:s0], s1  }
0x2b4: {  	s0 =	simm.s32 @!p0 $0x7  }
0x2b5: {  	_ =	swait.ge @!p0 [sflag:s0], s1  }
0x2b6: {  	s1 =	ssub.s32 @!p0 $0x0, s1;
	[sflag:s0] =	ssyncset.done @!p0 $0x0  }
0x2b7: {  	[sflag:s0] =	ssyncadd.s32 @!p0 s1  }
0x2b8: {  	[bflag:$0x3] =	sbarrier.arrive $0xFFFF  }
0x2b9: {  	_ =	shalt  }

</sc_bundles>
